<compile_context>
chip_gen: v7x
topology: tpu7x:2x2x1
jax: 0.10.2.dev20260603
libtpu: 0.0.44.dev20260713+nightly
codegen_flags: <defaults>
</compile_context>

<pallas_src>
import functools

import jax
import jax.numpy as jnp
from jax import lax
from jax.experimental import pallas as pl
from jax.experimental.pallas import tpu as pltpu
from jax.experimental.pallas import tpu_sc as plsc

_N = 1024
_NC, _NS, _L = 2, 16, 16
_NW = _NC * _NS
_SC_ROWS = 128
_SC_RPW = _SC_ROWS // _NW
_UNROLL = 8
_NBUF = 4
_CHUNKS = _N // _L


def _tc_kernel(emb_ref, lab_row_ref, lab_col_ref,
               pos_slab_ref, neg_slab_ref, pd_ref, nd_ref, pi_ref, ni_ref):
    n = emb_ref.shape[0]
    emb = emb_ref[...]
    sq = jnp.sum(emb * emb, axis=1, keepdims=True)
    en = emb * jax.lax.rsqrt(jnp.maximum(sq, 1e-30))
    g = jax.lax.dot_general(en, en, (((1,), (1,)), ((), ())),
                            preferred_element_type=jnp.float32,
                            precision=jax.lax.Precision.HIGHEST)
    dist = 1.0 - g

    lab_r = lab_row_ref[...]
    lab_c = lab_col_ref[...]
    row_ids = jax.lax.broadcasted_iota(jnp.int32, (n, n), 0)
    col_ids = jax.lax.broadcasted_iota(jnp.int32, (n, n), 1)
    same = lab_r == lab_c
    inf = jnp.float32(jnp.inf)
    pos_vals = jnp.where(same & (row_ids != col_ids), dist, -inf)
    neg_vals = jnp.where(same, inf, dist)

    pos_slab_ref[...] = pos_vals[:_SC_ROWS, :]
    neg_slab_ref[...] = neg_vals[:_SC_ROWS, :]

    pos_t = pos_vals[:, _SC_ROWS:]
    neg_t = neg_vals[:, _SC_ROWS:]
    rid_t = row_ids[:, _SC_ROWS:]
    pm = jnp.max(pos_t, axis=0, keepdims=True)
    pi = jnp.min(jnp.where(pos_t == pm, rid_t, n), axis=0, keepdims=True)
    nm = jnp.min(neg_t, axis=0, keepdims=True)
    ni = jnp.min(jnp.where(neg_t == nm, rid_t, n), axis=0, keepdims=True)
    pd_ref[...] = pm
    nd_ref[...] = nm
    pi_ref[...] = pi
    ni_ref[...] = ni


def _sc_reduce_body(pos_hbm, neg_hbm, pos_d_hbm, neg_d_hbm,
                    pos_i_hbm, neg_i_hbm,
                    pb0, nb0, pb1, nb1, pb2, nb2, pb3, nb3,
                    spd, snd, spi, sni, sem0, sem1, sem2, sem3):
    c = lax.axis_index("c")
    s = lax.axis_index("s")
    wid = s * _NC + c
    base = wid * _SC_RPW
    inf = jnp.float32(jnp.inf)
    big = jnp.float32(_N)
    lane = lax.broadcasted_iota(jnp.int32, (_L,), 0)
    lane_f = lane.astype(jnp.float32)

    pbufs, nbufs = (pb0, pb1, pb2, pb3), (nb0, nb1, nb2, nb3)
    sems = (sem0, sem1, sem2, sem3)

    def issue(r_local, b):
        return (pltpu.async_copy(pos_hbm.at[base + r_local], pbufs[b], sems[b]),
                pltpu.async_copy(neg_hbm.at[base + r_local], nbufs[b], sems[b]))

    handles = [None] * _SC_RPW
    for r0 in range(min(_NBUF, _SC_RPW)):
        handles[r0] = issue(r0, r0)

    apd = jnp.zeros((_L,), jnp.float32)
    api = jnp.zeros((_L,), jnp.float32)
    and_ = jnp.zeros((_L,), jnp.float32)
    ani = jnp.zeros((_L,), jnp.float32)
    for r_local in range(_SC_RPW):
        b = r_local % _NBUF
        ha, hb = handles[r_local]
        ha.wait()
        hb.wait()
        pbuf, nbuf = pbufs[b], nbufs[b]

        def step(jj, accs, pbuf=pbuf, nbuf=nbuf):
            out = []
            for u in range(_UNROLL):
                bpv, bpi, bnv, bni = accs[u]
                ch = jj * _UNROLL + u
                colf = (ch * _L).astype(jnp.float32) + lane_f
                pv = pbuf[pl.ds(ch * _L, _L)]
                nv = nbuf[pl.ds(ch * _L, _L)]
                bpi = jnp.where(pv > bpv, colf, bpi)
                bpv = jnp.maximum(bpv, pv)
                bni = jnp.where(nv < bnv, colf, bni)
                bnv = jnp.minimum(bnv, nv)
                out.append((bpv, bpi, bnv, bni))
            return tuple(out)

        init1 = (jnp.full((_L,), -inf), jnp.zeros((_L,), jnp.float32),
                 jnp.full((_L,), inf), jnp.zeros((_L,), jnp.float32))
        accs = lax.fori_loop(0, _CHUNKS // _UNROLL, step, (init1,) * _UNROLL)

        if r_local + _NBUF < _SC_RPW:
            handles[r_local + _NBUF] = issue(r_local + _NBUF, b)

        bv_p = accs[0][0]
        bv_n = accs[0][2]
        for u in range(1, _UNROLL):
            bv_p = jnp.maximum(bv_p, accs[u][0])
            bv_n = jnp.minimum(bv_n, accs[u][2])
        bi_p = jnp.full((_L,), big)
        bi_n = jnp.full((_L,), big)
        for u in range(_UNROLL):
            bi_p = jnp.minimum(bi_p, jnp.where(accs[u][0] == bv_p,
                                               accs[u][1], big))
            bi_n = jnp.minimum(bi_n, jnp.where(accs[u][2] == bv_n,
                                               accs[u][3], big))
        bi_p = jnp.where(bv_p == -inf, 0.0, bi_p)
        bi_n = jnp.where(bv_n == inf, 0.0, bi_n)

        pm = jnp.max(bv_p)
        pi = jnp.min(jnp.where(bv_p == pm, bi_p, big))
        nm = jnp.min(bv_n)
        ni = jnp.min(jnp.where(bv_n == nm, bi_n, big))

        in_lane = lane == r_local
        apd = jnp.where(in_lane, pm, apd)
        api = jnp.where(in_lane, pi, api)
        and_ = jnp.where(in_lane, nm, and_)
        ani = jnp.where(in_lane, ni, ani)

    spd[...] = apd
    spi[...] = api
    snd[...] = and_
    sni[...] = ani
    pltpu.sync_copy(spd, pos_d_hbm.at[wid])
    pltpu.sync_copy(snd, neg_d_hbm.at[wid])
    pltpu.sync_copy(spi, pos_i_hbm.at[wid])
    pltpu.sync_copy(sni, neg_i_hbm.at[wid])


def kernel(embeddings, labels):
    n, d = embeddings.shape
    lab_col = labels.reshape(1, n)
    lab_row = labels.reshape(n, 1)
    nt = n - _SC_ROWS

    pos_slab, neg_slab, tc_pd, tc_nd, tc_pi, tc_ni = pl.pallas_call(
        _tc_kernel,
        out_shape=(
            jax.ShapeDtypeStruct((_SC_ROWS, n), jnp.float32),
            jax.ShapeDtypeStruct((_SC_ROWS, n), jnp.float32),
            jax.ShapeDtypeStruct((1, nt), jnp.float32),
            jax.ShapeDtypeStruct((1, nt), jnp.float32),
            jax.ShapeDtypeStruct((1, nt), jnp.int32),
            jax.ShapeDtypeStruct((1, nt), jnp.int32),
        ),
    )(embeddings, lab_row, lab_col)

    sc_reduce = functools.partial(
        pl.kernel,
        out_type=tuple(jax.ShapeDtypeStruct((_NW, _L), jnp.float32)
                       for _ in range(4)),
        mesh=plsc.VectorSubcoreMesh(core_axis_name="c", subcore_axis_name="s"),
        scratch_types=(
            [pltpu.VMEM((_N,), jnp.float32) for _ in range(2 * _NBUF)]
            + [pltpu.VMEM((_L,), jnp.float32) for _ in range(4)]
            + [pltpu.SemaphoreType.DMA for _ in range(_NBUF)]
        ),
        compiler_params=pltpu.CompilerParams(needs_layout_passes=False),
    )(_sc_reduce_body)

    sc_pd, sc_nd, sc_pif, sc_nif = sc_reduce(pos_slab, neg_slab)

    k = _SC_RPW
    pos_d = jnp.concatenate([sc_pd[:, :k].reshape(-1), tc_pd[0]])
    neg_d = jnp.concatenate([sc_nd[:, :k].reshape(-1), tc_nd[0]])
    pos_i = jnp.concatenate([sc_pif[:, :k].reshape(-1).astype(jnp.int32),
                             tc_pi[0]])
    neg_i = jnp.concatenate([sc_nif[:, :k].reshape(-1).astype(jnp.int32),
                             tc_ni[0]])

    anchors = jnp.arange(n, dtype=jnp.int32)
    triplets = jnp.column_stack((anchors, pos_i, neg_i))
    return (triplets, pos_d, neg_d)

# --- scband reference (transcript-rebuilt; emitter-appended) ---
"""Pipeline reference for scband-miner-45835890982944 (READ-ONLY COPY).

The authoritative reference and input builder live on the scoring server;
editing this copy changes nothing except your own understanding.
"""

import jax, jax.numpy as jnp
import numpy as np

N = 1024
D = 128
NUM_CLASSES = 128


def _cosine_dist_matrix(embeddings):
    n = embeddings.shape[0]
    inds = jnp.arange(n)
    i, j = jnp.meshgrid(inds, inds, indexing='ij')
    all_pairs = jnp.column_stack((i.reshape(-1), j.reshape(-1)))
    a = embeddings[all_pairs[:, 0]]
    b = embeddings[all_pairs[:, 1]]
    dot = jnp.sum(a * b, axis=1)
    denom = jnp.maximum(jnp.linalg.norm(a, axis=1) * jnp.linalg.norm(b, axis=1), 1e-8)
    distances = 1.0 - dot / denom
    return distances.reshape(n, n)


def setup_inputs(seed: int = 0) -> dict:
    key = jax.random.key(seed)
    k1, k2 = jax.random.split(key)
    embeddings = jax.random.normal(k1, (N, D), dtype=jnp.float32)
    labels = jax.random.randint(k2, (N,), 0, NUM_CLASSES, dtype=jnp.int32)
    return {"embeddings": embeddings, "labels": labels}


def reference(embeddings, labels):
    # Miner(mode='hardest', use_cosine_dist=True) forward
    n = embeddings.shape[0]
    dist_mat = _cosine_dist_matrix(embeddings)
    pos_mask = labels.reshape(-1, 1) == labels
    neg_mask = ~pos_mask
    idx = jnp.arange(n)
    pos_vals = jnp.where(pos_mask, dist_mat, -jnp.inf)
    pos_vals = pos_vals.at[idx, idx].set(-jnp.inf)  # fill_diagonal_(-inf)
    hardest_pos_dist = jnp.max(pos_vals, axis=1)
    hardest_pos_inds = jnp.argmax(pos_vals, axis=1)
    neg_vals = jnp.where(neg_mask, dist_mat, jnp.inf)
    hardest_neg_dist = jnp.min(neg_vals, axis=1)
    hardest_neg_inds = jnp.argmin(neg_vals, axis=1)
    anchors = idx
    hardest_triplets = jnp.column_stack((anchors, hardest_pos_inds, hardest_neg_inds))
    return (hardest_triplets, hardest_pos_dist, hardest_neg_dist)

if __name__ == "__main__":
    import jax
    _d = setup_inputs()
    print(jax.jit(kernel)(*tuple(_d.values())))

</pallas_src>

<mosaic_0001>
#map = affine_map<(d0, d1) -> (0, 0)>
module attributes {stable_mosaic.version = 14 : i64} {
  func.func @_sc_reduce_body(%arg0: i32, %arg1: i32, %arg2: memref<128x1024xf32, #tpu.memory_space<hbm>>, %arg3: memref<128x1024xf32, #tpu.memory_space<hbm>>, %arg4: memref<32x16xf32, #tpu.memory_space<hbm>>, %arg5: memref<32x16xf32, #tpu.memory_space<hbm>>, %arg6: memref<32x16xf32, #tpu.memory_space<hbm>>, %arg7: memref<32x16xf32, #tpu.memory_space<hbm>>, %arg8: memref<1024xf32, #tpu.memory_space<vmem>>, %arg9: memref<1024xf32, #tpu.memory_space<vmem>>, %arg10: memref<1024xf32, #tpu.memory_space<vmem>>, %arg11: memref<1024xf32, #tpu.memory_space<vmem>>, %arg12: memref<1024xf32, #tpu.memory_space<vmem>>, %arg13: memref<1024xf32, #tpu.memory_space<vmem>>, %arg14: memref<1024xf32, #tpu.memory_space<vmem>>, %arg15: memref<1024xf32, #tpu.memory_space<vmem>>, %arg16: memref<16xf32, #tpu.memory_space<vmem>>, %arg17: memref<16xf32, #tpu.memory_space<vmem>>, %arg18: memref<16xf32, #tpu.memory_space<vmem>>, %arg19: memref<16xf32, #tpu.memory_space<vmem>>, %arg20: memref<!tpu.dma_semaphore, #tpu.memory_space<semaphore_mem>>, %arg21: memref<!tpu.dma_semaphore, #tpu.memory_space<semaphore_mem>>, %arg22: memref<!tpu.dma_semaphore, #tpu.memory_space<semaphore_mem>>, %arg23: memref<!tpu.dma_semaphore, #tpu.memory_space<semaphore_mem>>) attributes {dimension_semantics = [#tpu.dimension_semantics<core_parallel>, #tpu.dimension_semantics<subcore_parallel>], iteration_bounds = array<i64: 2, 16>, scalar_prefetch = 0 : i64, scratch_operands = 16 : i64, tpu.core_type = #tpu.core_type<sc_vector_subcore>, window_params = [{transform_indices = #map}, {transform_indices = #map}, {transform_indices = #map}, {transform_indices = #map}, {transform_indices = #map}, {transform_indices = #map}]} {
    %mul3A = arith.constant 2 : i32
    %mul3A_0 = arith.muli %arg1, %mul3A : i32
    %add3A = arith.addi %mul3A_0, %arg0 : i32
    %mul3A_1 = arith.constant 4 : i32
    %mul3A_2 = arith.muli %add3A, %mul3A_1 : i32
    %iota3A = tpu.iota {dimensions = array<i32: 0>} : vector<16xi32>
    %convert_element_type3A = arith.sitofp %iota3A : vector<16xi32> to vector<16xf32>
    %add3A_3 = arith.constant 0 : i32
    %add3A_4 = arith.addi %mul3A_2, %add3A_3 : i32
    %dma_start3A = arith.constant 0 : i32
    %dma_start3A_5 = tpu.memref_slice %arg2[%add3A_4, %dma_start3A] : memref<128x1024xf32, #tpu.memory_space<hbm>> -> memref<1x1024xf32, #tpu.memory_space<hbm>>
    %dma_start3A_6 = tpu.memref_squeeze %dma_start3A_5 : memref<1x1024xf32, #tpu.memory_space<hbm>> -> memref<1024xf32, #tpu.memory_space<hbm>>
    %dma_start3A_7 = arith.constant 0 : i32
    %dma_start3A_8 = tpu.memref_slice %arg2[%add3A_4, %dma_start3A_7] : memref<128x1024xf32, #tpu.memory_space<hbm>> -> memref<1x1024xf32, #tpu.memory_space<hbm>>
    %dma_start3A_9 = tpu.memref_squeeze %dma_start3A_8 : memref<1x1024xf32, #tpu.memory_space<hbm>> -> memref<1024xf32, #tpu.memory_space<hbm>>
    tpu.enqueue_dma source(%dma_start3A_9 : memref<1024xf32, #tpu.memory_space<hbm>>) target(%arg8 : memref<1024xf32, #tpu.memory_space<vmem>>) target_semaphore(%arg20 : memref<!tpu.dma_semaphore, #tpu.memory_space<semaphore_mem>>)
    %add3A_10 = arith.constant 0 : i32
    %add3A_11 = arith.addi %mul3A_2, %add3A_10 : i32
    %dma_start3A_12 = arith.constant 0 : i32
    %dma_start3A_13 = tpu.memref_slice %arg3[%add3A_11, %dma_start3A_12] : memref<128x1024xf32, #tpu.memory_space<hbm>> -> memref<1x1024xf32, #tpu.memory_space<hbm>>
    %dma_start3A_14 = tpu.memref_squeeze %dma_start3A_13 : memref<1x1024xf32, #tpu.memory_space<hbm>> -> memref<1024xf32, #tpu.memory_space<hbm>>
    %dma_start3A_15 = arith.constant 0 : i32
    %dma_start3A_16 = tpu.memref_slice %arg3[%add3A_11, %dma_start3A_15] : memref<128x1024xf32, #tpu.memory_space<hbm>> -> memref<1x1024xf32, #tpu.memory_space<hbm>>
    %dma_start3A_17 = tpu.memref_squeeze %dma_start3A_16 : memref<1x1024xf32, #tpu.memory_space<hbm>> -> memref<1024xf32, #tpu.memory_space<hbm>>
    tpu.enqueue_dma source(%dma_start3A_17 : memref<1024xf32, #tpu.memory_space<hbm>>) target(%arg9 : memref<1024xf32, #tpu.memory_space<vmem>>) target_semaphore(%arg20 : memref<!tpu.dma_semaphore, #tpu.memory_space<semaphore_mem>>)
    %add3A_18 = arith.constant 1 : i32
    %add3A_19 = arith.addi %mul3A_2, %add3A_18 : i32
    %dma_start3A_20 = arith.constant 0 : i32
    %dma_start3A_21 = tpu.memref_slice %arg2[%add3A_19, %dma_start3A_20] : memref<128x1024xf32, #tpu.memory_space<hbm>> -> memref<1x1024xf32, #tpu.memory_space<hbm>>
    %dma_start3A_22 = tpu.memref_squeeze %dma_start3A_21 : memref<1x1024xf32, #tpu.memory_space<hbm>> -> memref<1024xf32, #tpu.memory_space<hbm>>
    %dma_start3A_23 = arith.constant 0 : i32
    %dma_start3A_24 = tpu.memref_slice %arg2[%add3A_19, %dma_start3A_23] : memref<128x1024xf32, #tpu.memory_space<hbm>> -> memref<1x1024xf32, #tpu.memory_space<hbm>>
    %dma_start3A_25 = tpu.memref_squeeze %dma_start3A_24 : memref<1x1024xf32, #tpu.memory_space<hbm>> -> memref<1024xf32, #tpu.memory_space<hbm>>
    tpu.enqueue_dma source(%dma_start3A_25 : memref<1024xf32, #tpu.memory_space<hbm>>) target(%arg10 : memref<1024xf32, #tpu.memory_space<vmem>>) target_semaphore(%arg21 : memref<!tpu.dma_semaphore, #tpu.memory_space<semaphore_mem>>)
    %add3A_26 = arith.constant 1 : i32
    %add3A_27 = arith.addi %mul3A_2, %add3A_26 : i32
    %dma_start3A_28 = arith.constant 0 : i32
    %dma_start3A_29 = tpu.memref_slice %arg3[%add3A_27, %dma_start3A_28] : memref<128x1024xf32, #tpu.memory_space<hbm>> -> memref<1x1024xf32, #tpu.memory_space<hbm>>
    %dma_start3A_30 = tpu.memref_squeeze %dma_start3A_29 : memref<1x1024xf32, #tpu.memory_space<hbm>> -> memref<1024xf32, #tpu.memory_space<hbm>>
    %dma_start3A_31 = arith.constant 0 : i32
    %dma_start3A_32 = tpu.memref_slice %arg3[%add3A_27, %dma_start3A_31] : memref<128x1024xf32, #tpu.memory_space<hbm>> -> memref<1x1024xf32, #tpu.memory_space<hbm>>
    %dma_start3A_33 = tpu.memref_squeeze %dma_start3A_32 : memref<1x1024xf32, #tpu.memory_space<hbm>> -> memref<1024xf32, #tpu.memory_space<hbm>>
    tpu.enqueue_dma source(%dma_start3A_33 : memref<1024xf32, #tpu.memory_space<hbm>>) target(%arg11 : memref<1024xf32, #tpu.memory_space<vmem>>) target_semaphore(%arg21 : memref<!tpu.dma_semaphore, #tpu.memory_space<semaphore_mem>>)
    %add3A_34 = arith.constant 2 : i32
    %add3A_35 = arith.addi %mul3A_2, %add3A_34 : i32
    %dma_start3A_36 = arith.constant 0 : i32
    %dma_start3A_37 = tpu.memref_slice %arg2[%add3A_35, %dma_start3A_36] : memref<128x1024xf32, #tpu.memory_space<hbm>> -> memref<1x1024xf32, #tpu.memory_space<hbm>>
    %dma_start3A_38 = tpu.memref_squeeze %dma_start3A_37 : memref<1x1024xf32, #tpu.memory_space<hbm>> -> memref<1024xf32, #tpu.memory_space<hbm>>
    %dma_start3A_39 = arith.constant 0 : i32
    %dma_start3A_40 = tpu.memref_slice %arg2[%add3A_35, %dma_start3A_39] : memref<128x1024xf32, #tpu.memory_space<hbm>> -> memref<1x1024xf32, #tpu.memory_space<hbm>>
    %dma_start3A_41 = tpu.memref_squeeze %dma_start3A_40 : memref<1x1024xf32, #tpu.memory_space<hbm>> -> memref<1024xf32, #tpu.memory_space<hbm>>
    tpu.enqueue_dma source(%dma_start3A_41 : memref<1024xf32, #tpu.memory_space<hbm>>) target(%arg12 : memref<1024xf32, #tpu.memory_space<vmem>>) target_semaphore(%arg22 : memref<!tpu.dma_semaphore, #tpu.memory_space<semaphore_mem>>)
    %add3A_42 = arith.constant 2 : i32
    %add3A_43 = arith.addi %mul3A_2, %add3A_42 : i32
    %dma_start3A_44 = arith.constant 0 : i32
    %dma_start3A_45 = tpu.memref_slice %arg3[%add3A_43, %dma_start3A_44] : memref<128x1024xf32, #tpu.memory_space<hbm>> -> memref<1x1024xf32, #tpu.memory_space<hbm>>
    %dma_start3A_46 = tpu.memref_squeeze %dma_start3A_45 : memref<1x1024xf32, #tpu.memory_space<hbm>> -> memref<1024xf32, #tpu.memory_space<hbm>>
    %dma_start3A_47 = arith.constant 0 : i32
    %dma_start3A_48 = tpu.memref_slice %arg3[%add3A_43, %dma_start3A_47] : memref<128x1024xf32, #tpu.memory_space<hbm>> -> memref<1x1024xf32, #tpu.memory_space<hbm>>
    %dma_start3A_49 = tpu.memref_squeeze %dma_start3A_48 : memref<1x1024xf32, #tpu.memory_space<hbm>> -> memref<1024xf32, #tpu.memory_space<hbm>>
    tpu.enqueue_dma source(%dma_start3A_49 : memref<1024xf32, #tpu.memory_space<hbm>>) target(%arg13 : memref<1024xf32, #tpu.memory_space<vmem>>) target_semaphore(%arg22 : memref<!tpu.dma_semaphore, #tpu.memory_space<semaphore_mem>>)
    %add3A_50 = arith.constant 3 : i32
    %add3A_51 = arith.addi %mul3A_2, %add3A_50 : i32
    %dma_start3A_52 = arith.constant 0 : i32
    %dma_start3A_53 = tpu.memref_slice %arg2[%add3A_51, %dma_start3A_52] : memref<128x1024xf32, #tpu.memory_space<hbm>> -> memref<1x1024xf32, #tpu.memory_space<hbm>>
    %dma_start3A_54 = tpu.memref_squeeze %dma_start3A_53 : memref<1x1024xf32, #tpu.memory_space<hbm>> -> memref<1024xf32, #tpu.memory_space<hbm>>
    %dma_start3A_55 = arith.constant 0 : i32
    %dma_start3A_56 = tpu.memref_slice %arg2[%add3A_51, %dma_start3A_55] : memref<128x1024xf32, #tpu.memory_space<hbm>> -> memref<1x1024xf32, #tpu.memory_space<hbm>>
    %dma_start3A_57 = tpu.memref_squeeze %dma_start3A_56 : memref<1x1024xf32, #tpu.memory_space<hbm>> -> memref<1024xf32, #tpu.memory_space<hbm>>
    tpu.enqueue_dma source(%dma_start3A_57 : memref<1024xf32, #tpu.memory_space<hbm>>) target(%arg14 : memref<1024xf32, #tpu.memory_space<vmem>>) target_semaphore(%arg23 : memref<!tpu.dma_semaphore, #tpu.memory_space<semaphore_mem>>)
    %add3A_58 = arith.constant 3 : i32
    %add3A_59 = arith.addi %mul3A_2, %add3A_58 : i32
    %dma_start3A_60 = arith.constant 0 : i32
    %dma_start3A_61 = tpu.memref_slice %arg3[%add3A_59, %dma_start3A_60] : memref<128x1024xf32, #tpu.memory_space<hbm>> -> memref<1x1024xf32, #tpu.memory_space<hbm>>
    %dma_start3A_62 = tpu.memref_squeeze %dma_start3A_61 : memref<1x1024xf32, #tpu.memory_space<hbm>> -> memref<1024xf32, #tpu.memory_space<hbm>>
    %dma_start3A_63 = arith.constant 0 : i32
    %dma_start3A_64 = tpu.memref_slice %arg3[%add3A_59, %dma_start3A_63] : memref<128x1024xf32, #tpu.memory_space<hbm>> -> memref<1x1024xf32, #tpu.memory_space<hbm>>
    %dma_start3A_65 = tpu.memref_squeeze %dma_start3A_64 : memref<1x1024xf32, #tpu.memory_space<hbm>> -> memref<1024xf32, #tpu.memory_space<hbm>>
    tpu.enqueue_dma source(%dma_start3A_65 : memref<1024xf32, #tpu.memory_space<hbm>>) target(%arg15 : memref<1024xf32, #tpu.memory_space<vmem>>) target_semaphore(%arg23 : memref<!tpu.dma_semaphore, #tpu.memory_space<semaphore_mem>>)
    %broadcast_in_dim3A = arith.constant 0.000000e+00 : f32
    %broadcast_in_dim3A_66 = vector.broadcast %broadcast_in_dim3A : f32 to vector<16xf32>
    %broadcast_in_dim3A_67 = arith.constant 0.000000e+00 : f32
    %broadcast_in_dim3A_68 = vector.broadcast %broadcast_in_dim3A_67 : f32 to vector<16xf32>
    %broadcast_in_dim3A_69 = arith.constant 0.000000e+00 : f32
    %broadcast_in_dim3A_70 = vector.broadcast %broadcast_in_dim3A_69 : f32 to vector<16xf32>
    %broadcast_in_dim3A_71 = arith.constant 0.000000e+00 : f32
    %broadcast_in_dim3A_72 = vector.broadcast %broadcast_in_dim3A_71 : f32 to vector<16xf32>
    %dma_wait3A = arith.constant 0 : i32
    %dma_wait3A_73 = tpu.memref_slice %arg2[%add3A_4, %dma_wait3A] : memref<128x1024xf32, #tpu.memory_space<hbm>> -> memref<1x1024xf32, #tpu.memory_space<hbm>>
    %dma_wait3A_74 = tpu.memref_squeeze %dma_wait3A_73 : memref<1x1024xf32, #tpu.memory_space<hbm>> -> memref<1024xf32, #tpu.memory_space<hbm>>
    %dma_wait3A_75 = arith.constant 0 : i32
    %dma_wait3A_76 = tpu.memref_slice %arg2[%add3A_4, %dma_wait3A_75] : memref<128x1024xf32, #tpu.memory_space<hbm>> -> memref<1x1024xf32, #tpu.memory_space<hbm>>
    %dma_wait3A_77 = tpu.memref_squeeze %dma_wait3A_76 : memref<1x1024xf32, #tpu.memory_space<hbm>> -> memref<1024xf32, #tpu.memory_space<hbm>>
    tpu.wait_dma2 semaphore(%arg20 : memref<!tpu.dma_semaphore, #tpu.memory_space<semaphore_mem>>) src(%dma_wait3A_77 : memref<1024xf32, #tpu.memory_space<hbm>>) dst(%arg8 : memref<1024xf32, #tpu.memory_space<vmem>>)
    %dma_wait3A_78 = arith.constant 0 : i32
    %dma_wait3A_79 = tpu.memref_slice %arg3[%add3A_11, %dma_wait3A_78] : memref<128x1024xf32, #tpu.memory_space<hbm>> -> memref<1x1024xf32, #tpu.memory_space<hbm>>
    %dma_wait3A_80 = tpu.memref_squeeze %dma_wait3A_79 : memref<1x1024xf32, #tpu.memory_space<hbm>> -> memref<1024xf32, #tpu.memory_space<hbm>>
    %dma_wait3A_81 = arith.constant 0 : i32
    %dma_wait3A_82 = tpu.memref_slice %arg3[%add3A_11, %dma_wait3A_81] : memref<128x1024xf32, #tpu.memory_space<hbm>> -> memref<1x1024xf32, #tpu.memory_space<hbm>>
    %dma_wait3A_83 = tpu.memref_squeeze %dma_wait3A_82 : memref<1x1024xf32, #tpu.memory_space<hbm>> -> memref<1024xf32, #tpu.memory_space<hbm>>
    tpu.wait_dma2 semaphore(%arg20 : memref<!tpu.dma_semaphore, #tpu.memory_space<semaphore_mem>>) src(%dma_wait3A_83 : memref<1024xf32, #tpu.memory_space<hbm>>) dst(%arg9 : memref<1024xf32, #tpu.memory_space<vmem>>)
    %neg3A = arith.constant 0.000000e+00 : f32
    %neg3A_84 = arith.constant 0x7F800000 : f32
    %neg3A_85 = arith.subf %neg3A, %neg3A_84 : f32
    %broadcast_in_dim3A_86 = vector.broadcast %neg3A_85 : f32 to vector<16xf32>
    %broadcast_in_dim3A_87 = arith.constant 0.000000e+00 : f32
    %broadcast_in_dim3A_88 = vector.broadcast %broadcast_in_dim3A_87 : f32 to vector<16xf32>
    %broadcast_in_dim3A_89 = arith.constant 0x7F800000 : f32
    %broadcast_in_dim3A_90 = vector.broadcast %broadcast_in_dim3A_89 : f32 to vector<16xf32>
    %broadcast_in_dim3A_91 = arith.constant 0.000000e+00 : f32
    %broadcast_in_dim3A_92 = vector.broadcast %broadcast_in_dim3A_91 : f32 to vector<16xf32>
    %scan3A = arith.constant 0 : i32
    %scan3A_93 = arith.constant 8 : i32
    %scan3A_94 = arith.addi %scan3A, %scan3A_93 : i32
    %scan3A_95 = arith.constant 1 : i32
    %scan3A_96:32 = scf.for %scan3A_778 = %scan3A to %scan3A_94 step %scan3A_95 iter_args(%scan3A_779 = %broadcast_in_dim3A_86, %scan3A_780 = %broadcast_in_dim3A_88, %scan3A_781 = %broadcast_in_dim3A_90, %scan3A_782 = %broadcast_in_dim3A_92, %scan3A_783 = %broadcast_in_dim3A_86, %scan3A_784 = %broadcast_in_dim3A_88, %scan3A_785 = %broadcast_in_dim3A_90, %scan3A_786 = %broadcast_in_dim3A_92, %scan3A_787 = %broadcast_in_dim3A_86, %scan3A_788 = %broadcast_in_dim3A_88, %scan3A_789 = %broadcast_in_dim3A_90, %scan3A_790 = %broadcast_in_dim3A_92, %scan3A_791 = %broadcast_in_dim3A_86, %scan3A_792 = %broadcast_in_dim3A_88, %scan3A_793 = %broadcast_in_dim3A_90, %scan3A_794 = %broadcast_in_dim3A_92, %scan3A_795 = %broadcast_in_dim3A_86, %scan3A_796 = %broadcast_in_dim3A_88, %scan3A_797 = %broadcast_in_dim3A_90, %scan3A_798 = %broadcast_in_dim3A_92, %scan3A_799 = %broadcast_in_dim3A_86, %scan3A_800 = %broadcast_in_dim3A_88, %scan3A_801 = %broadcast_in_dim3A_90, %scan3A_802 = %broadcast_in_dim3A_92, %scan3A_803 = %broadcast_in_dim3A_86, %scan3A_804 = %broadcast_in_dim3A_88, %scan3A_805 = %broadcast_in_dim3A_90, %scan3A_806 = %broadcast_in_dim3A_92, %scan3A_807 = %broadcast_in_dim3A_86, %scan3A_808 = %broadcast_in_dim3A_88, %scan3A_809 = %broadcast_in_dim3A_90, %scan3A_810 = %broadcast_in_dim3A_92) -> (vector<16xf32>, vector<16xf32>, vector<16xf32>, vector<16xf32>, vector<16xf32>, vector<16xf32>, vector<16xf32>, vector<16xf32>, vector<16xf32>, vector<16xf32>, vector<16xf32>, vector<16xf32>, vector<16xf32>, vector<16xf32>, vector<16xf32>, vector<16xf32>, vector<16xf32>, vector<16xf32>, vector<16xf32>, vector<16xf32>, vector<16xf32>, vector<16xf32>, vector<16xf32>, vector<16xf32>, vector<16xf32>, vector<16xf32>, vector<16xf32>, vector<16xf32>, vector<16xf32>, vector<16xf32>, vector<16xf32>, vector<16xf32>)  : i32 {
      %mul3A_811 = arith.constant 8 : i32
      %mul3A_812 = arith.muli %scan3A_778, %mul3A_811 : i32
      %add3A_813 = arith.constant 0 : i32
      %add3A_814 = arith.addi %mul3A_812, %add3A_813 : i32
      %mul3A_815 = arith.constant 16 : i32
      %mul3A_816 = arith.muli %add3A_814, %mul3A_815 : i32
      %convert_element_type3A_817 = arith.sitofp %mul3A_816 : i32 to f32
      %add3A_818 = vector.broadcast %convert_element_type3A_817 : f32 to vector<16xf32>
      %add3A_819 = arith.addf %add3A_818, %convert_element_type3A : vector<16xf32>
      %mul3A_820 = arith.constant 16 : i32
      %mul3A_821 = arith.muli %add3A_814, %mul3A_820 : i32
      %get3A = arith.index_cast %mul3A_821 : i32 to index
      %get3A_822 = tpu.vector_load %arg8[%get3A] {strides = array<i32>} : memref<1024xf32, #tpu.memory_space<vmem>>, vector<16xf32>,
      %mul3A_823 = arith.constant 16 : i32
      %mul3A_824 = arith.muli %add3A_814, %mul3A_823 : i32
      %get3A_825 = arith.index_cast %mul3A_824 : i32 to index
      %get3A_826 = tpu.vector_load %arg9[%get3A_825] {strides = array<i32>} : memref<1024xf32, #tpu.memory_space<vmem>>, vector<16xf32>,
      %gt3A = arith.cmpf ogt, %get3A_822, %scan3A_779 : vector<16xf32>
      %select_n3A_827 = arith.select %gt3A, %add3A_819, %scan3A_780 : vector<16xi1>, vector<16xf32>
      %max3A_828 = arith.maximumf %scan3A_779, %get3A_822 : vector<16xf32>
      %lt3A = arith.cmpf olt, %get3A_826, %scan3A_781 : vector<16xf32>
      %select_n3A_829 = arith.select %lt3A, %add3A_819, %scan3A_782 : vector<16xi1>, vector<16xf32>
      %min3A_830 = arith.minimumf %scan3A_781, %get3A_826 : vector<16xf32>
      %mul3A_831 = arith.constant 8 : i32
      %mul3A_832 = arith.muli %scan3A_778, %mul3A_831 : i32
      %add3A_833 = arith.constant 1 : i32
      %add3A_834 = arith.addi %mul3A_832, %add3A_833 : i32
      %mul3A_835 = arith.constant 16 : i32
      %mul3A_836 = arith.muli %add3A_834, %mul3A_835 : i32
      %convert_element_type3A_837 = arith.sitofp %mul3A_836 : i32 to f32
      %add3A_838 = vector.broadcast %convert_element_type3A_837 : f32 to vector<16xf32>
      %add3A_839 = arith.addf %add3A_838, %convert_element_type3A : vector<16xf32>
      %mul3A_840 = arith.constant 16 : i32
      %mul3A_841 = arith.muli %add3A_834, %mul3A_840 : i32
      %get3A_842 = arith.index_cast %mul3A_841 : i32 to index
      %get3A_843 = tpu.vector_load %arg8[%get3A_842] {strides = array<i32>} : memref<1024xf32, #tpu.memory_space<vmem>>, vector<16xf32>,
      %mul3A_844 = arith.constant 16 : i32
      %mul3A_845 = arith.muli %add3A_834, %mul3A_844 : i32
      %get3A_846 = arith.index_cast %mul3A_845 : i32 to index
      %get3A_847 = tpu.vector_load %arg9[%get3A_846] {strides = array<i32>} : memref<1024xf32, #tpu.memory_space<vmem>>, vector<16xf32>,
      %gt3A_848 = arith.cmpf ogt, %get3A_843, %scan3A_783 : vector<16xf32>
      %select_n3A_849 = arith.select %gt3A_848, %add3A_839, %scan3A_784 : vector<16xi1>, vector<16xf32>
      %max3A_850 = arith.maximumf %scan3A_783, %get3A_843 : vector<16xf32>
      %lt3A_851 = arith.cmpf olt, %get3A_847, %scan3A_785 : vector<16xf32>
      %select_n3A_852 = arith.select %lt3A_851, %add3A_839, %scan3A_786 : vector<16xi1>, vector<16xf32>
      %min3A_853 = arith.minimumf %scan3A_785, %get3A_847 : vector<16xf32>
      %mul3A_854 = arith.constant 8 : i32
      %mul3A_855 = arith.muli %scan3A_778, %mul3A_854 : i32
      %add3A_856 = arith.constant 2 : i32
      %add3A_857 = arith.addi %mul3A_855, %add3A_856 : i32
      %mul3A_858 = arith.constant 16 : i32
      %mul3A_859 = arith.muli %add3A_857, %mul3A_858 : i32
      %convert_element_type3A_860 = arith.sitofp %mul3A_859 : i32 to f32
      %add3A_861 = vector.broadcast %convert_element_type3A_860 : f32 to vector<16xf32>
      %add3A_862 = arith.addf %add3A_861, %convert_element_type3A : vector<16xf32>
      %mul3A_863 = arith.constant 16 : i32
      %mul3A_864 = arith.muli %add3A_857, %mul3A_863 : i32
      %get3A_865 = arith.index_cast %mul3A_864 : i32 to index
      %get3A_866 = tpu.vector_load %arg8[%get3A_865] {strides = array<i32>} : memref<1024xf32, #tpu.memory_space<vmem>>, vector<16xf32>,
      %mul3A_867 = arith.constant 16 : i32
      %mul3A_868 = arith.muli %add3A_857, %mul3A_867 : i32
      %get3A_869 = arith.index_cast %mul3A_868 : i32 to index
      %get3A_870 = tpu.vector_load %arg9[%get3A_869] {strides = array<i32>} : memref<1024xf32, #tpu.memory_space<vmem>>, vector<16xf32>,
      %gt3A_871 = arith.cmpf ogt, %get3A_866, %scan3A_787 : vector<16xf32>
      %select_n3A_872 = arith.select %gt3A_871, %add3A_862, %scan3A_788 : vector<16xi1>, vector<16xf32>
      %max3A_873 = arith.maximumf %scan3A_787, %get3A_866 : vector<16xf32>
      %lt3A_874 = arith.cmpf olt, %get3A_870, %scan3A_789 : vector<16xf32>
      %select_n3A_875 = arith.select %lt3A_874, %add3A_862, %scan3A_790 : vector<16xi1>, vector<16xf32>
      %min3A_876 = arith.minimumf %scan3A_789, %get3A_870 : vector<16xf32>
      %mul3A_877 = arith.constant 8 : i32
      %mul3A_878 = arith.muli %scan3A_778, %mul3A_877 : i32
      %add3A_879 = arith.constant 3 : i32
      %add3A_880 = arith.addi %mul3A_878, %add3A_879 : i32
      %mul3A_881 = arith.constant 16 : i32
      %mul3A_882 = arith.muli %add3A_880, %mul3A_881 : i32
      %convert_element_type3A_883 = arith.sitofp %mul3A_882 : i32 to f32
      %add3A_884 = vector.broadcast %convert_element_type3A_883 : f32 to vector<16xf32>
      %add3A_885 = arith.addf %add3A_884, %convert_element_type3A : vector<16xf32>
      %mul3A_886 = arith.constant 16 : i32
      %mul3A_887 = arith.muli %add3A_880, %mul3A_886 : i32
      %get3A_888 = arith.index_cast %mul3A_887 : i32 to index
      %get3A_889 = tpu.vector_load %arg8[%get3A_888] {strides = array<i32>} : memref<1024xf32, #tpu.memory_space<vmem>>, vector<16xf32>,
      %mul3A_890 = arith.constant 16 : i32
      %mul3A_891 = arith.muli %add3A_880, %mul3A_890 : i32
      %get3A_892 = arith.index_cast %mul3A_891 : i32 to index
      %get3A_893 = tpu.vector_load %arg9[%get3A_892] {strides = array<i32>} : memref<1024xf32, #tpu.memory_space<vmem>>, vector<16xf32>,
      %gt3A_894 = arith.cmpf ogt, %get3A_889, %scan3A_791 : vector<16xf32>
      %select_n3A_895 = arith.select %gt3A_894, %add3A_885, %scan3A_792 : vector<16xi1>, vector<16xf32>
      %max3A_896 = arith.maximumf %scan3A_791, %get3A_889 : vector<16xf32>
      %lt3A_897 = arith.cmpf olt, %get3A_893, %scan3A_793 : vector<16xf32>
      %select_n3A_898 = arith.select %lt3A_897, %add3A_885, %scan3A_794 : vector<16xi1>, vector<16xf32>
      %min3A_899 = arith.minimumf %scan3A_793, %get3A_893 : vector<16xf32>
      %mul3A_900 = arith.constant 8 : i32
      %mul3A_901 = arith.muli %scan3A_778, %mul3A_900 : i32
      %add3A_902 = arith.constant 4 : i32
      %add3A_903 = arith.addi %mul3A_901, %add3A_902 : i32
      %mul3A_904 = arith.constant 16 : i32
      %mul3A_905 = arith.muli %add3A_903, %mul3A_904 : i32
      %convert_element_type3A_906 = arith.sitofp %mul3A_905 : i32 to f32
      %add3A_907 = vector.broadcast %convert_element_type3A_906 : f32 to vector<16xf32>
      %add3A_908 = arith.addf %add3A_907, %convert_element_type3A : vector<16xf32>
      %mul3A_909 = arith.constant 16 : i32
      %mul3A_910 = arith.muli %add3A_903, %mul3A_909 : i32
      %get3A_911 = arith.index_cast %mul3A_910 : i32 to index
      %get3A_912 = tpu.vector_load %arg8[%get3A_911] {strides = array<i32>} : memref<1024xf32, #tpu.memory_space<vmem>>, vector<16xf32>,
      %mul3A_913 = arith.constant 16 : i32
      %mul3A_914 = arith.muli %add3A_903, %mul3A_913 : i32
      %get3A_915 = arith.index_cast %mul3A_914 : i32 to index
      %get3A_916 = tpu.vector_load %arg9[%get3A_915] {strides = array<i32>} : memref<1024xf32, #tpu.memory_space<vmem>>, vector<16xf32>,
      %gt3A_917 = arith.cmpf ogt, %get3A_912, %scan3A_795 : vector<16xf32>
      %select_n3A_918 = arith.select %gt3A_917, %add3A_908, %scan3A_796 : vector<16xi1>, vector<16xf32>
      %max3A_919 = arith.maximumf %scan3A_795, %get3A_912 : vector<16xf32>
      %lt3A_920 = arith.cmpf olt, %get3A_916, %scan3A_797 : vector<16xf32>
      %select_n3A_921 = arith.select %lt3A_920, %add3A_908, %scan3A_798 : vector<16xi1>, vector<16xf32>
      %min3A_922 = arith.minimumf %scan3A_797, %get3A_916 : vector<16xf32>
      %mul3A_923 = arith.constant 8 : i32
      %mul3A_924 = arith.muli %scan3A_778, %mul3A_923 : i32
      %add3A_925 = arith.constant 5 : i32
      %add3A_926 = arith.addi %mul3A_924, %add3A_925 : i32
      %mul3A_927 = arith.constant 16 : i32
      %mul3A_928 = arith.muli %add3A_926, %mul3A_927 : i32
      %convert_element_type3A_929 = arith.sitofp %mul3A_928 : i32 to f32
      %add3A_930 = vector.broadcast %convert_element_type3A_929 : f32 to vector<16xf32>
      %add3A_931 = arith.addf %add3A_930, %convert_element_type3A : vector<16xf32>
      %mul3A_932 = arith.constant 16 : i32
      %mul3A_933 = arith.muli %add3A_926, %mul3A_932 : i32
      %get3A_934 = arith.index_cast %mul3A_933 : i32 to index
      %get3A_935 = tpu.vector_load %arg8[%get3A_934] {strides = array<i32>} : memref<1024xf32, #tpu.memory_space<vmem>>, vector<16xf32>,
      %mul3A_936 = arith.constant 16 : i32
      %mul3A_937 = arith.muli %add3A_926, %mul3A_936 : i32
      %get3A_938 = arith.index_cast %mul3A_937 : i32 to index
      %get3A_939 = tpu.vector_load %arg9[%get3A_938] {strides = array<i32>} : memref<1024xf32, #tpu.memory_space<vmem>>, vector<16xf32>,
      %gt3A_940 = arith.cmpf ogt, %get3A_935, %scan3A_799 : vector<16xf32>
      %select_n3A_941 = arith.select %gt3A_940, %add3A_931, %scan3A_800 : vector<16xi1>, vector<16xf32>
      %max3A_942 = arith.maximumf %scan3A_799, %get3A_935 : vector<16xf32>
      %lt3A_943 = arith.cmpf olt, %get3A_939, %scan3A_801 : vector<16xf32>
      %select_n3A_944 = arith.select %lt3A_943, %add3A_931, %scan3A_802 : vector<16xi1>, vector<16xf32>
      %min3A_945 = arith.minimumf %scan3A_801, %get3A_939 : vector<16xf32>
      %mul3A_946 = arith.constant 8 : i32
      %mul3A_947 = arith.muli %scan3A_778, %mul3A_946 : i32
      %add3A_948 = arith.constant 6 : i32
      %add3A_949 = arith.addi %mul3A_947, %add3A_948 : i32
      %mul3A_950 = arith.constant 16 : i32
      %mul3A_951 = arith.muli %add3A_949, %mul3A_950 : i32
      %convert_element_type3A_952 = arith.sitofp %mul3A_951 : i32 to f32
      %add3A_953 = vector.broadcast %convert_element_type3A_952 : f32 to vector<16xf32>
      %add3A_954 = arith.addf %add3A_953, %convert_element_type3A : vector<16xf32>
      %mul3A_955 = arith.constant 16 : i32
      %mul3A_956 = arith.muli %add3A_949, %mul3A_955 : i32
      %get3A_957 = arith.index_cast %mul3A_956 : i32 to index
      %get3A_958 = tpu.vector_load %arg8[%get3A_957] {strides = array<i32>} : memref<1024xf32, #tpu.memory_space<vmem>>, vector<16xf32>,
      %mul3A_959 = arith.constant 16 : i32
      %mul3A_960 = arith.muli %add3A_949, %mul3A_959 : i32
      %get3A_961 = arith.index_cast %mul3A_960 : i32 to index
      %get3A_962 = tpu.vector_load %arg9[%get3A_961] {strides = array<i32>} : memref<1024xf32, #tpu.memory_space<vmem>>, vector<16xf32>,
      %gt3A_963 = arith.cmpf ogt, %get3A_958, %scan3A_803 : vector<16xf32>
      %select_n3A_964 = arith.select %gt3A_963, %add3A_954, %scan3A_804 : vector<16xi1>, vector<16xf32>
      %max3A_965 = arith.maximumf %scan3A_803, %get3A_958 : vector<16xf32>
      %lt3A_966 = arith.cmpf olt, %get3A_962, %scan3A_805 : vector<16xf32>
      %select_n3A_967 = arith.select %lt3A_966, %add3A_954, %scan3A_806 : vector<16xi1>, vector<16xf32>
      %min3A_968 = arith.minimumf %scan3A_805, %get3A_962 : vector<16xf32>
      %mul3A_969 = arith.constant 8 : i32
      %mul3A_970 = arith.muli %scan3A_778, %mul3A_969 : i32
      %add3A_971 = arith.constant 7 : i32
      %add3A_972 = arith.addi %mul3A_970, %add3A_971 : i32
      %mul3A_973 = arith.constant 16 : i32
      %mul3A_974 = arith.muli %add3A_972, %mul3A_973 : i32
      %convert_element_type3A_975 = arith.sitofp %mul3A_974 : i32 to f32
      %add3A_976 = vector.broadcast %convert_element_type3A_975 : f32 to vector<16xf32>
      %add3A_977 = arith.addf %add3A_976, %convert_element_type3A : vector<16xf32>
      %mul3A_978 = arith.constant 16 : i32
      %mul3A_979 = arith.muli %add3A_972, %mul3A_978 : i32
      %get3A_980 = arith.index_cast %mul3A_979 : i32 to index
      %get3A_981 = tpu.vector_load %arg8[%get3A_980] {strides = array<i32>} : memref<1024xf32, #tpu.memory_space<vmem>>, vector<16xf32>,
      %mul3A_982 = arith.constant 16 : i32
      %mul3A_983 = arith.muli %add3A_972, %mul3A_982 : i32
      %get3A_984 = arith.index_cast %mul3A_983 : i32 to index
      %get3A_985 = tpu.vector_load %arg9[%get3A_984] {strides = array<i32>} : memref<1024xf32, #tpu.memory_space<vmem>>, vector<16xf32>,
      %gt3A_986 = arith.cmpf ogt, %get3A_981, %scan3A_807 : vector<16xf32>
      %select_n3A_987 = arith.select %gt3A_986, %add3A_977, %scan3A_808 : vector<16xi1>, vector<16xf32>
      %max3A_988 = arith.maximumf %scan3A_807, %get3A_981 : vector<16xf32>
      %lt3A_989 = arith.cmpf olt, %get3A_985, %scan3A_809 : vector<16xf32>
      %select_n3A_990 = arith.select %lt3A_989, %add3A_977, %scan3A_810 : vector<16xi1>, vector<16xf32>
      %min3A_991 = arith.minimumf %scan3A_809, %get3A_985 : vector<16xf32>
      scf.yield %max3A_828, %select_n3A_827, %min3A_830, %select_n3A_829, %max3A_850, %select_n3A_849, %min3A_853, %select_n3A_852, %max3A_873, %select_n3A_872, %min3A_876, %select_n3A_875, %max3A_896, %select_n3A_895, %min3A_899, %select_n3A_898, %max3A_919, %select_n3A_918, %min3A_922, %select_n3A_921, %max3A_942, %select_n3A_941, %min3A_945, %select_n3A_944, %max3A_965, %select_n3A_964, %min3A_968, %select_n3A_967, %max3A_988, %select_n3A_987, %min3A_991, %select_n3A_990 : vector<16xf32>, vector<16xf32>, vector<16xf32>, vector<16xf32>, vector<16xf32>, vector<16xf32>, vector<16xf32>, vector<16xf32>, vector<16xf32>, vector<16xf32>, vector<16xf32>, vector<16xf32>, vector<16xf32>, vector<16xf32>, vector<16xf32>, vector<16xf32>, vector<16xf32>, vector<16xf32>, vector<16xf32>, vector<16xf32>, vector<16xf32>, vector<16xf32>, vector<16xf32>, vector<16xf32>, vector<16xf32>, vector<16xf32>, vector<16xf32>, vector<16xf32>, vector<16xf32>, vector<16xf32>, vector<16xf32>, vector<16xf32>
    }
    %scan3A_97 = arith.constant 8 : i32
    %max3A = arith.maximumf %scan3A_96#0, %scan3A_96#4 : vector<16xf32>
    %min3A = arith.minimumf %scan3A_96#2, %scan3A_96#6 : vector<16xf32>
    %max3A_98 = arith.maximumf %max3A, %scan3A_96#8 : vector<16xf32>
    %min3A_99 = arith.minimumf %min3A, %scan3A_96#10 : vector<16xf32>
    %max3A_100 = arith.maximumf %max3A_98, %scan3A_96#12 : vector<16xf32>
    %min3A_101 = arith.minimumf %min3A_99, %scan3A_96#14 : vector<16xf32>
    %max3A_102 = arith.maximumf %max3A_100, %scan3A_96#16 : vector<16xf32>
    %min3A_103 = arith.minimumf %min3A_101, %scan3A_96#18 : vector<16xf32>
    %max3A_104 = arith.maximumf %max3A_102, %scan3A_96#20 : vector<16xf32>
    %min3A_105 = arith.minimumf %min3A_103, %scan3A_96#22 : vector<16xf32>
    %max3A_106 = arith.maximumf %max3A_104, %scan3A_96#24 : vector<16xf32>
    %min3A_107 = arith.minimumf %min3A_105, %scan3A_96#26 : vector<16xf32>
    %max3A_108 = arith.maximumf %max3A_106, %scan3A_96#28 : vector<16xf32>
    %min3A_109 = arith.minimumf %min3A_107, %scan3A_96#30 : vector<16xf32>
    %broadcast_in_dim3A_110 = arith.constant 1.024000e+03 : f32
    %broadcast_in_dim3A_111 = vector.broadcast %broadcast_in_dim3A_110 : f32 to vector<16xf32>
    %broadcast_in_dim3A_112 = arith.constant 1.024000e+03 : f32
    %broadcast_in_dim3A_113 = vector.broadcast %broadcast_in_dim3A_112 : f32 to vector<16xf32>
    %eq3A = arith.cmpf oeq, %scan3A_96#0, %max3A_108 : vector<16xf32>
    %jit3A = arith.constant 1.024000e+03 : f32
    %broadcast_in_dim3A_114 = vector.broadcast %jit3A : f32 to vector<16xf32>
    %select_n3A = arith.select %eq3A, %scan3A_96#1, %broadcast_in_dim3A_114 : vector<16xi1>, vector<16xf32>
    %min3A_115 = arith.minimumf %broadcast_in_dim3A_111, %select_n3A : vector<16xf32>
    %eq3A_116 = arith.cmpf oeq, %scan3A_96#2, %min3A_109 : vector<16xf32>
    %jit3A_117 = arith.constant 1.024000e+03 : f32
    %broadcast_in_dim3A_118 = vector.broadcast %jit3A_117 : f32 to vector<16xf32>
    %select_n3A_119 = arith.select %eq3A_116, %scan3A_96#3, %broadcast_in_dim3A_118 : vector<16xi1>, vector<16xf32>
    %min3A_120 = arith.minimumf %broadcast_in_dim3A_113, %select_n3A_119 : vector<16xf32>
    %eq3A_121 = arith.cmpf oeq, %scan3A_96#4, %max3A_108 : vector<16xf32>
    %jit3A_122 = arith.constant 1.024000e+03 : f32
    %broadcast_in_dim3A_123 = vector.broadcast %jit3A_122 : f32 to vector<16xf32>
    %select_n3A_124 = arith.select %eq3A_121, %scan3A_96#5, %broadcast_in_dim3A_123 : vector<16xi1>, vector<16xf32>
    %min3A_125 = arith.minimumf %min3A_115, %select_n3A_124 : vector<16xf32>
    %eq3A_126 = arith.cmpf oeq, %scan3A_96#6, %min3A_109 : vector<16xf32>
    %jit3A_127 = arith.constant 1.024000e+03 : f32
    %broadcast_in_dim3A_128 = vector.broadcast %jit3A_127 : f32 to vector<16xf32>
    %select_n3A_129 = arith.select %eq3A_126, %scan3A_96#7, %broadcast_in_dim3A_128 : vector<16xi1>, vector<16xf32>
    %min3A_130 = arith.minimumf %min3A_120, %select_n3A_129 : vector<16xf32>
    %eq3A_131 = arith.cmpf oeq, %scan3A_96#8, %max3A_108 : vector<16xf32>
    %jit3A_132 = arith.constant 1.024000e+03 : f32
    %broadcast_in_dim3A_133 = vector.broadcast %jit3A_132 : f32 to vector<16xf32>
    %select_n3A_134 = arith.select %eq3A_131, %scan3A_96#9, %broadcast_in_dim3A_133 : vector<16xi1>, vector<16xf32>
    %min3A_135 = arith.minimumf %min3A_125, %select_n3A_134 : vector<16xf32>
    %eq3A_136 = arith.cmpf oeq, %scan3A_96#10, %min3A_109 : vector<16xf32>
    %jit3A_137 = arith.constant 1.024000e+03 : f32
    %broadcast_in_dim3A_138 = vector.broadcast %jit3A_137 : f32 to vector<16xf32>
    %select_n3A_139 = arith.select %eq3A_136, %scan3A_96#11, %broadcast_in_dim3A_138 : vector<16xi1>, vector<16xf32>
    %min3A_140 = arith.minimumf %min3A_130, %select_n3A_139 : vector<16xf32>
    %eq3A_141 = arith.cmpf oeq, %scan3A_96#12, %max3A_108 : vector<16xf32>
    %jit3A_142 = arith.constant 1.024000e+03 : f32
    %broadcast_in_dim3A_143 = vector.broadcast %jit3A_142 : f32 to vector<16xf32>
    %select_n3A_144 = arith.select %eq3A_141, %scan3A_96#13, %broadcast_in_dim3A_143 : vector<16xi1>, vector<16xf32>
    %min3A_145 = arith.minimumf %min3A_135, %select_n3A_144 : vector<16xf32>
    %eq3A_146 = arith.cmpf oeq, %scan3A_96#14, %min3A_109 : vector<16xf32>
    %jit3A_147 = arith.constant 1.024000e+03 : f32
    %broadcast_in_dim3A_148 = vector.broadcast %jit3A_147 : f32 to vector<16xf32>
    %select_n3A_149 = arith.select %eq3A_146, %scan3A_96#15, %broadcast_in_dim3A_148 : vector<16xi1>, vector<16xf32>
    %min3A_150 = arith.minimumf %min3A_140, %select_n3A_149 : vector<16xf32>
    %eq3A_151 = arith.cmpf oeq, %scan3A_96#16, %max3A_108 : vector<16xf32>
    %jit3A_152 = arith.constant 1.024000e+03 : f32
    %broadcast_in_dim3A_153 = vector.broadcast %jit3A_152 : f32 to vector<16xf32>
    %select_n3A_154 = arith.select %eq3A_151, %scan3A_96#17, %broadcast_in_dim3A_153 : vector<16xi1>, vector<16xf32>
    %min3A_155 = arith.minimumf %min3A_145, %select_n3A_154 : vector<16xf32>
    %eq3A_156 = arith.cmpf oeq, %scan3A_96#18, %min3A_109 : vector<16xf32>
    %jit3A_157 = arith.constant 1.024000e+03 : f32
    %broadcast_in_dim3A_158 = vector.broadcast %jit3A_157 : f32 to vector<16xf32>
    %select_n3A_159 = arith.select %eq3A_156, %scan3A_96#19, %broadcast_in_dim3A_158 : vector<16xi1>, vector<16xf32>
    %min3A_160 = arith.minimumf %min3A_150, %select_n3A_159 : vector<16xf32>
    %eq3A_161 = arith.cmpf oeq, %scan3A_96#20, %max3A_108 : vector<16xf32>
    %jit3A_162 = arith.constant 1.024000e+03 : f32
    %broadcast_in_dim3A_163 = vector.broadcast %jit3A_162 : f32 to vector<16xf32>
    %select_n3A_164 = arith.select %eq3A_161, %scan3A_96#21, %broadcast_in_dim3A_163 : vector<16xi1>, vector<16xf32>
    %min3A_165 = arith.minimumf %min3A_155, %select_n3A_164 : vector<16xf32>
    %eq3A_166 = arith.cmpf oeq, %scan3A_96#22, %min3A_109 : vector<16xf32>
    %jit3A_167 = arith.constant 1.024000e+03 : f32
    %broadcast_in_dim3A_168 = vector.broadcast %jit3A_167 : f32 to vector<16xf32>
    %select_n3A_169 = arith.select %eq3A_166, %scan3A_96#23, %broadcast_in_dim3A_168 : vector<16xi1>, vector<16xf32>
    %min3A_170 = arith.minimumf %min3A_160, %select_n3A_169 : vector<16xf32>
    %eq3A_171 = arith.cmpf oeq, %scan3A_96#24, %max3A_108 : vector<16xf32>
    %jit3A_172 = arith.constant 1.024000e+03 : f32
    %broadcast_in_dim3A_173 = vector.broadcast %jit3A_172 : f32 to vector<16xf32>
    %select_n3A_174 = arith.select %eq3A_171, %scan3A_96#25, %broadcast_in_dim3A_173 : vector<16xi1>, vector<16xf32>
    %min3A_175 = arith.minimumf %min3A_165, %select_n3A_174 : vector<16xf32>
    %eq3A_176 = arith.cmpf oeq, %scan3A_96#26, %min3A_109 : vector<16xf32>
    %jit3A_177 = arith.constant 1.024000e+03 : f32
    %broadcast_in_dim3A_178 = vector.broadcast %jit3A_177 : f32 to vector<16xf32>
    %select_n3A_179 = arith.select %eq3A_176, %scan3A_96#27, %broadcast_in_dim3A_178 : vector<16xi1>, vector<16xf32>
    %min3A_180 = arith.minimumf %min3A_170, %select_n3A_179 : vector<16xf32>
    %eq3A_181 = arith.cmpf oeq, %scan3A_96#28, %max3A_108 : vector<16xf32>
    %jit3A_182 = arith.constant 1.024000e+03 : f32
    %broadcast_in_dim3A_183 = vector.broadcast %jit3A_182 : f32 to vector<16xf32>
    %select_n3A_184 = arith.select %eq3A_181, %scan3A_96#29, %broadcast_in_dim3A_183 : vector<16xi1>, vector<16xf32>
    %min3A_185 = arith.minimumf %min3A_175, %select_n3A_184 : vector<16xf32>
    %eq3A_186 = arith.cmpf oeq, %scan3A_96#30, %min3A_109 : vector<16xf32>
    %jit3A_187 = arith.constant 1.024000e+03 : f32
    %broadcast_in_dim3A_188 = vector.broadcast %jit3A_187 : f32 to vector<16xf32>
    %select_n3A_189 = arith.select %eq3A_186, %scan3A_96#31, %broadcast_in_dim3A_188 : vector<16xi1>, vector<16xf32>
    %min3A_190 = arith.minimumf %min3A_180, %select_n3A_189 : vector<16xf32>
    %neg3A_191 = arith.constant 0.000000e+00 : f32
    %neg3A_192 = arith.constant 0x7F800000 : f32
    %neg3A_193 = arith.subf %neg3A_191, %neg3A_192 : f32
    %eq3A_194 = vector.broadcast %neg3A_193 : f32 to vector<16xf32>
    %eq3A_195 = arith.cmpf oeq, %max3A_108, %eq3A_194 : vector<16xf32>
    %jit3A_196 = arith.constant 0.000000e+00 : f32
    %broadcast_in_dim3A_197 = vector.broadcast %jit3A_196 : f32 to vector<16xf32>
    %select_n3A_198 = arith.select %eq3A_195, %broadcast_in_dim3A_197, %min3A_185 : vector<16xi1>, vector<16xf32>
    %eq3A_199 = arith.constant 0x7F800000 : f32
    %eq3A_200 = vector.broadcast %eq3A_199 : f32 to vector<16xf32>
    %eq3A_201 = arith.cmpf oeq, %min3A_109, %eq3A_200 : vector<16xf32>
    %jit3A_202 = arith.constant 0.000000e+00 : f32
    %broadcast_in_dim3A_203 = vector.broadcast %jit3A_202 : f32 to vector<16xf32>
    %select_n3A_204 = arith.select %eq3A_201, %broadcast_in_dim3A_203, %min3A_190 : vector<16xi1>, vector<16xf32>
    %reduce_max3A = arith.constant true
    %reduce_max3A_205 = vector.broadcast %reduce_max3A : i1 to vector<16xi1>
    %reduce_max3A_206 = tpu.scan <max>, %max3A_108 masked %reduce_max3A_205 : vector<16xf32>, vector<16xi1> -> vector<16xf32>
    %reduce_max3A_207 = vector.extract %reduce_max3A_206[15] : f32 from vector<16xf32>
    %eq3A_208 = vector.broadcast %reduce_max3A_207 : f32 to vector<16xf32>
    %eq3A_209 = arith.cmpf oeq, %max3A_108, %eq3A_208 : vector<16xf32>
    %jit3A_210 = arith.constant 1.024000e+03 : f32
    %broadcast_in_dim3A_211 = vector.broadcast %jit3A_210 : f32 to vector<16xf32>
    %select_n3A_212 = arith.select %eq3A_209, %select_n3A_198, %broadcast_in_dim3A_211 : vector<16xi1>, vector<16xf32>
    %reduce_min3A = arith.constant true
    %reduce_min3A_213 = vector.broadcast %reduce_min3A : i1 to vector<16xi1>
    %reduce_min3A_214 = tpu.scan <min>, %select_n3A_212 masked %reduce_min3A_213 : vector<16xf32>, vector<16xi1> -> vector<16xf32>
    %reduce_min3A_215 = vector.extract %reduce_min3A_214[15] : f32 from vector<16xf32>
    %reduce_min3A_216 = arith.constant true
    %reduce_min3A_217 = vector.broadcast %reduce_min3A_216 : i1 to vector<16xi1>
    %reduce_min3A_218 = tpu.scan <min>, %min3A_109 masked %reduce_min3A_217 : vector<16xf32>, vector<16xi1> -> vector<16xf32>
    %reduce_min3A_219 = vector.extract %reduce_min3A_218[15] : f32 from vector<16xf32>
    %eq3A_220 = vector.broadcast %reduce_min3A_219 : f32 to vector<16xf32>
    %eq3A_221 = arith.cmpf oeq, %min3A_109, %eq3A_220 : vector<16xf32>
    %jit3A_222 = arith.constant 1.024000e+03 : f32
    %broadcast_in_dim3A_223 = vector.broadcast %jit3A_222 : f32 to vector<16xf32>
    %select_n3A_224 = arith.select %eq3A_221, %select_n3A_204, %broadcast_in_dim3A_223 : vector<16xi1>, vector<16xf32>
    %reduce_min3A_225 = arith.constant true
    %reduce_min3A_226 = vector.broadcast %reduce_min3A_225 : i1 to vector<16xi1>
    %reduce_min3A_227 = tpu.scan <min>, %select_n3A_224 masked %reduce_min3A_226 : vector<16xf32>, vector<16xi1> -> vector<16xf32>
    %reduce_min3A_228 = vector.extract %reduce_min3A_227[15] : f32 from vector<16xf32>
    %eq3A_229 = arith.constant 0 : i32
    %eq3A_230 = vector.broadcast %eq3A_229 : i32 to vector<16xi32>
    %eq3A_231 = arith.cmpi eq, %iota3A, %eq3A_230 : vector<16xi32>
    %broadcast_in_dim3A_232 = vector.broadcast %reduce_max3A_207 : f32 to vector<16xf32>
    %select_n3A_233 = arith.select %eq3A_231, %broadcast_in_dim3A_232, %broadcast_in_dim3A_66 : vector<16xi1>, vector<16xf32>
    %broadcast_in_dim3A_234 = vector.broadcast %reduce_min3A_215 : f32 to vector<16xf32>
    %select_n3A_235 = arith.select %eq3A_231, %broadcast_in_dim3A_234, %broadcast_in_dim3A_68 : vector<16xi1>, vector<16xf32>
    %broadcast_in_dim3A_236 = vector.broadcast %reduce_min3A_219 : f32 to vector<16xf32>
    %select_n3A_237 = arith.select %eq3A_231, %broadcast_in_dim3A_236, %broadcast_in_dim3A_70 : vector<16xi1>, vector<16xf32>
    %broadcast_in_dim3A_238 = vector.broadcast %reduce_min3A_228 : f32 to vector<16xf32>
    %select_n3A_239 = arith.select %eq3A_231, %broadcast_in_dim3A_238, %broadcast_in_dim3A_72 : vector<16xi1>, vector<16xf32>
    %dma_wait3A_240 = arith.constant 0 : i32
    %dma_wait3A_241 = tpu.memref_slice %arg2[%add3A_19, %dma_wait3A_240] : memref<128x1024xf32, #tpu.memory_space<hbm>> -> memref<1x1024xf32, #tpu.memory_space<hbm>>
    %dma_wait3A_242 = tpu.memref_squeeze %dma_wait3A_241 : memref<1x1024xf32, #tpu.memory_space<hbm>> -> memref<1024xf32, #tpu.memory_space<hbm>>
    %dma_wait3A_243 = arith.constant 0 : i32
    %dma_wait3A_244 = tpu.memref_slice %arg2[%add3A_19, %dma_wait3A_243] : memref<128x1024xf32, #tpu.memory_space<hbm>> -> memref<1x1024xf32, #tpu.memory_space<hbm>>
    %dma_wait3A_245 = tpu.memref_squeeze %dma_wait3A_244 : memref<1x1024xf32, #tpu.memory_space<hbm>> -> memref<1024xf32, #tpu.memory_space<hbm>>
    tpu.wait_dma2 semaphore(%arg21 : memref<!tpu.dma_semaphore, #tpu.memory_space<semaphore_mem>>) src(%dma_wait3A_245 : memref<1024xf32, #tpu.memory_space<hbm>>) dst(%arg10 : memref<1024xf32, #tpu.memory_space<vmem>>)
    %dma_wait3A_246 = arith.constant 0 : i32
    %dma_wait3A_247 = tpu.memref_slice %arg3[%add3A_27, %dma_wait3A_246] : memref<128x1024xf32, #tpu.memory_space<hbm>> -> memref<1x1024xf32, #tpu.memory_space<hbm>>
    %dma_wait3A_248 = tpu.memref_squeeze %dma_wait3A_247 : memref<1x1024xf32, #tpu.memory_space<hbm>> -> memref<1024xf32, #tpu.memory_space<hbm>>
    %dma_wait3A_249 = arith.constant 0 : i32
    %dma_wait3A_250 = tpu.memref_slice %arg3[%add3A_27, %dma_wait3A_249] : memref<128x1024xf32, #tpu.memory_space<hbm>> -> memref<1x1024xf32, #tpu.memory_space<hbm>>
    %dma_wait3A_251 = tpu.memref_squeeze %dma_wait3A_250 : memref<1x1024xf32, #tpu.memory_space<hbm>> -> memref<1024xf32, #tpu.memory_space<hbm>>
    tpu.wait_dma2 semaphore(%arg21 : memref<!tpu.dma_semaphore, #tpu.memory_space<semaphore_mem>>) src(%dma_wait3A_251 : memref<1024xf32, #tpu.memory_space<hbm>>) dst(%arg11 : memref<1024xf32, #tpu.memory_space<vmem>>)
    %neg3A_252 = arith.constant 0.000000e+00 : f32
    %neg3A_253 = arith.constant 0x7F800000 : f32
    %neg3A_254 = arith.subf %neg3A_252, %neg3A_253 : f32
    %broadcast_in_dim3A_255 = vector.broadcast %neg3A_254 : f32 to vector<16xf32>
    %broadcast_in_dim3A_256 = arith.constant 0.000000e+00 : f32
    %broadcast_in_dim3A_257 = vector.broadcast %broadcast_in_dim3A_256 : f32 to vector<16xf32>
    %broadcast_in_dim3A_258 = arith.constant 0x7F800000 : f32
    %broadcast_in_dim3A_259 = vector.broadcast %broadcast_in_dim3A_258 : f32 to vector<16xf32>
    %broadcast_in_dim3A_260 = arith.constant 0.000000e+00 : f32
    %broadcast_in_dim3A_261 = vector.broadcast %broadcast_in_dim3A_260 : f32 to vector<16xf32>
    %scan3A_262 = arith.constant 0 : i32
    %scan3A_263 = arith.constant 8 : i32
    %scan3A_264 = arith.addi %scan3A_262, %scan3A_263 : i32
    %scan3A_265 = arith.constant 1 : i32
    %scan3A_266:32 = scf.for %scan3A_778 = %scan3A_262 to %scan3A_264 step %scan3A_265 iter_args(%scan3A_779 = %broadcast_in_dim3A_255, %scan3A_780 = %broadcast_in_dim3A_257, %scan3A_781 = %broadcast_in_dim3A_259, %scan3A_782 = %broadcast_in_dim3A_261, %scan3A_783 = %broadcast_in_dim3A_255, %scan3A_784 = %broadcast_in_dim3A_257, %scan3A_785 = %broadcast_in_dim3A_259, %scan3A_786 = %broadcast_in_dim3A_261, %scan3A_787 = %broadcast_in_dim3A_255, %scan3A_788 = %broadcast_in_dim3A_257, %scan3A_789 = %broadcast_in_dim3A_259, %scan3A_790 = %broadcast_in_dim3A_261, %scan3A_791 = %broadcast_in_dim3A_255, %scan3A_792 = %broadcast_in_dim3A_257, %scan3A_793 = %broadcast_in_dim3A_259, %scan3A_794 = %broadcast_in_dim3A_261, %scan3A_795 = %broadcast_in_dim3A_255, %scan3A_796 = %broadcast_in_dim3A_257, %scan3A_797 = %broadcast_in_dim3A_259, %scan3A_798 = %broadcast_in_dim3A_261, %scan3A_799 = %broadcast_in_dim3A_255, %scan3A_800 = %broadcast_in_dim3A_257, %scan3A_801 = %broadcast_in_dim3A_259, %scan3A_802 = %broadcast_in_dim3A_261, %scan3A_803 = %broadcast_in_dim3A_255, %scan3A_804 = %broadcast_in_dim3A_257, %scan3A_805 = %broadcast_in_dim3A_259, %scan3A_806 = %broadcast_in_dim3A_261, %scan3A_807 = %broadcast_in_dim3A_255, %scan3A_808 = %broadcast_in_dim3A_257, %scan3A_809 = %broadcast_in_dim3A_259, %scan3A_810 = %broadcast_in_dim3A_261) -> (vector<16xf32>, vector<16xf32>, vector<16xf32>, vector<16xf32>, vector<16xf32>, vector<16xf32>, vector<16xf32>, vector<16xf32>, vector<16xf32>, vector<16xf32>, vector<16xf32>, vector<16xf32>, vector<16xf32>, vector<16xf32>, vector<16xf32>, vector<16xf32>, vector<16xf32>, vector<16xf32>, vector<16xf32>, vector<16xf32>, vector<16xf32>, vector<16xf32>, vector<16xf32>, vector<16xf32>, vector<16xf32>, vector<16xf32>, vector<16xf32>, vector<16xf32>, vector<16xf32>, vector<16xf32>, vector<16xf32>, vector<16xf32>)  : i32 {
      %mul3A_811 = arith.constant 8 : i32
      %mul3A_812 = arith.muli %scan3A_778, %mul3A_811 : i32
      %add3A_813 = arith.constant 0 : i32
      %add3A_814 = arith.addi %mul3A_812, %add3A_813 : i32
      %mul3A_815 = arith.constant 16 : i32
      %mul3A_816 = arith.muli %add3A_814, %mul3A_815 : i32
      %convert_element_type3A_817 = arith.sitofp %mul3A_816 : i32 to f32
      %add3A_818 = vector.broadcast %convert_element_type3A_817 : f32 to vector<16xf32>
      %add3A_819 = arith.addf %add3A_818, %convert_element_type3A : vector<16xf32>
      %mul3A_820 = arith.constant 16 : i32
      %mul3A_821 = arith.muli %add3A_814, %mul3A_820 : i32
      %get3A = arith.index_cast %mul3A_821 : i32 to index
      %get3A_822 = tpu.vector_load %arg10[%get3A] {strides = array<i32>} : memref<1024xf32, #tpu.memory_space<vmem>>, vector<16xf32>,
      %mul3A_823 = arith.constant 16 : i32
      %mul3A_824 = arith.muli %add3A_814, %mul3A_823 : i32
      %get3A_825 = arith.index_cast %mul3A_824 : i32 to index
      %get3A_826 = tpu.vector_load %arg11[%get3A_825] {strides = array<i32>} : memref<1024xf32, #tpu.memory_space<vmem>>, vector<16xf32>,
      %gt3A = arith.cmpf ogt, %get3A_822, %scan3A_779 : vector<16xf32>
      %select_n3A_827 = arith.select %gt3A, %add3A_819, %scan3A_780 : vector<16xi1>, vector<16xf32>
      %max3A_828 = arith.maximumf %scan3A_779, %get3A_822 : vector<16xf32>
      %lt3A = arith.cmpf olt, %get3A_826, %scan3A_781 : vector<16xf32>
      %select_n3A_829 = arith.select %lt3A, %add3A_819, %scan3A_782 : vector<16xi1>, vector<16xf32>
      %min3A_830 = arith.minimumf %scan3A_781, %get3A_826 : vector<16xf32>
      %mul3A_831 = arith.constant 8 : i32
      %mul3A_832 = arith.muli %scan3A_778, %mul3A_831 : i32
      %add3A_833 = arith.constant 1 : i32
      %add3A_834 = arith.addi %mul3A_832, %add3A_833 : i32
      %mul3A_835 = arith.constant 16 : i32
      %mul3A_836 = arith.muli %add3A_834, %mul3A_835 : i32
      %convert_element_type3A_837 = arith.sitofp %mul3A_836 : i32 to f32
      %add3A_838 = vector.broadcast %convert_element_type3A_837 : f32 to vector<16xf32>
      %add3A_839 = arith.addf %add3A_838, %convert_element_type3A : vector<16xf32>
      %mul3A_840 = arith.constant 16 : i32
      %mul3A_841 = arith.muli %add3A_834, %mul3A_840 : i32
      %get3A_842 = arith.index_cast %mul3A_841 : i32 to index
      %get3A_843 = tpu.vector_load %arg10[%get3A_842] {strides = array<i32>} : memref<1024xf32, #tpu.memory_space<vmem>>, vector<16xf32>,
      %mul3A_844 = arith.constant 16 : i32
      %mul3A_845 = arith.muli %add3A_834, %mul3A_844 : i32
      %get3A_846 = arith.index_cast %mul3A_845 : i32 to index
      %get3A_847 = tpu.vector_load %arg11[%get3A_846] {strides = array<i32>} : memref<1024xf32, #tpu.memory_space<vmem>>, vector<16xf32>,
      %gt3A_848 = arith.cmpf ogt, %get3A_843, %scan3A_783 : vector<16xf32>
      %select_n3A_849 = arith.select %gt3A_848, %add3A_839, %scan3A_784 : vector<16xi1>, vector<16xf32>
      %max3A_850 = arith.maximumf %scan3A_783, %get3A_843 : vector<16xf32>
      %lt3A_851 = arith.cmpf olt, %get3A_847, %scan3A_785 : vector<16xf32>
      %select_n3A_852 = arith.select %lt3A_851, %add3A_839, %scan3A_786 : vector<16xi1>, vector<16xf32>
      %min3A_853 = arith.minimumf %scan3A_785, %get3A_847 : vector<16xf32>
      %mul3A_854 = arith.constant 8 : i32
      %mul3A_855 = arith.muli %scan3A_778, %mul3A_854 : i32
      %add3A_856 = arith.constant 2 : i32
      %add3A_857 = arith.addi %mul3A_855, %add3A_856 : i32
      %mul3A_858 = arith.constant 16 : i32
      %mul3A_859 = arith.muli %add3A_857, %mul3A_858 : i32
      %convert_element_type3A_860 = arith.sitofp %mul3A_859 : i32 to f32
      %add3A_861 = vector.broadcast %convert_element_type3A_860 : f32 to vector<16xf32>
      %add3A_862 = arith.addf %add3A_861, %convert_element_type3A : vector<16xf32>
      %mul3A_863 = arith.constant 16 : i32
      %mul3A_864 = arith.muli %add3A_857, %mul3A_863 : i32
      %get3A_865 = arith.index_cast %mul3A_864 : i32 to index
      %get3A_866 = tpu.vector_load %arg10[%get3A_865] {strides = array<i32>} : memref<1024xf32, #tpu.memory_space<vmem>>, vector<16xf32>,
      %mul3A_867 = arith.constant 16 : i32
      %mul3A_868 = arith.muli %add3A_857, %mul3A_867 : i32
      %get3A_869 = arith.index_cast %mul3A_868 : i32 to index
      %get3A_870 = tpu.vector_load %arg11[%get3A_869] {strides = array<i32>} : memref<1024xf32, #tpu.memory_space<vmem>>, vector<16xf32>,
      %gt3A_871 = arith.cmpf ogt, %get3A_866, %scan3A_787 : vector<16xf32>
      %select_n3A_872 = arith.select %gt3A_871, %add3A_862, %scan3A_788 : vector<16xi1>, vector<16xf32>
      %max3A_873 = arith.maximumf %scan3A_787, %get3A_866 : vector<16xf32>
      %lt3A_874 = arith.cmpf olt, %get3A_870, %scan3A_789 : vector<16xf32>
      %select_n3A_875 = arith.select %lt3A_874, %add3A_862, %scan3A_790 : vector<16xi1>, vector<16xf32>
      %min3A_876 = arith.minimumf %scan3A_789, %get3A_870 : vector<16xf32>
      %mul3A_877 = arith.constant 8 : i32
      %mul3A_878 = arith.muli %scan3A_778, %mul3A_877 : i32
      %add3A_879 = arith.constant 3 : i32
      %add3A_880 = arith.addi %mul3A_878, %add3A_879 : i32
      %mul3A_881 = arith.constant 16 : i32
      %mul3A_882 = arith.muli %add3A_880, %mul3A_881 : i32
      %convert_element_type3A_883 = arith.sitofp %mul3A_882 : i32 to f32
      %add3A_884 = vector.broadcast %convert_element_type3A_883 : f32 to vector<16xf32>
      %add3A_885 = arith.addf %add3A_884, %convert_element_type3A : vector<16xf32>
      %mul3A_886 = arith.constant 16 : i32
      %mul3A_887 = arith.muli %add3A_880, %mul3A_886 : i32
      %get3A_888 = arith.index_cast %mul3A_887 : i32 to index
      %get3A_889 = tpu.vector_load %arg10[%get3A_888] {strides = array<i32>} : memref<1024xf32, #tpu.memory_space<vmem>>, vector<16xf32>,
      %mul3A_890 = arith.constant 16 : i32
      %mul3A_891 = arith.muli %add3A_880, %mul3A_890 : i32
      %get3A_892 = arith.index_cast %mul3A_891 : i32 to index
      %get3A_893 = tpu.vector_load %arg11[%get3A_892] {strides = array<i32>} : memref<1024xf32, #tpu.memory_space<vmem>>, vector<16xf32>,
      %gt3A_894 = arith.cmpf ogt, %get3A_889, %scan3A_791 : vector<16xf32>
      %select_n3A_895 = arith.select %gt3A_894, %add3A_885, %scan3A_792 : vector<16xi1>, vector<16xf32>
      %max3A_896 = arith.maximumf %scan3A_791, %get3A_889 : vector<16xf32>
      %lt3A_897 = arith.cmpf olt, %get3A_893, %scan3A_793 : vector<16xf32>
      %select_n3A_898 = arith.select %lt3A_897, %add3A_885, %scan3A_794 : vector<16xi1>, vector<16xf32>
      %min3A_899 = arith.minimumf %scan3A_793, %get3A_893 : vector<16xf32>
      %mul3A_900 = arith.constant 8 : i32
      %mul3A_901 = arith.muli %scan3A_778, %mul3A_900 : i32
      %add3A_902 = arith.constant 4 : i32
      %add3A_903 = arith.addi %mul3A_901, %add3A_902 : i32
      %mul3A_904 = arith.constant 16 : i32
      %mul3A_905 = arith.muli %add3A_903, %mul3A_904 : i32
      %convert_element_type3A_906 = arith.sitofp %mul3A_905 : i32 to f32
      %add3A_907 = vector.broadcast %convert_element_type3A_906 : f32 to vector<16xf32>
      %add3A_908 = arith.addf %add3A_907, %convert_element_type3A : vector<16xf32>
      %mul3A_909 = arith.constant 16 : i32
      %mul3A_910 = arith.muli %add3A_903, %mul3A_909 : i32
      %get3A_911 = arith.index_cast %mul3A_910 : i32 to index
      %get3A_912 = tpu.vector_load %arg10[%get3A_911] {strides = array<i32>} : memref<1024xf32, #tpu.memory_space<vmem>>, vector<16xf32>,
      %mul3A_913 = arith.constant 16 : i32
      %mul3A_914 = arith.muli %add3A_903, %mul3A_913 : i32
      %get3A_915 = arith.index_cast %mul3A_914 : i32 to index
      %get3A_916 = tpu.vector_load %arg11[%get3A_915] {strides = array<i32>} : memref<1024xf32, #tpu.memory_space<vmem>>, vector<16xf32>,
      %gt3A_917 = arith.cmpf ogt, %get3A_912, %scan3A_795 : vector<16xf32>
      %select_n3A_918 = arith.select %gt3A_917, %add3A_908, %scan3A_796 : vector<16xi1>, vector<16xf32>
      %max3A_919 = arith.maximumf %scan3A_795, %get3A_912 : vector<16xf32>
      %lt3A_920 = arith.cmpf olt, %get3A_916, %scan3A_797 : vector<16xf32>
      %select_n3A_921 = arith.select %lt3A_920, %add3A_908, %scan3A_798 : vector<16xi1>, vector<16xf32>
      %min3A_922 = arith.minimumf %scan3A_797, %get3A_916 : vector<16xf32>
      %mul3A_923 = arith.constant 8 : i32
      %mul3A_924 = arith.muli %scan3A_778, %mul3A_923 : i32
      %add3A_925 = arith.constant 5 : i32
      %add3A_926 = arith.addi %mul3A_924, %add3A_925 : i32
      %mul3A_927 = arith.constant 16 : i32
      %mul3A_928 = arith.muli %add3A_926, %mul3A_927 : i32
      %convert_element_type3A_929 = arith.sitofp %mul3A_928 : i32 to f32
      %add3A_930 = vector.broadcast %convert_element_type3A_929 : f32 to vector<16xf32>
      %add3A_931 = arith.addf %add3A_930, %convert_element_type3A : vector<16xf32>
      %mul3A_932 = arith.constant 16 : i32
      %mul3A_933 = arith.muli %add3A_926, %mul3A_932 : i32
      %get3A_934 = arith.index_cast %mul3A_933 : i32 to index
      %get3A_935 = tpu.vector_load %arg10[%get3A_934] {strides = array<i32>} : memref<1024xf32, #tpu.memory_space<vmem>>, vector<16xf32>,
      %mul3A_936 = arith.constant 16 : i32
      %mul3A_937 = arith.muli %add3A_926, %mul3A_936 : i32
      %get3A_938 = arith.index_cast %mul3A_937 : i32 to index
      %get3A_939 = tpu.vector_load %arg11[%get3A_938] {strides = array<i32>} : memref<1024xf32, #tpu.memory_space<vmem>>, vector<16xf32>,
      %gt3A_940 = arith.cmpf ogt, %get3A_935, %scan3A_799 : vector<16xf32>
      %select_n3A_941 = arith.select %gt3A_940, %add3A_931, %scan3A_800 : vector<16xi1>, vector<16xf32>
      %max3A_942 = arith.maximumf %scan3A_799, %get3A_935 : vector<16xf32>
      %lt3A_943 = arith.cmpf olt, %get3A_939, %scan3A_801 : vector<16xf32>
      %select_n3A_944 = arith.select %lt3A_943, %add3A_931, %scan3A_802 : vector<16xi1>, vector<16xf32>
      %min3A_945 = arith.minimumf %scan3A_801, %get3A_939 : vector<16xf32>
      %mul3A_946 = arith.constant 8 : i32
      %mul3A_947 = arith.muli %scan3A_778, %mul3A_946 : i32
      %add3A_948 = arith.constant 6 : i32
      %add3A_949 = arith.addi %mul3A_947, %add3A_948 : i32
      %mul3A_950 = arith.constant 16 : i32
      %mul3A_951 = arith.muli %add3A_949, %mul3A_950 : i32
      %convert_element_type3A_952 = arith.sitofp %mul3A_951 : i32 to f32
      %add3A_953 = vector.broadcast %convert_element_type3A_952 : f32 to vector<16xf32>
      %add3A_954 = arith.addf %add3A_953, %convert_element_type3A : vector<16xf32>
      %mul3A_955 = arith.constant 16 : i32
      %mul3A_956 = arith.muli %add3A_949, %mul3A_955 : i32
      %get3A_957 = arith.index_cast %mul3A_956 : i32 to index
      %get3A_958 = tpu.vector_load %arg10[%get3A_957] {strides = array<i32>} : memref<1024xf32, #tpu.memory_space<vmem>>, vector<16xf32>,
      %mul3A_959 = arith.constant 16 : i32
      %mul3A_960 = arith.muli %add3A_949, %mul3A_959 : i32
      %get3A_961 = arith.index_cast %mul3A_960 : i32 to index
      %get3A_962 = tpu.vector_load %arg11[%get3A_961] {strides = array<i32>} : memref<1024xf32, #tpu.memory_space<vmem>>, vector<16xf32>,
      %gt3A_963 = arith.cmpf ogt, %get3A_958, %scan3A_803 : vector<16xf32>
      %select_n3A_964 = arith.select %gt3A_963, %add3A_954, %scan3A_804 : vector<16xi1>, vector<16xf32>
      %max3A_965 = arith.maximumf %scan3A_803, %get3A_958 : vector<16xf32>
      %lt3A_966 = arith.cmpf olt, %get3A_962, %scan3A_805 : vector<16xf32>
      %select_n3A_967 = arith.select %lt3A_966, %add3A_954, %scan3A_806 : vector<16xi1>, vector<16xf32>
      %min3A_968 = arith.minimumf %scan3A_805, %get3A_962 : vector<16xf32>
      %mul3A_969 = arith.constant 8 : i32
      %mul3A_970 = arith.muli %scan3A_778, %mul3A_969 : i32
      %add3A_971 = arith.constant 7 : i32
      %add3A_972 = arith.addi %mul3A_970, %add3A_971 : i32
      %mul3A_973 = arith.constant 16 : i32
      %mul3A_974 = arith.muli %add3A_972, %mul3A_973 : i32
      %convert_element_type3A_975 = arith.sitofp %mul3A_974 : i32 to f32
      %add3A_976 = vector.broadcast %convert_element_type3A_975 : f32 to vector<16xf32>
      %add3A_977 = arith.addf %add3A_976, %convert_element_type3A : vector<16xf32>
      %mul3A_978 = arith.constant 16 : i32
      %mul3A_979 = arith.muli %add3A_972, %mul3A_978 : i32
      %get3A_980 = arith.index_cast %mul3A_979 : i32 to index
      %get3A_981 = tpu.vector_load %arg10[%get3A_980] {strides = array<i32>} : memref<1024xf32, #tpu.memory_space<vmem>>, vector<16xf32>,
      %mul3A_982 = arith.constant 16 : i32
      %mul3A_983 = arith.muli %add3A_972, %mul3A_982 : i32
      %get3A_984 = arith.index_cast %mul3A_983 : i32 to index
      %get3A_985 = tpu.vector_load %arg11[%get3A_984] {strides = array<i32>} : memref<1024xf32, #tpu.memory_space<vmem>>, vector<16xf32>,
      %gt3A_986 = arith.cmpf ogt, %get3A_981, %scan3A_807 : vector<16xf32>
      %select_n3A_987 = arith.select %gt3A_986, %add3A_977, %scan3A_808 : vector<16xi1>, vector<16xf32>
      %max3A_988 = arith.maximumf %scan3A_807, %get3A_981 : vector<16xf32>
      %lt3A_989 = arith.cmpf olt, %get3A_985, %scan3A_809 : vector<16xf32>
      %select_n3A_990 = arith.select %lt3A_989, %add3A_977, %scan3A_810 : vector<16xi1>, vector<16xf32>
      %min3A_991 = arith.minimumf %scan3A_809, %get3A_985 : vector<16xf32>
      scf.yield %max3A_828, %select_n3A_827, %min3A_830, %select_n3A_829, %max3A_850, %select_n3A_849, %min3A_853, %select_n3A_852, %max3A_873, %select_n3A_872, %min3A_876, %select_n3A_875, %max3A_896, %select_n3A_895, %min3A_899, %select_n3A_898, %max3A_919, %select_n3A_918, %min3A_922, %select_n3A_921, %max3A_942, %select_n3A_941, %min3A_945, %select_n3A_944, %max3A_965, %select_n3A_964, %min3A_968, %select_n3A_967, %max3A_988, %select_n3A_987, %min3A_991, %select_n3A_990 : vector<16xf32>, vector<16xf32>, vector<16xf32>, vector<16xf32>, vector<16xf32>, vector<16xf32>, vector<16xf32>, vector<16xf32>, vector<16xf32>, vector<16xf32>, vector<16xf32>, vector<16xf32>, vector<16xf32>, vector<16xf32>, vector<16xf32>, vector<16xf32>, vector<16xf32>, vector<16xf32>, vector<16xf32>, vector<16xf32>, vector<16xf32>, vector<16xf32>, vector<16xf32>, vector<16xf32>, vector<16xf32>, vector<16xf32>, vector<16xf32>, vector<16xf32>, vector<16xf32>, vector<16xf32>, vector<16xf32>, vector<16xf32>
    }
    %scan3A_267 = arith.constant 8 : i32
    %max3A_268 = arith.maximumf %scan3A_266#0, %scan3A_266#4 : vector<16xf32>
    %min3A_269 = arith.minimumf %scan3A_266#2, %scan3A_266#6 : vector<16xf32>
    %max3A_270 = arith.maximumf %max3A_268, %scan3A_266#8 : vector<16xf32>
    %min3A_271 = arith.minimumf %min3A_269, %scan3A_266#10 : vector<16xf32>
    %max3A_272 = arith.maximumf %max3A_270, %scan3A_266#12 : vector<16xf32>
    %min3A_273 = arith.minimumf %min3A_271, %scan3A_266#14 : vector<16xf32>
    %max3A_274 = arith.maximumf %max3A_272, %scan3A_266#16 : vector<16xf32>
    %min3A_275 = arith.minimumf %min3A_273, %scan3A_266#18 : vector<16xf32>
    %max3A_276 = arith.maximumf %max3A_274, %scan3A_266#20 : vector<16xf32>
    %min3A_277 = arith.minimumf %min3A_275, %scan3A_266#22 : vector<16xf32>
    %max3A_278 = arith.maximumf %max3A_276, %scan3A_266#24 : vector<16xf32>
    %min3A_279 = arith.minimumf %min3A_277, %scan3A_266#26 : vector<16xf32>
    %max3A_280 = arith.maximumf %max3A_278, %scan3A_266#28 : vector<16xf32>
    %min3A_281 = arith.minimumf %min3A_279, %scan3A_266#30 : vector<16xf32>
    %broadcast_in_dim3A_282 = arith.constant 1.024000e+03 : f32
    %broadcast_in_dim3A_283 = vector.broadcast %broadcast_in_dim3A_282 : f32 to vector<16xf32>
    %broadcast_in_dim3A_284 = arith.constant 1.024000e+03 : f32
    %broadcast_in_dim3A_285 = vector.broadcast %broadcast_in_dim3A_284 : f32 to vector<16xf32>
    %eq3A_286 = arith.cmpf oeq, %scan3A_266#0, %max3A_280 : vector<16xf32>
    %jit3A_287 = arith.constant 1.024000e+03 : f32
    %broadcast_in_dim3A_288 = vector.broadcast %jit3A_287 : f32 to vector<16xf32>
    %select_n3A_289 = arith.select %eq3A_286, %scan3A_266#1, %broadcast_in_dim3A_288 : vector<16xi1>, vector<16xf32>
    %min3A_290 = arith.minimumf %broadcast_in_dim3A_283, %select_n3A_289 : vector<16xf32>
    %eq3A_291 = arith.cmpf oeq, %scan3A_266#2, %min3A_281 : vector<16xf32>
    %jit3A_292 = arith.constant 1.024000e+03 : f32
    %broadcast_in_dim3A_293 = vector.broadcast %jit3A_292 : f32 to vector<16xf32>
    %select_n3A_294 = arith.select %eq3A_291, %scan3A_266#3, %broadcast_in_dim3A_293 : vector<16xi1>, vector<16xf32>
    %min3A_295 = arith.minimumf %broadcast_in_dim3A_285, %select_n3A_294 : vector<16xf32>
    %eq3A_296 = arith.cmpf oeq, %scan3A_266#4, %max3A_280 : vector<16xf32>
    %jit3A_297 = arith.constant 1.024000e+03 : f32
    %broadcast_in_dim3A_298 = vector.broadcast %jit3A_297 : f32 to vector<16xf32>
    %select_n3A_299 = arith.select %eq3A_296, %scan3A_266#5, %broadcast_in_dim3A_298 : vector<16xi1>, vector<16xf32>
    %min3A_300 = arith.minimumf %min3A_290, %select_n3A_299 : vector<16xf32>
    %eq3A_301 = arith.cmpf oeq, %scan3A_266#6, %min3A_281 : vector<16xf32>
    %jit3A_302 = arith.constant 1.024000e+03 : f32
    %broadcast_in_dim3A_303 = vector.broadcast %jit3A_302 : f32 to vector<16xf32>
    %select_n3A_304 = arith.select %eq3A_301, %scan3A_266#7, %broadcast_in_dim3A_303 : vector<16xi1>, vector<16xf32>
    %min3A_305 = arith.minimumf %min3A_295, %select_n3A_304 : vector<16xf32>
    %eq3A_306 = arith.cmpf oeq, %scan3A_266#8, %max3A_280 : vector<16xf32>
    %jit3A_307 = arith.constant 1.024000e+03 : f32
    %broadcast_in_dim3A_308 = vector.broadcast %jit3A_307 : f32 to vector<16xf32>
    %select_n3A_309 = arith.select %eq3A_306, %scan3A_266#9, %broadcast_in_dim3A_308 : vector<16xi1>, vector<16xf32>
    %min3A_310 = arith.minimumf %min3A_300, %select_n3A_309 : vector<16xf32>
    %eq3A_311 = arith.cmpf oeq, %scan3A_266#10, %min3A_281 : vector<16xf32>
    %jit3A_312 = arith.constant 1.024000e+03 : f32
    %broadcast_in_dim3A_313 = vector.broadcast %jit3A_312 : f32 to vector<16xf32>
    %select_n3A_314 = arith.select %eq3A_311, %scan3A_266#11, %broadcast_in_dim3A_313 : vector<16xi1>, vector<16xf32>
    %min3A_315 = arith.minimumf %min3A_305, %select_n3A_314 : vector<16xf32>
    %eq3A_316 = arith.cmpf oeq, %scan3A_266#12, %max3A_280 : vector<16xf32>
    %jit3A_317 = arith.constant 1.024000e+03 : f32
    %broadcast_in_dim3A_318 = vector.broadcast %jit3A_317 : f32 to vector<16xf32>
    %select_n3A_319 = arith.select %eq3A_316, %scan3A_266#13, %broadcast_in_dim3A_318 : vector<16xi1>, vector<16xf32>
    %min3A_320 = arith.minimumf %min3A_310, %select_n3A_319 : vector<16xf32>
    %eq3A_321 = arith.cmpf oeq, %scan3A_266#14, %min3A_281 : vector<16xf32>
    %jit3A_322 = arith.constant 1.024000e+03 : f32
    %broadcast_in_dim3A_323 = vector.broadcast %jit3A_322 : f32 to vector<16xf32>
    %select_n3A_324 = arith.select %eq3A_321, %scan3A_266#15, %broadcast_in_dim3A_323 : vector<16xi1>, vector<16xf32>
    %min3A_325 = arith.minimumf %min3A_315, %select_n3A_324 : vector<16xf32>
    %eq3A_326 = arith.cmpf oeq, %scan3A_266#16, %max3A_280 : vector<16xf32>
    %jit3A_327 = arith.constant 1.024000e+03 : f32
    %broadcast_in_dim3A_328 = vector.broadcast %jit3A_327 : f32 to vector<16xf32>
    %select_n3A_329 = arith.select %eq3A_326, %scan3A_266#17, %broadcast_in_dim3A_328 : vector<16xi1>, vector<16xf32>
    %min3A_330 = arith.minimumf %min3A_320, %select_n3A_329 : vector<16xf32>
    %eq3A_331 = arith.cmpf oeq, %scan3A_266#18, %min3A_281 : vector<16xf32>
    %jit3A_332 = arith.constant 1.024000e+03 : f32
    %broadcast_in_dim3A_333 = vector.broadcast %jit3A_332 : f32 to vector<16xf32>
    %select_n3A_334 = arith.select %eq3A_331, %scan3A_266#19, %broadcast_in_dim3A_333 : vector<16xi1>, vector<16xf32>
    %min3A_335 = arith.minimumf %min3A_325, %select_n3A_334 : vector<16xf32>
    %eq3A_336 = arith.cmpf oeq, %scan3A_266#20, %max3A_280 : vector<16xf32>
    %jit3A_337 = arith.constant 1.024000e+03 : f32
    %broadcast_in_dim3A_338 = vector.broadcast %jit3A_337 : f32 to vector<16xf32>
    %select_n3A_339 = arith.select %eq3A_336, %scan3A_266#21, %broadcast_in_dim3A_338 : vector<16xi1>, vector<16xf32>
    %min3A_340 = arith.minimumf %min3A_330, %select_n3A_339 : vector<16xf32>
    %eq3A_341 = arith.cmpf oeq, %scan3A_266#22, %min3A_281 : vector<16xf32>
    %jit3A_342 = arith.constant 1.024000e+03 : f32
    %broadcast_in_dim3A_343 = vector.broadcast %jit3A_342 : f32 to vector<16xf32>
    %select_n3A_344 = arith.select %eq3A_341, %scan3A_266#23, %broadcast_in_dim3A_343 : vector<16xi1>, vector<16xf32>
    %min3A_345 = arith.minimumf %min3A_335, %select_n3A_344 : vector<16xf32>
    %eq3A_346 = arith.cmpf oeq, %scan3A_266#24, %max3A_280 : vector<16xf32>
    %jit3A_347 = arith.constant 1.024000e+03 : f32
    %broadcast_in_dim3A_348 = vector.broadcast %jit3A_347 : f32 to vector<16xf32>
    %select_n3A_349 = arith.select %eq3A_346, %scan3A_266#25, %broadcast_in_dim3A_348 : vector<16xi1>, vector<16xf32>
    %min3A_350 = arith.minimumf %min3A_340, %select_n3A_349 : vector<16xf32>
    %eq3A_351 = arith.cmpf oeq, %scan3A_266#26, %min3A_281 : vector<16xf32>
    %jit3A_352 = arith.constant 1.024000e+03 : f32
    %broadcast_in_dim3A_353 = vector.broadcast %jit3A_352 : f32 to vector<16xf32>
    %select_n3A_354 = arith.select %eq3A_351, %scan3A_266#27, %broadcast_in_dim3A_353 : vector<16xi1>, vector<16xf32>
    %min3A_355 = arith.minimumf %min3A_345, %select_n3A_354 : vector<16xf32>
    %eq3A_356 = arith.cmpf oeq, %scan3A_266#28, %max3A_280 : vector<16xf32>
    %jit3A_357 = arith.constant 1.024000e+03 : f32
    %broadcast_in_dim3A_358 = vector.broadcast %jit3A_357 : f32 to vector<16xf32>
    %select_n3A_359 = arith.select %eq3A_356, %scan3A_266#29, %broadcast_in_dim3A_358 : vector<16xi1>, vector<16xf32>
    %min3A_360 = arith.minimumf %min3A_350, %select_n3A_359 : vector<16xf32>
    %eq3A_361 = arith.cmpf oeq, %scan3A_266#30, %min3A_281 : vector<16xf32>
    %jit3A_362 = arith.constant 1.024000e+03 : f32
    %broadcast_in_dim3A_363 = vector.broadcast %jit3A_362 : f32 to vector<16xf32>
    %select_n3A_364 = arith.select %eq3A_361, %scan3A_266#31, %broadcast_in_dim3A_363 : vector<16xi1>, vector<16xf32>
    %min3A_365 = arith.minimumf %min3A_355, %select_n3A_364 : vector<16xf32>
    %neg3A_366 = arith.constant 0.000000e+00 : f32
    %neg3A_367 = arith.constant 0x7F800000 : f32
    %neg3A_368 = arith.subf %neg3A_366, %neg3A_367 : f32
    %eq3A_369 = vector.broadcast %neg3A_368 : f32 to vector<16xf32>
    %eq3A_370 = arith.cmpf oeq, %max3A_280, %eq3A_369 : vector<16xf32>
    %jit3A_371 = arith.constant 0.000000e+00 : f32
    %broadcast_in_dim3A_372 = vector.broadcast %jit3A_371 : f32 to vector<16xf32>
    %select_n3A_373 = arith.select %eq3A_370, %broadcast_in_dim3A_372, %min3A_360 : vector<16xi1>, vector<16xf32>
    %eq3A_374 = arith.constant 0x7F800000 : f32
    %eq3A_375 = vector.broadcast %eq3A_374 : f32 to vector<16xf32>
    %eq3A_376 = arith.cmpf oeq, %min3A_281, %eq3A_375 : vector<16xf32>
    %jit3A_377 = arith.constant 0.000000e+00 : f32
    %broadcast_in_dim3A_378 = vector.broadcast %jit3A_377 : f32 to vector<16xf32>
    %select_n3A_379 = arith.select %eq3A_376, %broadcast_in_dim3A_378, %min3A_365 : vector<16xi1>, vector<16xf32>
    %reduce_max3A_380 = arith.constant true
    %reduce_max3A_381 = vector.broadcast %reduce_max3A_380 : i1 to vector<16xi1>
    %reduce_max3A_382 = tpu.scan <max>, %max3A_280 masked %reduce_max3A_381 : vector<16xf32>, vector<16xi1> -> vector<16xf32>
    %reduce_max3A_383 = vector.extract %reduce_max3A_382[15] : f32 from vector<16xf32>
    %eq3A_384 = vector.broadcast %reduce_max3A_383 : f32 to vector<16xf32>
    %eq3A_385 = arith.cmpf oeq, %max3A_280, %eq3A_384 : vector<16xf32>
    %jit3A_386 = arith.constant 1.024000e+03 : f32
    %broadcast_in_dim3A_387 = vector.broadcast %jit3A_386 : f32 to vector<16xf32>
    %select_n3A_388 = arith.select %eq3A_385, %select_n3A_373, %broadcast_in_dim3A_387 : vector<16xi1>, vector<16xf32>
    %reduce_min3A_389 = arith.constant true
    %reduce_min3A_390 = vector.broadcast %reduce_min3A_389 : i1 to vector<16xi1>
    %reduce_min3A_391 = tpu.scan <min>, %select_n3A_388 masked %reduce_min3A_390 : vector<16xf32>, vector<16xi1> -> vector<16xf32>
    %reduce_min3A_392 = vector.extract %reduce_min3A_391[15] : f32 from vector<16xf32>
    %reduce_min3A_393 = arith.constant true
    %reduce_min3A_394 = vector.broadcast %reduce_min3A_393 : i1 to vector<16xi1>
    %reduce_min3A_395 = tpu.scan <min>, %min3A_281 masked %reduce_min3A_394 : vector<16xf32>, vector<16xi1> -> vector<16xf32>
    %reduce_min3A_396 = vector.extract %reduce_min3A_395[15] : f32 from vector<16xf32>
    %eq3A_397 = vector.broadcast %reduce_min3A_396 : f32 to vector<16xf32>
    %eq3A_398 = arith.cmpf oeq, %min3A_281, %eq3A_397 : vector<16xf32>
    %jit3A_399 = arith.constant 1.024000e+03 : f32
    %broadcast_in_dim3A_400 = vector.broadcast %jit3A_399 : f32 to vector<16xf32>
    %select_n3A_401 = arith.select %eq3A_398, %select_n3A_379, %broadcast_in_dim3A_400 : vector<16xi1>, vector<16xf32>
    %reduce_min3A_402 = arith.constant true
    %reduce_min3A_403 = vector.broadcast %reduce_min3A_402 : i1 to vector<16xi1>
    %reduce_min3A_404 = tpu.scan <min>, %select_n3A_401 masked %reduce_min3A_403 : vector<16xf32>, vector<16xi1> -> vector<16xf32>
    %reduce_min3A_405 = vector.extract %reduce_min3A_404[15] : f32 from vector<16xf32>
    %eq3A_406 = arith.constant 1 : i32
    %eq3A_407 = vector.broadcast %eq3A_406 : i32 to vector<16xi32>
    %eq3A_408 = arith.cmpi eq, %iota3A, %eq3A_407 : vector<16xi32>
    %broadcast_in_dim3A_409 = vector.broadcast %reduce_max3A_383 : f32 to vector<16xf32>
    %select_n3A_410 = arith.select %eq3A_408, %broadcast_in_dim3A_409, %select_n3A_233 : vector<16xi1>, vector<16xf32>
    %broadcast_in_dim3A_411 = vector.broadcast %reduce_min3A_392 : f32 to vector<16xf32>
    %select_n3A_412 = arith.select %eq3A_408, %broadcast_in_dim3A_411, %select_n3A_235 : vector<16xi1>, vector<16xf32>
    %broadcast_in_dim3A_413 = vector.broadcast %reduce_min3A_396 : f32 to vector<16xf32>
    %select_n3A_414 = arith.select %eq3A_408, %broadcast_in_dim3A_413, %select_n3A_237 : vector<16xi1>, vector<16xf32>
    %broadcast_in_dim3A_415 = vector.broadcast %reduce_min3A_405 : f32 to vector<16xf32>
    %select_n3A_416 = arith.select %eq3A_408, %broadcast_in_dim3A_415, %select_n3A_239 : vector<16xi1>, vector<16xf32>
    %dma_wait3A_417 = arith.constant 0 : i32
    %dma_wait3A_418 = tpu.memref_slice %arg2[%add3A_35, %dma_wait3A_417] : memref<128x1024xf32, #tpu.memory_space<hbm>> -> memref<1x1024xf32, #tpu.memory_space<hbm>>
    %dma_wait3A_419 = tpu.memref_squeeze %dma_wait3A_418 : memref<1x1024xf32, #tpu.memory_space<hbm>> -> memref<1024xf32, #tpu.memory_space<hbm>>
    %dma_wait3A_420 = arith.constant 0 : i32
    %dma_wait3A_421 = tpu.memref_slice %arg2[%add3A_35, %dma_wait3A_420] : memref<128x1024xf32, #tpu.memory_space<hbm>> -> memref<1x1024xf32, #tpu.memory_space<hbm>>
    %dma_wait3A_422 = tpu.memref_squeeze %dma_wait3A_421 : memref<1x1024xf32, #tpu.memory_space<hbm>> -> memref<1024xf32, #tpu.memory_space<hbm>>
    tpu.wait_dma2 semaphore(%arg22 : memref<!tpu.dma_semaphore, #tpu.memory_space<semaphore_mem>>) src(%dma_wait3A_422 : memref<1024xf32, #tpu.memory_space<hbm>>) dst(%arg12 : memref<1024xf32, #tpu.memory_space<vmem>>)
    %dma_wait3A_423 = arith.constant 0 : i32
    %dma_wait3A_424 = tpu.memref_slice %arg3[%add3A_43, %dma_wait3A_423] : memref<128x1024xf32, #tpu.memory_space<hbm>> -> memref<1x1024xf32, #tpu.memory_space<hbm>>
    %dma_wait3A_425 = tpu.memref_squeeze %dma_wait3A_424 : memref<1x1024xf32, #tpu.memory_space<hbm>> -> memref<1024xf32, #tpu.memory_space<hbm>>
    %dma_wait3A_426 = arith.constant 0 : i32
    %dma_wait3A_427 = tpu.memref_slice %arg3[%add3A_43, %dma_wait3A_426] : memref<128x1024xf32, #tpu.memory_space<hbm>> -> memref<1x1024xf32, #tpu.memory_space<hbm>>
    %dma_wait3A_428 = tpu.memref_squeeze %dma_wait3A_427 : memref<1x1024xf32, #tpu.memory_space<hbm>> -> memref<1024xf32, #tpu.memory_space<hbm>>
    tpu.wait_dma2 semaphore(%arg22 : memref<!tpu.dma_semaphore, #tpu.memory_space<semaphore_mem>>) src(%dma_wait3A_428 : memref<1024xf32, #tpu.memory_space<hbm>>) dst(%arg13 : memref<1024xf32, #tpu.memory_space<vmem>>)
    %neg3A_429 = arith.constant 0.000000e+00 : f32
    %neg3A_430 = arith.constant 0x7F800000 : f32
    %neg3A_431 = arith.subf %neg3A_429, %neg3A_430 : f32
    %broadcast_in_dim3A_432 = vector.broadcast %neg3A_431 : f32 to vector<16xf32>
    %broadcast_in_dim3A_433 = arith.constant 0.000000e+00 : f32
    %broadcast_in_dim3A_434 = vector.broadcast %broadcast_in_dim3A_433 : f32 to vector<16xf32>
    %broadcast_in_dim3A_435 = arith.constant 0x7F800000 : f32
    %broadcast_in_dim3A_436 = vector.broadcast %broadcast_in_dim3A_435 : f32 to vector<16xf32>
    %broadcast_in_dim3A_437 = arith.constant 0.000000e+00 : f32
    %broadcast_in_dim3A_438 = vector.broadcast %broadcast_in_dim3A_437 : f32 to vector<16xf32>
    %scan3A_439 = arith.constant 0 : i32
    %scan3A_440 = arith.constant 8 : i32
    %scan3A_441 = arith.addi %scan3A_439, %scan3A_440 : i32
    %scan3A_442 = arith.constant 1 : i32
    %scan3A_443:32 = scf.for %scan3A_778 = %scan3A_439 to %scan3A_441 step %scan3A_442 iter_args(%scan3A_779 = %broadcast_in_dim3A_432, %scan3A_780 = %broadcast_in_dim3A_434, %scan3A_781 = %broadcast_in_dim3A_436, %scan3A_782 = %broadcast_in_dim3A_438, %scan3A_783 = %broadcast_in_dim3A_432, %scan3A_784 = %broadcast_in_dim3A_434, %scan3A_785 = %broadcast_in_dim3A_436, %scan3A_786 = %broadcast_in_dim3A_438, %scan3A_787 = %broadcast_in_dim3A_432, %scan3A_788 = %broadcast_in_dim3A_434, %scan3A_789 = %broadcast_in_dim3A_436, %scan3A_790 = %broadcast_in_dim3A_438, %scan3A_791 = %broadcast_in_dim3A_432, %scan3A_792 = %broadcast_in_dim3A_434, %scan3A_793 = %broadcast_in_dim3A_436, %scan3A_794 = %broadcast_in_dim3A_438, %scan3A_795 = %broadcast_in_dim3A_432, %scan3A_796 = %broadcast_in_dim3A_434, %scan3A_797 = %broadcast_in_dim3A_436, %scan3A_798 = %broadcast_in_dim3A_438, %scan3A_799 = %broadcast_in_dim3A_432, %scan3A_800 = %broadcast_in_dim3A_434, %scan3A_801 = %broadcast_in_dim3A_436, %scan3A_802 = %broadcast_in_dim3A_438, %scan3A_803 = %broadcast_in_dim3A_432, %scan3A_804 = %broadcast_in_dim3A_434, %scan3A_805 = %broadcast_in_dim3A_436, %scan3A_806 = %broadcast_in_dim3A_438, %scan3A_807 = %broadcast_in_dim3A_432, %scan3A_808 = %broadcast_in_dim3A_434, %scan3A_809 = %broadcast_in_dim3A_436, %scan3A_810 = %broadcast_in_dim3A_438) -> (vector<16xf32>, vector<16xf32>, vector<16xf32>, vector<16xf32>, vector<16xf32>, vector<16xf32>, vector<16xf32>, vector<16xf32>, vector<16xf32>, vector<16xf32>, vector<16xf32>, vector<16xf32>, vector<16xf32>, vector<16xf32>, vector<16xf32>, vector<16xf32>, vector<16xf32>, vector<16xf32>, vector<16xf32>, vector<16xf32>, vector<16xf32>, vector<16xf32>, vector<16xf32>, vector<16xf32>, vector<16xf32>, vector<16xf32>, vector<16xf32>, vector<16xf32>, vector<16xf32>, vector<16xf32>, vector<16xf32>, vector<16xf32>)  : i32 {
      %mul3A_811 = arith.constant 8 : i32
      %mul3A_812 = arith.muli %scan3A_778, %mul3A_811 : i32
      %add3A_813 = arith.constant 0 : i32
      %add3A_814 = arith.addi %mul3A_812, %add3A_813 : i32
      %mul3A_815 = arith.constant 16 : i32
      %mul3A_816 = arith.muli %add3A_814, %mul3A_815 : i32
      %convert_element_type3A_817 = arith.sitofp %mul3A_816 : i32 to f32
      %add3A_818 = vector.broadcast %convert_element_type3A_817 : f32 to vector<16xf32>
      %add3A_819 = arith.addf %add3A_818, %convert_element_type3A : vector<16xf32>
      %mul3A_820 = arith.constant 16 : i32
      %mul3A_821 = arith.muli %add3A_814, %mul3A_820 : i32
      %get3A = arith.index_cast %mul3A_821 : i32 to index
      %get3A_822 = tpu.vector_load %arg12[%get3A] {strides = array<i32>} : memref<1024xf32, #tpu.memory_space<vmem>>, vector<16xf32>,
      %mul3A_823 = arith.constant 16 : i32
      %mul3A_824 = arith.muli %add3A_814, %mul3A_823 : i32
      %get3A_825 = arith.index_cast %mul3A_824 : i32 to index
      %get3A_826 = tpu.vector_load %arg13[%get3A_825] {strides = array<i32>} : memref<1024xf32, #tpu.memory_space<vmem>>, vector<16xf32>,
      %gt3A = arith.cmpf ogt, %get3A_822, %scan3A_779 : vector<16xf32>
      %select_n3A_827 = arith.select %gt3A, %add3A_819, %scan3A_780 : vector<16xi1>, vector<16xf32>
      %max3A_828 = arith.maximumf %scan3A_779, %get3A_822 : vector<16xf32>
      %lt3A = arith.cmpf olt, %get3A_826, %scan3A_781 : vector<16xf32>
      %select_n3A_829 = arith.select %lt3A, %add3A_819, %scan3A_782 : vector<16xi1>, vector<16xf32>
      %min3A_830 = arith.minimumf %scan3A_781, %get3A_826 : vector<16xf32>
      %mul3A_831 = arith.constant 8 : i32
      %mul3A_832 = arith.muli %scan3A_778, %mul3A_831 : i32
      %add3A_833 = arith.constant 1 : i32
      %add3A_834 = arith.addi %mul3A_832, %add3A_833 : i32
      %mul3A_835 = arith.constant 16 : i32
      %mul3A_836 = arith.muli %add3A_834, %mul3A_835 : i32
      %convert_element_type3A_837 = arith.sitofp %mul3A_836 : i32 to f32
      %add3A_838 = vector.broadcast %convert_element_type3A_837 : f32 to vector<16xf32>
      %add3A_839 = arith.addf %add3A_838, %convert_element_type3A : vector<16xf32>
      %mul3A_840 = arith.constant 16 : i32
      %mul3A_841 = arith.muli %add3A_834, %mul3A_840 : i32
      %get3A_842 = arith.index_cast %mul3A_841 : i32 to index
      %get3A_843 = tpu.vector_load %arg12[%get3A_842] {strides = array<i32>} : memref<1024xf32, #tpu.memory_space<vmem>>, vector<16xf32>,
      %mul3A_844 = arith.constant 16 : i32
      %mul3A_845 = arith.muli %add3A_834, %mul3A_844 : i32
      %get3A_846 = arith.index_cast %mul3A_845 : i32 to index
      %get3A_847 = tpu.vector_load %arg13[%get3A_846] {strides = array<i32>} : memref<1024xf32, #tpu.memory_space<vmem>>, vector<16xf32>,
      %gt3A_848 = arith.cmpf ogt, %get3A_843, %scan3A_783 : vector<16xf32>
      %select_n3A_849 = arith.select %gt3A_848, %add3A_839, %scan3A_784 : vector<16xi1>, vector<16xf32>
      %max3A_850 = arith.maximumf %scan3A_783, %get3A_843 : vector<16xf32>
      %lt3A_851 = arith.cmpf olt, %get3A_847, %scan3A_785 : vector<16xf32>
      %select_n3A_852 = arith.select %lt3A_851, %add3A_839, %scan3A_786 : vector<16xi1>, vector<16xf32>
      %min3A_853 = arith.minimumf %scan3A_785, %get3A_847 : vector<16xf32>
      %mul3A_854 = arith.constant 8 : i32
      %mul3A_855 = arith.muli %scan3A_778, %mul3A_854 : i32
      %add3A_856 = arith.constant 2 : i32
      %add3A_857 = arith.addi %mul3A_855, %add3A_856 : i32
      %mul3A_858 = arith.constant 16 : i32
      %mul3A_859 = arith.muli %add3A_857, %mul3A_858 : i32
      %convert_element_type3A_860 = arith.sitofp %mul3A_859 : i32 to f32
      %add3A_861 = vector.broadcast %convert_element_type3A_860 : f32 to vector<16xf32>
      %add3A_862 = arith.addf %add3A_861, %convert_element_type3A : vector<16xf32>
      %mul3A_863 = arith.constant 16 : i32
      %mul3A_864 = arith.muli %add3A_857, %mul3A_863 : i32
      %get3A_865 = arith.index_cast %mul3A_864 : i32 to index
      %get3A_866 = tpu.vector_load %arg12[%get3A_865] {strides = array<i32>} : memref<1024xf32, #tpu.memory_space<vmem>>, vector<16xf32>,
      %mul3A_867 = arith.constant 16 : i32
      %mul3A_868 = arith.muli %add3A_857, %mul3A_867 : i32
      %get3A_869 = arith.index_cast %mul3A_868 : i32 to index
      %get3A_870 = tpu.vector_load %arg13[%get3A_869] {strides = array<i32>} : memref<1024xf32, #tpu.memory_space<vmem>>, vector<16xf32>,
      %gt3A_871 = arith.cmpf ogt, %get3A_866, %scan3A_787 : vector<16xf32>
      %select_n3A_872 = arith.select %gt3A_871, %add3A_862, %scan3A_788 : vector<16xi1>, vector<16xf32>
      %max3A_873 = arith.maximumf %scan3A_787, %get3A_866 : vector<16xf32>
      %lt3A_874 = arith.cmpf olt, %get3A_870, %scan3A_789 : vector<16xf32>
      %select_n3A_875 = arith.select %lt3A_874, %add3A_862, %scan3A_790 : vector<16xi1>, vector<16xf32>
      %min3A_876 = arith.minimumf %scan3A_789, %get3A_870 : vector<16xf32>
      %mul3A_877 = arith.constant 8 : i32
      %mul3A_878 = arith.muli %scan3A_778, %mul3A_877 : i32
      %add3A_879 = arith.constant 3 : i32
      %add3A_880 = arith.addi %mul3A_878, %add3A_879 : i32
      %mul3A_881 = arith.constant 16 : i32
      %mul3A_882 = arith.muli %add3A_880, %mul3A_881 : i32
      %convert_element_type3A_883 = arith.sitofp %mul3A_882 : i32 to f32
      %add3A_884 = vector.broadcast %convert_element_type3A_883 : f32 to vector<16xf32>
      %add3A_885 = arith.addf %add3A_884, %convert_element_type3A : vector<16xf32>
      %mul3A_886 = arith.constant 16 : i32
      %mul3A_887 = arith.muli %add3A_880, %mul3A_886 : i32
      %get3A_888 = arith.index_cast %mul3A_887 : i32 to index
      %get3A_889 = tpu.vector_load %arg12[%get3A_888] {strides = array<i32>} : memref<1024xf32, #tpu.memory_space<vmem>>, vector<16xf32>,
      %mul3A_890 = arith.constant 16 : i32
      %mul3A_891 = arith.muli %add3A_880, %mul3A_890 : i32
      %get3A_892 = arith.index_cast %mul3A_891 : i32 to index
      %get3A_893 = tpu.vector_load %arg13[%get3A_892] {strides = array<i32>} : memref<1024xf32, #tpu.memory_space<vmem>>, vector<16xf32>,
      %gt3A_894 = arith.cmpf ogt, %get3A_889, %scan3A_791 : vector<16xf32>
      %select_n3A_895 = arith.select %gt3A_894, %add3A_885, %scan3A_792 : vector<16xi1>, vector<16xf32>
      %max3A_896 = arith.maximumf %scan3A_791, %get3A_889 : vector<16xf32>
      %lt3A_897 = arith.cmpf olt, %get3A_893, %scan3A_793 : vector<16xf32>
      %select_n3A_898 = arith.select %lt3A_897, %add3A_885, %scan3A_794 : vector<16xi1>, vector<16xf32>
      %min3A_899 = arith.minimumf %scan3A_793, %get3A_893 : vector<16xf32>
      %mul3A_900 = arith.constant 8 : i32
      %mul3A_901 = arith.muli %scan3A_778, %mul3A_900 : i32
      %add3A_902 = arith.constant 4 : i32
      %add3A_903 = arith.addi %mul3A_901, %add3A_902 : i32
      %mul3A_904 = arith.constant 16 : i32
      %mul3A_905 = arith.muli %add3A_903, %mul3A_904 : i32
      %convert_element_type3A_906 = arith.sitofp %mul3A_905 : i32 to f32
      %add3A_907 = vector.broadcast %convert_element_type3A_906 : f32 to vector<16xf32>
      %add3A_908 = arith.addf %add3A_907, %convert_element_type3A : vector<16xf32>
      %mul3A_909 = arith.constant 16 : i32
      %mul3A_910 = arith.muli %add3A_903, %mul3A_909 : i32
      %get3A_911 = arith.index_cast %mul3A_910 : i32 to index
      %get3A_912 = tpu.vector_load %arg12[%get3A_911] {strides = array<i32>} : memref<1024xf32, #tpu.memory_space<vmem>>, vector<16xf32>,
      %mul3A_913 = arith.constant 16 : i32
      %mul3A_914 = arith.muli %add3A_903, %mul3A_913 : i32
      %get3A_915 = arith.index_cast %mul3A_914 : i32 to index
      %get3A_916 = tpu.vector_load %arg13[%get3A_915] {strides = array<i32>} : memref<1024xf32, #tpu.memory_space<vmem>>, vector<16xf32>,
      %gt3A_917 = arith.cmpf ogt, %get3A_912, %scan3A_795 : vector<16xf32>
      %select_n3A_918 = arith.select %gt3A_917, %add3A_908, %scan3A_796 : vector<16xi1>, vector<16xf32>
      %max3A_919 = arith.maximumf %scan3A_795, %get3A_912 : vector<16xf32>
      %lt3A_920 = arith.cmpf olt, %get3A_916, %scan3A_797 : vector<16xf32>
      %select_n3A_921 = arith.select %lt3A_920, %add3A_908, %scan3A_798 : vector<16xi1>, vector<16xf32>
      %min3A_922 = arith.minimumf %scan3A_797, %get3A_916 : vector<16xf32>
      %mul3A_923 = arith.constant 8 : i32
      %mul3A_924 = arith.muli %scan3A_778, %mul3A_923 : i32
      %add3A_925 = arith.constant 5 : i32
      %add3A_926 = arith.addi %mul3A_924, %add3A_925 : i32
      %mul3A_927 = arith.constant 16 : i32
      %mul3A_928 = arith.muli %add3A_926, %mul3A_927 : i32
      %convert_element_type3A_929 = arith.sitofp %mul3A_928 : i32 to f32
      %add3A_930 = vector.broadcast %convert_element_type3A_929 : f32 to vector<16xf32>
      %add3A_931 = arith.addf %add3A_930, %convert_element_type3A : vector<16xf32>
      %mul3A_932 = arith.constant 16 : i32
      %mul3A_933 = arith.muli %add3A_926, %mul3A_932 : i32
      %get3A_934 = arith.index_cast %mul3A_933 : i32 to index
      %get3A_935 = tpu.vector_load %arg12[%get3A_934] {strides = array<i32>} : memref<1024xf32, #tpu.memory_space<vmem>>, vector<16xf32>,
      %mul3A_936 = arith.constant 16 : i32
      %mul3A_937 = arith.muli %add3A_926, %mul3A_936 : i32
      %get3A_938 = arith.index_cast %mul3A_937 : i32 to index
      %get3A_939 = tpu.vector_load %arg13[%get3A_938] {strides = array<i32>} : memref<1024xf32, #tpu.memory_space<vmem>>, vector<16xf32>,
      %gt3A_940 = arith.cmpf ogt, %get3A_935, %scan3A_799 : vector<16xf32>
      %select_n3A_941 = arith.select %gt3A_940, %add3A_931, %scan3A_800 : vector<16xi1>, vector<16xf32>
      %max3A_942 = arith.maximumf %scan3A_799, %get3A_935 : vector<16xf32>
      %lt3A_943 = arith.cmpf olt, %get3A_939, %scan3A_801 : vector<16xf32>
      %select_n3A_944 = arith.select %lt3A_943, %add3A_931, %scan3A_802 : vector<16xi1>, vector<16xf32>
      %min3A_945 = arith.minimumf %scan3A_801, %get3A_939 : vector<16xf32>
      %mul3A_946 = arith.constant 8 : i32
      %mul3A_947 = arith.muli %scan3A_778, %mul3A_946 : i32
      %add3A_948 = arith.constant 6 : i32
      %add3A_949 = arith.addi %mul3A_947, %add3A_948 : i32
      %mul3A_950 = arith.constant 16 : i32
      %mul3A_951 = arith.muli %add3A_949, %mul3A_950 : i32
      %convert_element_type3A_952 = arith.sitofp %mul3A_951 : i32 to f32
      %add3A_953 = vector.broadcast %convert_element_type3A_952 : f32 to vector<16xf32>
      %add3A_954 = arith.addf %add3A_953, %convert_element_type3A : vector<16xf32>
      %mul3A_955 = arith.constant 16 : i32
      %mul3A_956 = arith.muli %add3A_949, %mul3A_955 : i32
      %get3A_957 = arith.index_cast %mul3A_956 : i32 to index
      %get3A_958 = tpu.vector_load %arg12[%get3A_957] {strides = array<i32>} : memref<1024xf32, #tpu.memory_space<vmem>>, vector<16xf32>,
      %mul3A_959 = arith.constant 16 : i32
      %mul3A_960 = arith.muli %add3A_949, %mul3A_959 : i32
      %get3A_961 = arith.index_cast %mul3A_960 : i32 to index
      %get3A_962 = tpu.vector_load %arg13[%get3A_961] {strides = array<i32>} : memref<1024xf32, #tpu.memory_space<vmem>>, vector<16xf32>,
      %gt3A_963 = arith.cmpf ogt, %get3A_958, %scan3A_803 : vector<16xf32>
      %select_n3A_964 = arith.select %gt3A_963, %add3A_954, %scan3A_804 : vector<16xi1>, vector<16xf32>
      %max3A_965 = arith.maximumf %scan3A_803, %get3A_958 : vector<16xf32>
      %lt3A_966 = arith.cmpf olt, %get3A_962, %scan3A_805 : vector<16xf32>
      %select_n3A_967 = arith.select %lt3A_966, %add3A_954, %scan3A_806 : vector<16xi1>, vector<16xf32>
      %min3A_968 = arith.minimumf %scan3A_805, %get3A_962 : vector<16xf32>
      %mul3A_969 = arith.constant 8 : i32
      %mul3A_970 = arith.muli %scan3A_778, %mul3A_969 : i32
      %add3A_971 = arith.constant 7 : i32
      %add3A_972 = arith.addi %mul3A_970, %add3A_971 : i32
      %mul3A_973 = arith.constant 16 : i32
      %mul3A_974 = arith.muli %add3A_972, %mul3A_973 : i32
      %convert_element_type3A_975 = arith.sitofp %mul3A_974 : i32 to f32
      %add3A_976 = vector.broadcast %convert_element_type3A_975 : f32 to vector<16xf32>
      %add3A_977 = arith.addf %add3A_976, %convert_element_type3A : vector<16xf32>
      %mul3A_978 = arith.constant 16 : i32
      %mul3A_979 = arith.muli %add3A_972, %mul3A_978 : i32
      %get3A_980 = arith.index_cast %mul3A_979 : i32 to index
      %get3A_981 = tpu.vector_load %arg12[%get3A_980] {strides = array<i32>} : memref<1024xf32, #tpu.memory_space<vmem>>, vector<16xf32>,
      %mul3A_982 = arith.constant 16 : i32
      %mul3A_983 = arith.muli %add3A_972, %mul3A_982 : i32
      %get3A_984 = arith.index_cast %mul3A_983 : i32 to index
      %get3A_985 = tpu.vector_load %arg13[%get3A_984] {strides = array<i32>} : memref<1024xf32, #tpu.memory_space<vmem>>, vector<16xf32>,
      %gt3A_986 = arith.cmpf ogt, %get3A_981, %scan3A_807 : vector<16xf32>
      %select_n3A_987 = arith.select %gt3A_986, %add3A_977, %scan3A_808 : vector<16xi1>, vector<16xf32>
      %max3A_988 = arith.maximumf %scan3A_807, %get3A_981 : vector<16xf32>
      %lt3A_989 = arith.cmpf olt, %get3A_985, %scan3A_809 : vector<16xf32>
      %select_n3A_990 = arith.select %lt3A_989, %add3A_977, %scan3A_810 : vector<16xi1>, vector<16xf32>
      %min3A_991 = arith.minimumf %scan3A_809, %get3A_985 : vector<16xf32>
      scf.yield %max3A_828, %select_n3A_827, %min3A_830, %select_n3A_829, %max3A_850, %select_n3A_849, %min3A_853, %select_n3A_852, %max3A_873, %select_n3A_872, %min3A_876, %select_n3A_875, %max3A_896, %select_n3A_895, %min3A_899, %select_n3A_898, %max3A_919, %select_n3A_918, %min3A_922, %select_n3A_921, %max3A_942, %select_n3A_941, %min3A_945, %select_n3A_944, %max3A_965, %select_n3A_964, %min3A_968, %select_n3A_967, %max3A_988, %select_n3A_987, %min3A_991, %select_n3A_990 : vector<16xf32>, vector<16xf32>, vector<16xf32>, vector<16xf32>, vector<16xf32>, vector<16xf32>, vector<16xf32>, vector<16xf32>, vector<16xf32>, vector<16xf32>, vector<16xf32>, vector<16xf32>, vector<16xf32>, vector<16xf32>, vector<16xf32>, vector<16xf32>, vector<16xf32>, vector<16xf32>, vector<16xf32>, vector<16xf32>, vector<16xf32>, vector<16xf32>, vector<16xf32>, vector<16xf32>, vector<16xf32>, vector<16xf32>, vector<16xf32>, vector<16xf32>, vector<16xf32>, vector<16xf32>, vector<16xf32>, vector<16xf32>
    }
    %scan3A_444 = arith.constant 8 : i32
    %max3A_445 = arith.maximumf %scan3A_443#0, %scan3A_443#4 : vector<16xf32>
    %min3A_446 = arith.minimumf %scan3A_443#2, %scan3A_443#6 : vector<16xf32>
    %max3A_447 = arith.maximumf %max3A_445, %scan3A_443#8 : vector<16xf32>
    %min3A_448 = arith.minimumf %min3A_446, %scan3A_443#10 : vector<16xf32>
    %max3A_449 = arith.maximumf %max3A_447, %scan3A_443#12 : vector<16xf32>
    %min3A_450 = arith.minimumf %min3A_448, %scan3A_443#14 : vector<16xf32>
    %max3A_451 = arith.maximumf %max3A_449, %scan3A_443#16 : vector<16xf32>
    %min3A_452 = arith.minimumf %min3A_450, %scan3A_443#18 : vector<16xf32>
    %max3A_453 = arith.maximumf %max3A_451, %scan3A_443#20 : vector<16xf32>
    %min3A_454 = arith.minimumf %min3A_452, %scan3A_443#22 : vector<16xf32>
    %max3A_455 = arith.maximumf %max3A_453, %scan3A_443#24 : vector<16xf32>
    %min3A_456 = arith.minimumf %min3A_454, %scan3A_443#26 : vector<16xf32>
    %max3A_457 = arith.maximumf %max3A_455, %scan3A_443#28 : vector<16xf32>
    %min3A_458 = arith.minimumf %min3A_456, %scan3A_443#30 : vector<16xf32>
    %broadcast_in_dim3A_459 = arith.constant 1.024000e+03 : f32
    %broadcast_in_dim3A_460 = vector.broadcast %broadcast_in_dim3A_459 : f32 to vector<16xf32>
    %broadcast_in_dim3A_461 = arith.constant 1.024000e+03 : f32
    %broadcast_in_dim3A_462 = vector.broadcast %broadcast_in_dim3A_461 : f32 to vector<16xf32>
    %eq3A_463 = arith.cmpf oeq, %scan3A_443#0, %max3A_457 : vector<16xf32>
    %jit3A_464 = arith.constant 1.024000e+03 : f32
    %broadcast_in_dim3A_465 = vector.broadcast %jit3A_464 : f32 to vector<16xf32>
    %select_n3A_466 = arith.select %eq3A_463, %scan3A_443#1, %broadcast_in_dim3A_465 : vector<16xi1>, vector<16xf32>
    %min3A_467 = arith.minimumf %broadcast_in_dim3A_460, %select_n3A_466 : vector<16xf32>
    %eq3A_468 = arith.cmpf oeq, %scan3A_443#2, %min3A_458 : vector<16xf32>
    %jit3A_469 = arith.constant 1.024000e+03 : f32
    %broadcast_in_dim3A_470 = vector.broadcast %jit3A_469 : f32 to vector<16xf32>
    %select_n3A_471 = arith.select %eq3A_468, %scan3A_443#3, %broadcast_in_dim3A_470 : vector<16xi1>, vector<16xf32>
    %min3A_472 = arith.minimumf %broadcast_in_dim3A_462, %select_n3A_471 : vector<16xf32>
    %eq3A_473 = arith.cmpf oeq, %scan3A_443#4, %max3A_457 : vector<16xf32>
    %jit3A_474 = arith.constant 1.024000e+03 : f32
    %broadcast_in_dim3A_475 = vector.broadcast %jit3A_474 : f32 to vector<16xf32>
    %select_n3A_476 = arith.select %eq3A_473, %scan3A_443#5, %broadcast_in_dim3A_475 : vector<16xi1>, vector<16xf32>
    %min3A_477 = arith.minimumf %min3A_467, %select_n3A_476 : vector<16xf32>
    %eq3A_478 = arith.cmpf oeq, %scan3A_443#6, %min3A_458 : vector<16xf32>
    %jit3A_479 = arith.constant 1.024000e+03 : f32
    %broadcast_in_dim3A_480 = vector.broadcast %jit3A_479 : f32 to vector<16xf32>
    %select_n3A_481 = arith.select %eq3A_478, %scan3A_443#7, %broadcast_in_dim3A_480 : vector<16xi1>, vector<16xf32>
    %min3A_482 = arith.minimumf %min3A_472, %select_n3A_481 : vector<16xf32>
    %eq3A_483 = arith.cmpf oeq, %scan3A_443#8, %max3A_457 : vector<16xf32>
    %jit3A_484 = arith.constant 1.024000e+03 : f32
    %broadcast_in_dim3A_485 = vector.broadcast %jit3A_484 : f32 to vector<16xf32>
    %select_n3A_486 = arith.select %eq3A_483, %scan3A_443#9, %broadcast_in_dim3A_485 : vector<16xi1>, vector<16xf32>
    %min3A_487 = arith.minimumf %min3A_477, %select_n3A_486 : vector<16xf32>
    %eq3A_488 = arith.cmpf oeq, %scan3A_443#10, %min3A_458 : vector<16xf32>
    %jit3A_489 = arith.constant 1.024000e+03 : f32
    %broadcast_in_dim3A_490 = vector.broadcast %jit3A_489 : f32 to vector<16xf32>
    %select_n3A_491 = arith.select %eq3A_488, %scan3A_443#11, %broadcast_in_dim3A_490 : vector<16xi1>, vector<16xf32>
    %min3A_492 = arith.minimumf %min3A_482, %select_n3A_491 : vector<16xf32>
    %eq3A_493 = arith.cmpf oeq, %scan3A_443#12, %max3A_457 : vector<16xf32>
    %jit3A_494 = arith.constant 1.024000e+03 : f32
    %broadcast_in_dim3A_495 = vector.broadcast %jit3A_494 : f32 to vector<16xf32>
    %select_n3A_496 = arith.select %eq3A_493, %scan3A_443#13, %broadcast_in_dim3A_495 : vector<16xi1>, vector<16xf32>
    %min3A_497 = arith.minimumf %min3A_487, %select_n3A_496 : vector<16xf32>
    %eq3A_498 = arith.cmpf oeq, %scan3A_443#14, %min3A_458 : vector<16xf32>
    %jit3A_499 = arith.constant 1.024000e+03 : f32
    %broadcast_in_dim3A_500 = vector.broadcast %jit3A_499 : f32 to vector<16xf32>
    %select_n3A_501 = arith.select %eq3A_498, %scan3A_443#15, %broadcast_in_dim3A_500 : vector<16xi1>, vector<16xf32>
    %min3A_502 = arith.minimumf %min3A_492, %select_n3A_501 : vector<16xf32>
    %eq3A_503 = arith.cmpf oeq, %scan3A_443#16, %max3A_457 : vector<16xf32>
    %jit3A_504 = arith.constant 1.024000e+03 : f32
    %broadcast_in_dim3A_505 = vector.broadcast %jit3A_504 : f32 to vector<16xf32>
    %select_n3A_506 = arith.select %eq3A_503, %scan3A_443#17, %broadcast_in_dim3A_505 : vector<16xi1>, vector<16xf32>
    %min3A_507 = arith.minimumf %min3A_497, %select_n3A_506 : vector<16xf32>
    %eq3A_508 = arith.cmpf oeq, %scan3A_443#18, %min3A_458 : vector<16xf32>
    %jit3A_509 = arith.constant 1.024000e+03 : f32
    %broadcast_in_dim3A_510 = vector.broadcast %jit3A_509 : f32 to vector<16xf32>
    %select_n3A_511 = arith.select %eq3A_508, %scan3A_443#19, %broadcast_in_dim3A_510 : vector<16xi1>, vector<16xf32>
    %min3A_512 = arith.minimumf %min3A_502, %select_n3A_511 : vector<16xf32>
    %eq3A_513 = arith.cmpf oeq, %scan3A_443#20, %max3A_457 : vector<16xf32>
    %jit3A_514 = arith.constant 1.024000e+03 : f32
    %broadcast_in_dim3A_515 = vector.broadcast %jit3A_514 : f32 to vector<16xf32>
    %select_n3A_516 = arith.select %eq3A_513, %scan3A_443#21, %broadcast_in_dim3A_515 : vector<16xi1>, vector<16xf32>
    %min3A_517 = arith.minimumf %min3A_507, %select_n3A_516 : vector<16xf32>
    %eq3A_518 = arith.cmpf oeq, %scan3A_443#22, %min3A_458 : vector<16xf32>
    %jit3A_519 = arith.constant 1.024000e+03 : f32
    %broadcast_in_dim3A_520 = vector.broadcast %jit3A_519 : f32 to vector<16xf32>
    %select_n3A_521 = arith.select %eq3A_518, %scan3A_443#23, %broadcast_in_dim3A_520 : vector<16xi1>, vector<16xf32>
    %min3A_522 = arith.minimumf %min3A_512, %select_n3A_521 : vector<16xf32>
    %eq3A_523 = arith.cmpf oeq, %scan3A_443#24, %max3A_457 : vector<16xf32>
    %jit3A_524 = arith.constant 1.024000e+03 : f32
    %broadcast_in_dim3A_525 = vector.broadcast %jit3A_524 : f32 to vector<16xf32>
    %select_n3A_526 = arith.select %eq3A_523, %scan3A_443#25, %broadcast_in_dim3A_525 : vector<16xi1>, vector<16xf32>
    %min3A_527 = arith.minimumf %min3A_517, %select_n3A_526 : vector<16xf32>
    %eq3A_528 = arith.cmpf oeq, %scan3A_443#26, %min3A_458 : vector<16xf32>
    %jit3A_529 = arith.constant 1.024000e+03 : f32
    %broadcast_in_dim3A_530 = vector.broadcast %jit3A_529 : f32 to vector<16xf32>
    %select_n3A_531 = arith.select %eq3A_528, %scan3A_443#27, %broadcast_in_dim3A_530 : vector<16xi1>, vector<16xf32>
    %min3A_532 = arith.minimumf %min3A_522, %select_n3A_531 : vector<16xf32>
    %eq3A_533 = arith.cmpf oeq, %scan3A_443#28, %max3A_457 : vector<16xf32>
    %jit3A_534 = arith.constant 1.024000e+03 : f32
    %broadcast_in_dim3A_535 = vector.broadcast %jit3A_534 : f32 to vector<16xf32>
    %select_n3A_536 = arith.select %eq3A_533, %scan3A_443#29, %broadcast_in_dim3A_535 : vector<16xi1>, vector<16xf32>
    %min3A_537 = arith.minimumf %min3A_527, %select_n3A_536 : vector<16xf32>
    %eq3A_538 = arith.cmpf oeq, %scan3A_443#30, %min3A_458 : vector<16xf32>
    %jit3A_539 = arith.constant 1.024000e+03 : f32
    %broadcast_in_dim3A_540 = vector.broadcast %jit3A_539 : f32 to vector<16xf32>
    %select_n3A_541 = arith.select %eq3A_538, %scan3A_443#31, %broadcast_in_dim3A_540 : vector<16xi1>, vector<16xf32>
    %min3A_542 = arith.minimumf %min3A_532, %select_n3A_541 : vector<16xf32>
    %neg3A_543 = arith.constant 0.000000e+00 : f32
    %neg3A_544 = arith.constant 0x7F800000 : f32
    %neg3A_545 = arith.subf %neg3A_543, %neg3A_544 : f32
    %eq3A_546 = vector.broadcast %neg3A_545 : f32 to vector<16xf32>
    %eq3A_547 = arith.cmpf oeq, %max3A_457, %eq3A_546 : vector<16xf32>
    %jit3A_548 = arith.constant 0.000000e+00 : f32
    %broadcast_in_dim3A_549 = vector.broadcast %jit3A_548 : f32 to vector<16xf32>
    %select_n3A_550 = arith.select %eq3A_547, %broadcast_in_dim3A_549, %min3A_537 : vector<16xi1>, vector<16xf32>
    %eq3A_551 = arith.constant 0x7F800000 : f32
    %eq3A_552 = vector.broadcast %eq3A_551 : f32 to vector<16xf32>
    %eq3A_553 = arith.cmpf oeq, %min3A_458, %eq3A_552 : vector<16xf32>
    %jit3A_554 = arith.constant 0.000000e+00 : f32
    %broadcast_in_dim3A_555 = vector.broadcast %jit3A_554 : f32 to vector<16xf32>
    %select_n3A_556 = arith.select %eq3A_553, %broadcast_in_dim3A_555, %min3A_542 : vector<16xi1>, vector<16xf32>
    %reduce_max3A_557 = arith.constant true
    %reduce_max3A_558 = vector.broadcast %reduce_max3A_557 : i1 to vector<16xi1>
    %reduce_max3A_559 = tpu.scan <max>, %max3A_457 masked %reduce_max3A_558 : vector<16xf32>, vector<16xi1> -> vector<16xf32>
    %reduce_max3A_560 = vector.extract %reduce_max3A_559[15] : f32 from vector<16xf32>
    %eq3A_561 = vector.broadcast %reduce_max3A_560 : f32 to vector<16xf32>
    %eq3A_562 = arith.cmpf oeq, %max3A_457, %eq3A_561 : vector<16xf32>
    %jit3A_563 = arith.constant 1.024000e+03 : f32
    %broadcast_in_dim3A_564 = vector.broadcast %jit3A_563 : f32 to vector<16xf32>
    %select_n3A_565 = arith.select %eq3A_562, %select_n3A_550, %broadcast_in_dim3A_564 : vector<16xi1>, vector<16xf32>
    %reduce_min3A_566 = arith.constant true
    %reduce_min3A_567 = vector.broadcast %reduce_min3A_566 : i1 to vector<16xi1>
    %reduce_min3A_568 = tpu.scan <min>, %select_n3A_565 masked %reduce_min3A_567 : vector<16xf32>, vector<16xi1> -> vector<16xf32>
    %reduce_min3A_569 = vector.extract %reduce_min3A_568[15] : f32 from vector<16xf32>
    %reduce_min3A_570 = arith.constant true
    %reduce_min3A_571 = vector.broadcast %reduce_min3A_570 : i1 to vector<16xi1>
    %reduce_min3A_572 = tpu.scan <min>, %min3A_458 masked %reduce_min3A_571 : vector<16xf32>, vector<16xi1> -> vector<16xf32>
    %reduce_min3A_573 = vector.extract %reduce_min3A_572[15] : f32 from vector<16xf32>
    %eq3A_574 = vector.broadcast %reduce_min3A_573 : f32 to vector<16xf32>
    %eq3A_575 = arith.cmpf oeq, %min3A_458, %eq3A_574 : vector<16xf32>
    %jit3A_576 = arith.constant 1.024000e+03 : f32
    %broadcast_in_dim3A_577 = vector.broadcast %jit3A_576 : f32 to vector<16xf32>
    %select_n3A_578 = arith.select %eq3A_575, %select_n3A_556, %broadcast_in_dim3A_577 : vector<16xi1>, vector<16xf32>
    %reduce_min3A_579 = arith.constant true
    %reduce_min3A_580 = vector.broadcast %reduce_min3A_579 : i1 to vector<16xi1>
    %reduce_min3A_581 = tpu.scan <min>, %select_n3A_578 masked %reduce_min3A_580 : vector<16xf32>, vector<16xi1> -> vector<16xf32>
    %reduce_min3A_582 = vector.extract %reduce_min3A_581[15] : f32 from vector<16xf32>
    %eq3A_583 = arith.constant 2 : i32
    %eq3A_584 = vector.broadcast %eq3A_583 : i32 to vector<16xi32>
    %eq3A_585 = arith.cmpi eq, %iota3A, %eq3A_584 : vector<16xi32>
    %broadcast_in_dim3A_586 = vector.broadcast %reduce_max3A_560 : f32 to vector<16xf32>
    %select_n3A_587 = arith.select %eq3A_585, %broadcast_in_dim3A_586, %select_n3A_410 : vector<16xi1>, vector<16xf32>
    %broadcast_in_dim3A_588 = vector.broadcast %reduce_min3A_569 : f32 to vector<16xf32>
    %select_n3A_589 = arith.select %eq3A_585, %broadcast_in_dim3A_588, %select_n3A_412 : vector<16xi1>, vector<16xf32>
    %broadcast_in_dim3A_590 = vector.broadcast %reduce_min3A_573 : f32 to vector<16xf32>
    %select_n3A_591 = arith.select %eq3A_585, %broadcast_in_dim3A_590, %select_n3A_414 : vector<16xi1>, vector<16xf32>
    %broadcast_in_dim3A_592 = vector.broadcast %reduce_min3A_582 : f32 to vector<16xf32>
    %select_n3A_593 = arith.select %eq3A_585, %broadcast_in_dim3A_592, %select_n3A_416 : vector<16xi1>, vector<16xf32>
    %dma_wait3A_594 = arith.constant 0 : i32
    %dma_wait3A_595 = tpu.memref_slice %arg2[%add3A_51, %dma_wait3A_594] : memref<128x1024xf32, #tpu.memory_space<hbm>> -> memref<1x1024xf32, #tpu.memory_space<hbm>>
    %dma_wait3A_596 = tpu.memref_squeeze %dma_wait3A_595 : memref<1x1024xf32, #tpu.memory_space<hbm>> -> memref<1024xf32, #tpu.memory_space<hbm>>
    %dma_wait3A_597 = arith.constant 0 : i32
    %dma_wait3A_598 = tpu.memref_slice %arg2[%add3A_51, %dma_wait3A_597] : memref<128x1024xf32, #tpu.memory_space<hbm>> -> memref<1x1024xf32, #tpu.memory_space<hbm>>
    %dma_wait3A_599 = tpu.memref_squeeze %dma_wait3A_598 : memref<1x1024xf32, #tpu.memory_space<hbm>> -> memref<1024xf32, #tpu.memory_space<hbm>>
    tpu.wait_dma2 semaphore(%arg23 : memref<!tpu.dma_semaphore, #tpu.memory_space<semaphore_mem>>) src(%dma_wait3A_599 : memref<1024xf32, #tpu.memory_space<hbm>>) dst(%arg14 : memref<1024xf32, #tpu.memory_space<vmem>>)
    %dma_wait3A_600 = arith.constant 0 : i32
    %dma_wait3A_601 = tpu.memref_slice %arg3[%add3A_59, %dma_wait3A_600] : memref<128x1024xf32, #tpu.memory_space<hbm>> -> memref<1x1024xf32, #tpu.memory_space<hbm>>
    %dma_wait3A_602 = tpu.memref_squeeze %dma_wait3A_601 : memref<1x1024xf32, #tpu.memory_space<hbm>> -> memref<1024xf32, #tpu.memory_space<hbm>>
    %dma_wait3A_603 = arith.constant 0 : i32
    %dma_wait3A_604 = tpu.memref_slice %arg3[%add3A_59, %dma_wait3A_603] : memref<128x1024xf32, #tpu.memory_space<hbm>> -> memref<1x1024xf32, #tpu.memory_space<hbm>>
    %dma_wait3A_605 = tpu.memref_squeeze %dma_wait3A_604 : memref<1x1024xf32, #tpu.memory_space<hbm>> -> memref<1024xf32, #tpu.memory_space<hbm>>
    tpu.wait_dma2 semaphore(%arg23 : memref<!tpu.dma_semaphore, #tpu.memory_space<semaphore_mem>>) src(%dma_wait3A_605 : memref<1024xf32, #tpu.memory_space<hbm>>) dst(%arg15 : memref<1024xf32, #tpu.memory_space<vmem>>)
    %neg3A_606 = arith.constant 0.000000e+00 : f32
    %neg3A_607 = arith.constant 0x7F800000 : f32
    %neg3A_608 = arith.subf %neg3A_606, %neg3A_607 : f32
    %broadcast_in_dim3A_609 = vector.broadcast %neg3A_608 : f32 to vector<16xf32>
    %broadcast_in_dim3A_610 = arith.constant 0.000000e+00 : f32
    %broadcast_in_dim3A_611 = vector.broadcast %broadcast_in_dim3A_610 : f32 to vector<16xf32>
    %broadcast_in_dim3A_612 = arith.constant 0x7F800000 : f32
    %broadcast_in_dim3A_613 = vector.broadcast %broadcast_in_dim3A_612 : f32 to vector<16xf32>
    %broadcast_in_dim3A_614 = arith.constant 0.000000e+00 : f32
    %broadcast_in_dim3A_615 = vector.broadcast %broadcast_in_dim3A_614 : f32 to vector<16xf32>
    %scan3A_616 = arith.constant 0 : i32
    %scan3A_617 = arith.constant 8 : i32
    %scan3A_618 = arith.addi %scan3A_616, %scan3A_617 : i32
    %scan3A_619 = arith.constant 1 : i32
    %scan3A_620:32 = scf.for %scan3A_778 = %scan3A_616 to %scan3A_618 step %scan3A_619 iter_args(%scan3A_779 = %broadcast_in_dim3A_609, %scan3A_780 = %broadcast_in_dim3A_611, %scan3A_781 = %broadcast_in_dim3A_613, %scan3A_782 = %broadcast_in_dim3A_615, %scan3A_783 = %broadcast_in_dim3A_609, %scan3A_784 = %broadcast_in_dim3A_611, %scan3A_785 = %broadcast_in_dim3A_613, %scan3A_786 = %broadcast_in_dim3A_615, %scan3A_787 = %broadcast_in_dim3A_609, %scan3A_788 = %broadcast_in_dim3A_611, %scan3A_789 = %broadcast_in_dim3A_613, %scan3A_790 = %broadcast_in_dim3A_615, %scan3A_791 = %broadcast_in_dim3A_609, %scan3A_792 = %broadcast_in_dim3A_611, %scan3A_793 = %broadcast_in_dim3A_613, %scan3A_794 = %broadcast_in_dim3A_615, %scan3A_795 = %broadcast_in_dim3A_609, %scan3A_796 = %broadcast_in_dim3A_611, %scan3A_797 = %broadcast_in_dim3A_613, %scan3A_798 = %broadcast_in_dim3A_615, %scan3A_799 = %broadcast_in_dim3A_609, %scan3A_800 = %broadcast_in_dim3A_611, %scan3A_801 = %broadcast_in_dim3A_613, %scan3A_802 = %broadcast_in_dim3A_615, %scan3A_803 = %broadcast_in_dim3A_609, %scan3A_804 = %broadcast_in_dim3A_611, %scan3A_805 = %broadcast_in_dim3A_613, %scan3A_806 = %broadcast_in_dim3A_615, %scan3A_807 = %broadcast_in_dim3A_609, %scan3A_808 = %broadcast_in_dim3A_611, %scan3A_809 = %broadcast_in_dim3A_613, %scan3A_810 = %broadcast_in_dim3A_615) -> (vector<16xf32>, vector<16xf32>, vector<16xf32>, vector<16xf32>, vector<16xf32>, vector<16xf32>, vector<16xf32>, vector<16xf32>, vector<16xf32>, vector<16xf32>, vector<16xf32>, vector<16xf32>, vector<16xf32>, vector<16xf32>, vector<16xf32>, vector<16xf32>, vector<16xf32>, vector<16xf32>, vector<16xf32>, vector<16xf32>, vector<16xf32>, vector<16xf32>, vector<16xf32>, vector<16xf32>, vector<16xf32>, vector<16xf32>, vector<16xf32>, vector<16xf32>, vector<16xf32>, vector<16xf32>, vector<16xf32>, vector<16xf32>)  : i32 {
      %mul3A_811 = arith.constant 8 : i32
      %mul3A_812 = arith.muli %scan3A_778, %mul3A_811 : i32
      %add3A_813 = arith.constant 0 : i32
      %add3A_814 = arith.addi %mul3A_812, %add3A_813 : i32
      %mul3A_815 = arith.constant 16 : i32
      %mul3A_816 = arith.muli %add3A_814, %mul3A_815 : i32
      %convert_element_type3A_817 = arith.sitofp %mul3A_816 : i32 to f32
      %add3A_818 = vector.broadcast %convert_element_type3A_817 : f32 to vector<16xf32>
      %add3A_819 = arith.addf %add3A_818, %convert_element_type3A : vector<16xf32>
      %mul3A_820 = arith.constant 16 : i32
      %mul3A_821 = arith.muli %add3A_814, %mul3A_820 : i32
      %get3A = arith.index_cast %mul3A_821 : i32 to index
      %get3A_822 = tpu.vector_load %arg14[%get3A] {strides = array<i32>} : memref<1024xf32, #tpu.memory_space<vmem>>, vector<16xf32>,
      %mul3A_823 = arith.constant 16 : i32
      %mul3A_824 = arith.muli %add3A_814, %mul3A_823 : i32
      %get3A_825 = arith.index_cast %mul3A_824 : i32 to index
      %get3A_826 = tpu.vector_load %arg15[%get3A_825] {strides = array<i32>} : memref<1024xf32, #tpu.memory_space<vmem>>, vector<16xf32>,
      %gt3A = arith.cmpf ogt, %get3A_822, %scan3A_779 : vector<16xf32>
      %select_n3A_827 = arith.select %gt3A, %add3A_819, %scan3A_780 : vector<16xi1>, vector<16xf32>
      %max3A_828 = arith.maximumf %scan3A_779, %get3A_822 : vector<16xf32>
      %lt3A = arith.cmpf olt, %get3A_826, %scan3A_781 : vector<16xf32>
      %select_n3A_829 = arith.select %lt3A, %add3A_819, %scan3A_782 : vector<16xi1>, vector<16xf32>
      %min3A_830 = arith.minimumf %scan3A_781, %get3A_826 : vector<16xf32>
      %mul3A_831 = arith.constant 8 : i32
      %mul3A_832 = arith.muli %scan3A_778, %mul3A_831 : i32
      %add3A_833 = arith.constant 1 : i32
      %add3A_834 = arith.addi %mul3A_832, %add3A_833 : i32
      %mul3A_835 = arith.constant 16 : i32
      %mul3A_836 = arith.muli %add3A_834, %mul3A_835 : i32
      %convert_element_type3A_837 = arith.sitofp %mul3A_836 : i32 to f32
      %add3A_838 = vector.broadcast %convert_element_type3A_837 : f32 to vector<16xf32>
      %add3A_839 = arith.addf %add3A_838, %convert_element_type3A : vector<16xf32>
      %mul3A_840 = arith.constant 16 : i32
      %mul3A_841 = arith.muli %add3A_834, %mul3A_840 : i32
      %get3A_842 = arith.index_cast %mul3A_841 : i32 to index
      %get3A_843 = tpu.vector_load %arg14[%get3A_842] {strides = array<i32>} : memref<1024xf32, #tpu.memory_space<vmem>>, vector<16xf32>,
      %mul3A_844 = arith.constant 16 : i32
      %mul3A_845 = arith.muli %add3A_834, %mul3A_844 : i32
      %get3A_846 = arith.index_cast %mul3A_845 : i32 to index
      %get3A_847 = tpu.vector_load %arg15[%get3A_846] {strides = array<i32>} : memref<1024xf32, #tpu.memory_space<vmem>>, vector<16xf32>,
      %gt3A_848 = arith.cmpf ogt, %get3A_843, %scan3A_783 : vector<16xf32>
      %select_n3A_849 = arith.select %gt3A_848, %add3A_839, %scan3A_784 : vector<16xi1>, vector<16xf32>
      %max3A_850 = arith.maximumf %scan3A_783, %get3A_843 : vector<16xf32>
      %lt3A_851 = arith.cmpf olt, %get3A_847, %scan3A_785 : vector<16xf32>
      %select_n3A_852 = arith.select %lt3A_851, %add3A_839, %scan3A_786 : vector<16xi1>, vector<16xf32>
      %min3A_853 = arith.minimumf %scan3A_785, %get3A_847 : vector<16xf32>
      %mul3A_854 = arith.constant 8 : i32
      %mul3A_855 = arith.muli %scan3A_778, %mul3A_854 : i32
      %add3A_856 = arith.constant 2 : i32
      %add3A_857 = arith.addi %mul3A_855, %add3A_856 : i32
      %mul3A_858 = arith.constant 16 : i32
      %mul3A_859 = arith.muli %add3A_857, %mul3A_858 : i32
      %convert_element_type3A_860 = arith.sitofp %mul3A_859 : i32 to f32
      %add3A_861 = vector.broadcast %convert_element_type3A_860 : f32 to vector<16xf32>
      %add3A_862 = arith.addf %add3A_861, %convert_element_type3A : vector<16xf32>
      %mul3A_863 = arith.constant 16 : i32
      %mul3A_864 = arith.muli %add3A_857, %mul3A_863 : i32
      %get3A_865 = arith.index_cast %mul3A_864 : i32 to index
      %get3A_866 = tpu.vector_load %arg14[%get3A_865] {strides = array<i32>} : memref<1024xf32, #tpu.memory_space<vmem>>, vector<16xf32>,
      %mul3A_867 = arith.constant 16 : i32
      %mul3A_868 = arith.muli %add3A_857, %mul3A_867 : i32
      %get3A_869 = arith.index_cast %mul3A_868 : i32 to index
      %get3A_870 = tpu.vector_load %arg15[%get3A_869] {strides = array<i32>} : memref<1024xf32, #tpu.memory_space<vmem>>, vector<16xf32>,
      %gt3A_871 = arith.cmpf ogt, %get3A_866, %scan3A_787 : vector<16xf32>
      %select_n3A_872 = arith.select %gt3A_871, %add3A_862, %scan3A_788 : vector<16xi1>, vector<16xf32>
      %max3A_873 = arith.maximumf %scan3A_787, %get3A_866 : vector<16xf32>
      %lt3A_874 = arith.cmpf olt, %get3A_870, %scan3A_789 : vector<16xf32>
      %select_n3A_875 = arith.select %lt3A_874, %add3A_862, %scan3A_790 : vector<16xi1>, vector<16xf32>
      %min3A_876 = arith.minimumf %scan3A_789, %get3A_870 : vector<16xf32>
      %mul3A_877 = arith.constant 8 : i32
      %mul3A_878 = arith.muli %scan3A_778, %mul3A_877 : i32
      %add3A_879 = arith.constant 3 : i32
      %add3A_880 = arith.addi %mul3A_878, %add3A_879 : i32
      %mul3A_881 = arith.constant 16 : i32
      %mul3A_882 = arith.muli %add3A_880, %mul3A_881 : i32
      %convert_element_type3A_883 = arith.sitofp %mul3A_882 : i32 to f32
      %add3A_884 = vector.broadcast %convert_element_type3A_883 : f32 to vector<16xf32>
      %add3A_885 = arith.addf %add3A_884, %convert_element_type3A : vector<16xf32>
      %mul3A_886 = arith.constant 16 : i32
      %mul3A_887 = arith.muli %add3A_880, %mul3A_886 : i32
      %get3A_888 = arith.index_cast %mul3A_887 : i32 to index
      %get3A_889 = tpu.vector_load %arg14[%get3A_888] {strides = array<i32>} : memref<1024xf32, #tpu.memory_space<vmem>>, vector<16xf32>,
      %mul3A_890 = arith.constant 16 : i32
      %mul3A_891 = arith.muli %add3A_880, %mul3A_890 : i32
      %get3A_892 = arith.index_cast %mul3A_891 : i32 to index
      %get3A_893 = tpu.vector_load %arg15[%get3A_892] {strides = array<i32>} : memref<1024xf32, #tpu.memory_space<vmem>>, vector<16xf32>,
      %gt3A_894 = arith.cmpf ogt, %get3A_889, %scan3A_791 : vector<16xf32>
      %select_n3A_895 = arith.select %gt3A_894, %add3A_885, %scan3A_792 : vector<16xi1>, vector<16xf32>
      %max3A_896 = arith.maximumf %scan3A_791, %get3A_889 : vector<16xf32>
      %lt3A_897 = arith.cmpf olt, %get3A_893, %scan3A_793 : vector<16xf32>
      %select_n3A_898 = arith.select %lt3A_897, %add3A_885, %scan3A_794 : vector<16xi1>, vector<16xf32>
      %min3A_899 = arith.minimumf %scan3A_793, %get3A_893 : vector<16xf32>
      %mul3A_900 = arith.constant 8 : i32
      %mul3A_901 = arith.muli %scan3A_778, %mul3A_900 : i32
      %add3A_902 = arith.constant 4 : i32
      %add3A_903 = arith.addi %mul3A_901, %add3A_902 : i32
      %mul3A_904 = arith.constant 16 : i32
      %mul3A_905 = arith.muli %add3A_903, %mul3A_904 : i32
      %convert_element_type3A_906 = arith.sitofp %mul3A_905 : i32 to f32
      %add3A_907 = vector.broadcast %convert_element_type3A_906 : f32 to vector<16xf32>
      %add3A_908 = arith.addf %add3A_907, %convert_element_type3A : vector<16xf32>
      %mul3A_909 = arith.constant 16 : i32
      %mul3A_910 = arith.muli %add3A_903, %mul3A_909 : i32
      %get3A_911 = arith.index_cast %mul3A_910 : i32 to index
      %get3A_912 = tpu.vector_load %arg14[%get3A_911] {strides = array<i32>} : memref<1024xf32, #tpu.memory_space<vmem>>, vector<16xf32>,
      %mul3A_913 = arith.constant 16 : i32
      %mul3A_914 = arith.muli %add3A_903, %mul3A_913 : i32
      %get3A_915 = arith.index_cast %mul3A_914 : i32 to index
      %get3A_916 = tpu.vector_load %arg15[%get3A_915] {strides = array<i32>} : memref<1024xf32, #tpu.memory_space<vmem>>, vector<16xf32>,
      %gt3A_917 = arith.cmpf ogt, %get3A_912, %scan3A_795 : vector<16xf32>
      %select_n3A_918 = arith.select %gt3A_917, %add3A_908, %scan3A_796 : vector<16xi1>, vector<16xf32>
      %max3A_919 = arith.maximumf %scan3A_795, %get3A_912 : vector<16xf32>
      %lt3A_920 = arith.cmpf olt, %get3A_916, %scan3A_797 : vector<16xf32>
      %select_n3A_921 = arith.select %lt3A_920, %add3A_908, %scan3A_798 : vector<16xi1>, vector<16xf32>
      %min3A_922 = arith.minimumf %scan3A_797, %get3A_916 : vector<16xf32>
      %mul3A_923 = arith.constant 8 : i32
      %mul3A_924 = arith.muli %scan3A_778, %mul3A_923 : i32
      %add3A_925 = arith.constant 5 : i32
      %add3A_926 = arith.addi %mul3A_924, %add3A_925 : i32
      %mul3A_927 = arith.constant 16 : i32
      %mul3A_928 = arith.muli %add3A_926, %mul3A_927 : i32
      %convert_element_type3A_929 = arith.sitofp %mul3A_928 : i32 to f32
      %add3A_930 = vector.broadcast %convert_element_type3A_929 : f32 to vector<16xf32>
      %add3A_931 = arith.addf %add3A_930, %convert_element_type3A : vector<16xf32>
      %mul3A_932 = arith.constant 16 : i32
      %mul3A_933 = arith.muli %add3A_926, %mul3A_932 : i32
      %get3A_934 = arith.index_cast %mul3A_933 : i32 to index
      %get3A_935 = tpu.vector_load %arg14[%get3A_934] {strides = array<i32>} : memref<1024xf32, #tpu.memory_space<vmem>>, vector<16xf32>,
      %mul3A_936 = arith.constant 16 : i32
      %mul3A_937 = arith.muli %add3A_926, %mul3A_936 : i32
      %get3A_938 = arith.index_cast %mul3A_937 : i32 to index
      %get3A_939 = tpu.vector_load %arg15[%get3A_938] {strides = array<i32>} : memref<1024xf32, #tpu.memory_space<vmem>>, vector<16xf32>,
      %gt3A_940 = arith.cmpf ogt, %get3A_935, %scan3A_799 : vector<16xf32>
      %select_n3A_941 = arith.select %gt3A_940, %add3A_931, %scan3A_800 : vector<16xi1>, vector<16xf32>
      %max3A_942 = arith.maximumf %scan3A_799, %get3A_935 : vector<16xf32>
      %lt3A_943 = arith.cmpf olt, %get3A_939, %scan3A_801 : vector<16xf32>
      %select_n3A_944 = arith.select %lt3A_943, %add3A_931, %scan3A_802 : vector<16xi1>, vector<16xf32>
      %min3A_945 = arith.minimumf %scan3A_801, %get3A_939 : vector<16xf32>
      %mul3A_946 = arith.constant 8 : i32
      %mul3A_947 = arith.muli %scan3A_778, %mul3A_946 : i32
      %add3A_948 = arith.constant 6 : i32
      %add3A_949 = arith.addi %mul3A_947, %add3A_948 : i32
      %mul3A_950 = arith.constant 16 : i32
      %mul3A_951 = arith.muli %add3A_949, %mul3A_950 : i32
      %convert_element_type3A_952 = arith.sitofp %mul3A_951 : i32 to f32
      %add3A_953 = vector.broadcast %convert_element_type3A_952 : f32 to vector<16xf32>
      %add3A_954 = arith.addf %add3A_953, %convert_element_type3A : vector<16xf32>
      %mul3A_955 = arith.constant 16 : i32
      %mul3A_956 = arith.muli %add3A_949, %mul3A_955 : i32
      %get3A_957 = arith.index_cast %mul3A_956 : i32 to index
      %get3A_958 = tpu.vector_load %arg14[%get3A_957] {strides = array<i32>} : memref<1024xf32, #tpu.memory_space<vmem>>, vector<16xf32>,
      %mul3A_959 = arith.constant 16 : i32
      %mul3A_960 = arith.muli %add3A_949, %mul3A_959 : i32
      %get3A_961 = arith.index_cast %mul3A_960 : i32 to index
      %get3A_962 = tpu.vector_load %arg15[%get3A_961] {strides = array<i32>} : memref<1024xf32, #tpu.memory_space<vmem>>, vector<16xf32>,
      %gt3A_963 = arith.cmpf ogt, %get3A_958, %scan3A_803 : vector<16xf32>
      %select_n3A_964 = arith.select %gt3A_963, %add3A_954, %scan3A_804 : vector<16xi1>, vector<16xf32>
      %max3A_965 = arith.maximumf %scan3A_803, %get3A_958 : vector<16xf32>
      %lt3A_966 = arith.cmpf olt, %get3A_962, %scan3A_805 : vector<16xf32>
      %select_n3A_967 = arith.select %lt3A_966, %add3A_954, %scan3A_806 : vector<16xi1>, vector<16xf32>
      %min3A_968 = arith.minimumf %scan3A_805, %get3A_962 : vector<16xf32>
      %mul3A_969 = arith.constant 8 : i32
      %mul3A_970 = arith.muli %scan3A_778, %mul3A_969 : i32
      %add3A_971 = arith.constant 7 : i32
      %add3A_972 = arith.addi %mul3A_970, %add3A_971 : i32
      %mul3A_973 = arith.constant 16 : i32
      %mul3A_974 = arith.muli %add3A_972, %mul3A_973 : i32
      %convert_element_type3A_975 = arith.sitofp %mul3A_974 : i32 to f32
      %add3A_976 = vector.broadcast %convert_element_type3A_975 : f32 to vector<16xf32>
      %add3A_977 = arith.addf %add3A_976, %convert_element_type3A : vector<16xf32>
      %mul3A_978 = arith.constant 16 : i32
      %mul3A_979 = arith.muli %add3A_972, %mul3A_978 : i32
      %get3A_980 = arith.index_cast %mul3A_979 : i32 to index
      %get3A_981 = tpu.vector_load %arg14[%get3A_980] {strides = array<i32>} : memref<1024xf32, #tpu.memory_space<vmem>>, vector<16xf32>,
      %mul3A_982 = arith.constant 16 : i32
      %mul3A_983 = arith.muli %add3A_972, %mul3A_982 : i32
      %get3A_984 = arith.index_cast %mul3A_983 : i32 to index
      %get3A_985 = tpu.vector_load %arg15[%get3A_984] {strides = array<i32>} : memref<1024xf32, #tpu.memory_space<vmem>>, vector<16xf32>,
      %gt3A_986 = arith.cmpf ogt, %get3A_981, %scan3A_807 : vector<16xf32>
      %select_n3A_987 = arith.select %gt3A_986, %add3A_977, %scan3A_808 : vector<16xi1>, vector<16xf32>
      %max3A_988 = arith.maximumf %scan3A_807, %get3A_981 : vector<16xf32>
      %lt3A_989 = arith.cmpf olt, %get3A_985, %scan3A_809 : vector<16xf32>
      %select_n3A_990 = arith.select %lt3A_989, %add3A_977, %scan3A_810 : vector<16xi1>, vector<16xf32>
      %min3A_991 = arith.minimumf %scan3A_809, %get3A_985 : vector<16xf32>
      scf.yield %max3A_828, %select_n3A_827, %min3A_830, %select_n3A_829, %max3A_850, %select_n3A_849, %min3A_853, %select_n3A_852, %max3A_873, %select_n3A_872, %min3A_876, %select_n3A_875, %max3A_896, %select_n3A_895, %min3A_899, %select_n3A_898, %max3A_919, %select_n3A_918, %min3A_922, %select_n3A_921, %max3A_942, %select_n3A_941, %min3A_945, %select_n3A_944, %max3A_965, %select_n3A_964, %min3A_968, %select_n3A_967, %max3A_988, %select_n3A_987, %min3A_991, %select_n3A_990 : vector<16xf32>, vector<16xf32>, vector<16xf32>, vector<16xf32>, vector<16xf32>, vector<16xf32>, vector<16xf32>, vector<16xf32>, vector<16xf32>, vector<16xf32>, vector<16xf32>, vector<16xf32>, vector<16xf32>, vector<16xf32>, vector<16xf32>, vector<16xf32>, vector<16xf32>, vector<16xf32>, vector<16xf32>, vector<16xf32>, vector<16xf32>, vector<16xf32>, vector<16xf32>, vector<16xf32>, vector<16xf32>, vector<16xf32>, vector<16xf32>, vector<16xf32>, vector<16xf32>, vector<16xf32>, vector<16xf32>, vector<16xf32>
    }
    %scan3A_621 = arith.constant 8 : i32
    %max3A_622 = arith.maximumf %scan3A_620#0, %scan3A_620#4 : vector<16xf32>
    %min3A_623 = arith.minimumf %scan3A_620#2, %scan3A_620#6 : vector<16xf32>
    %max3A_624 = arith.maximumf %max3A_622, %scan3A_620#8 : vector<16xf32>
    %min3A_625 = arith.minimumf %min3A_623, %scan3A_620#10 : vector<16xf32>
    %max3A_626 = arith.maximumf %max3A_624, %scan3A_620#12 : vector<16xf32>
    %min3A_627 = arith.minimumf %min3A_625, %scan3A_620#14 : vector<16xf32>
    %max3A_628 = arith.maximumf %max3A_626, %scan3A_620#16 : vector<16xf32>
    %min3A_629 = arith.minimumf %min3A_627, %scan3A_620#18 : vector<16xf32>
    %max3A_630 = arith.maximumf %max3A_628, %scan3A_620#20 : vector<16xf32>
    %min3A_631 = arith.minimumf %min3A_629, %scan3A_620#22 : vector<16xf32>
    %max3A_632 = arith.maximumf %max3A_630, %scan3A_620#24 : vector<16xf32>
    %min3A_633 = arith.minimumf %min3A_631, %scan3A_620#26 : vector<16xf32>
    %max3A_634 = arith.maximumf %max3A_632, %scan3A_620#28 : vector<16xf32>
    %min3A_635 = arith.minimumf %min3A_633, %scan3A_620#30 : vector<16xf32>
    %broadcast_in_dim3A_636 = arith.constant 1.024000e+03 : f32
    %broadcast_in_dim3A_637 = vector.broadcast %broadcast_in_dim3A_636 : f32 to vector<16xf32>
    %broadcast_in_dim3A_638 = arith.constant 1.024000e+03 : f32
    %broadcast_in_dim3A_639 = vector.broadcast %broadcast_in_dim3A_638 : f32 to vector<16xf32>
    %eq3A_640 = arith.cmpf oeq, %scan3A_620#0, %max3A_634 : vector<16xf32>
    %jit3A_641 = arith.constant 1.024000e+03 : f32
    %broadcast_in_dim3A_642 = vector.broadcast %jit3A_641 : f32 to vector<16xf32>
    %select_n3A_643 = arith.select %eq3A_640, %scan3A_620#1, %broadcast_in_dim3A_642 : vector<16xi1>, vector<16xf32>
    %min3A_644 = arith.minimumf %broadcast_in_dim3A_637, %select_n3A_643 : vector<16xf32>
    %eq3A_645 = arith.cmpf oeq, %scan3A_620#2, %min3A_635 : vector<16xf32>
    %jit3A_646 = arith.constant 1.024000e+03 : f32
    %broadcast_in_dim3A_647 = vector.broadcast %jit3A_646 : f32 to vector<16xf32>
    %select_n3A_648 = arith.select %eq3A_645, %scan3A_620#3, %broadcast_in_dim3A_647 : vector<16xi1>, vector<16xf32>
    %min3A_649 = arith.minimumf %broadcast_in_dim3A_639, %select_n3A_648 : vector<16xf32>
    %eq3A_650 = arith.cmpf oeq, %scan3A_620#4, %max3A_634 : vector<16xf32>
    %jit3A_651 = arith.constant 1.024000e+03 : f32
    %broadcast_in_dim3A_652 = vector.broadcast %jit3A_651 : f32 to vector<16xf32>
    %select_n3A_653 = arith.select %eq3A_650, %scan3A_620#5, %broadcast_in_dim3A_652 : vector<16xi1>, vector<16xf32>
    %min3A_654 = arith.minimumf %min3A_644, %select_n3A_653 : vector<16xf32>
    %eq3A_655 = arith.cmpf oeq, %scan3A_620#6, %min3A_635 : vector<16xf32>
    %jit3A_656 = arith.constant 1.024000e+03 : f32
    %broadcast_in_dim3A_657 = vector.broadcast %jit3A_656 : f32 to vector<16xf32>
    %select_n3A_658 = arith.select %eq3A_655, %scan3A_620#7, %broadcast_in_dim3A_657 : vector<16xi1>, vector<16xf32>
    %min3A_659 = arith.minimumf %min3A_649, %select_n3A_658 : vector<16xf32>
    %eq3A_660 = arith.cmpf oeq, %scan3A_620#8, %max3A_634 : vector<16xf32>
    %jit3A_661 = arith.constant 1.024000e+03 : f32
    %broadcast_in_dim3A_662 = vector.broadcast %jit3A_661 : f32 to vector<16xf32>
    %select_n3A_663 = arith.select %eq3A_660, %scan3A_620#9, %broadcast_in_dim3A_662 : vector<16xi1>, vector<16xf32>
    %min3A_664 = arith.minimumf %min3A_654, %select_n3A_663 : vector<16xf32>
    %eq3A_665 = arith.cmpf oeq, %scan3A_620#10, %min3A_635 : vector<16xf32>
    %jit3A_666 = arith.constant 1.024000e+03 : f32
    %broadcast_in_dim3A_667 = vector.broadcast %jit3A_666 : f32 to vector<16xf32>
    %select_n3A_668 = arith.select %eq3A_665, %scan3A_620#11, %broadcast_in_dim3A_667 : vector<16xi1>, vector<16xf32>
    %min3A_669 = arith.minimumf %min3A_659, %select_n3A_668 : vector<16xf32>
    %eq3A_670 = arith.cmpf oeq, %scan3A_620#12, %max3A_634 : vector<16xf32>
    %jit3A_671 = arith.constant 1.024000e+03 : f32
    %broadcast_in_dim3A_672 = vector.broadcast %jit3A_671 : f32 to vector<16xf32>
    %select_n3A_673 = arith.select %eq3A_670, %scan3A_620#13, %broadcast_in_dim3A_672 : vector<16xi1>, vector<16xf32>
    %min3A_674 = arith.minimumf %min3A_664, %select_n3A_673 : vector<16xf32>
    %eq3A_675 = arith.cmpf oeq, %scan3A_620#14, %min3A_635 : vector<16xf32>
    %jit3A_676 = arith.constant 1.024000e+03 : f32
    %broadcast_in_dim3A_677 = vector.broadcast %jit3A_676 : f32 to vector<16xf32>
    %select_n3A_678 = arith.select %eq3A_675, %scan3A_620#15, %broadcast_in_dim3A_677 : vector<16xi1>, vector<16xf32>
    %min3A_679 = arith.minimumf %min3A_669, %select_n3A_678 : vector<16xf32>
    %eq3A_680 = arith.cmpf oeq, %scan3A_620#16, %max3A_634 : vector<16xf32>
    %jit3A_681 = arith.constant 1.024000e+03 : f32
    %broadcast_in_dim3A_682 = vector.broadcast %jit3A_681 : f32 to vector<16xf32>
    %select_n3A_683 = arith.select %eq3A_680, %scan3A_620#17, %broadcast_in_dim3A_682 : vector<16xi1>, vector<16xf32>
    %min3A_684 = arith.minimumf %min3A_674, %select_n3A_683 : vector<16xf32>
    %eq3A_685 = arith.cmpf oeq, %scan3A_620#18, %min3A_635 : vector<16xf32>
    %jit3A_686 = arith.constant 1.024000e+03 : f32
    %broadcast_in_dim3A_687 = vector.broadcast %jit3A_686 : f32 to vector<16xf32>
    %select_n3A_688 = arith.select %eq3A_685, %scan3A_620#19, %broadcast_in_dim3A_687 : vector<16xi1>, vector<16xf32>
    %min3A_689 = arith.minimumf %min3A_679, %select_n3A_688 : vector<16xf32>
    %eq3A_690 = arith.cmpf oeq, %scan3A_620#20, %max3A_634 : vector<16xf32>
    %jit3A_691 = arith.constant 1.024000e+03 : f32
    %broadcast_in_dim3A_692 = vector.broadcast %jit3A_691 : f32 to vector<16xf32>
    %select_n3A_693 = arith.select %eq3A_690, %scan3A_620#21, %broadcast_in_dim3A_692 : vector<16xi1>, vector<16xf32>
    %min3A_694 = arith.minimumf %min3A_684, %select_n3A_693 : vector<16xf32>
    %eq3A_695 = arith.cmpf oeq, %scan3A_620#22, %min3A_635 : vector<16xf32>
    %jit3A_696 = arith.constant 1.024000e+03 : f32
    %broadcast_in_dim3A_697 = vector.broadcast %jit3A_696 : f32 to vector<16xf32>
    %select_n3A_698 = arith.select %eq3A_695, %scan3A_620#23, %broadcast_in_dim3A_697 : vector<16xi1>, vector<16xf32>
    %min3A_699 = arith.minimumf %min3A_689, %select_n3A_698 : vector<16xf32>
    %eq3A_700 = arith.cmpf oeq, %scan3A_620#24, %max3A_634 : vector<16xf32>
    %jit3A_701 = arith.constant 1.024000e+03 : f32
    %broadcast_in_dim3A_702 = vector.broadcast %jit3A_701 : f32 to vector<16xf32>
    %select_n3A_703 = arith.select %eq3A_700, %scan3A_620#25, %broadcast_in_dim3A_702 : vector<16xi1>, vector<16xf32>
    %min3A_704 = arith.minimumf %min3A_694, %select_n3A_703 : vector<16xf32>
    %eq3A_705 = arith.cmpf oeq, %scan3A_620#26, %min3A_635 : vector<16xf32>
    %jit3A_706 = arith.constant 1.024000e+03 : f32
    %broadcast_in_dim3A_707 = vector.broadcast %jit3A_706 : f32 to vector<16xf32>
    %select_n3A_708 = arith.select %eq3A_705, %scan3A_620#27, %broadcast_in_dim3A_707 : vector<16xi1>, vector<16xf32>
    %min3A_709 = arith.minimumf %min3A_699, %select_n3A_708 : vector<16xf32>
    %eq3A_710 = arith.cmpf oeq, %scan3A_620#28, %max3A_634 : vector<16xf32>
    %jit3A_711 = arith.constant 1.024000e+03 : f32
    %broadcast_in_dim3A_712 = vector.broadcast %jit3A_711 : f32 to vector<16xf32>
    %select_n3A_713 = arith.select %eq3A_710, %scan3A_620#29, %broadcast_in_dim3A_712 : vector<16xi1>, vector<16xf32>
    %min3A_714 = arith.minimumf %min3A_704, %select_n3A_713 : vector<16xf32>
    %eq3A_715 = arith.cmpf oeq, %scan3A_620#30, %min3A_635 : vector<16xf32>
    %jit3A_716 = arith.constant 1.024000e+03 : f32
    %broadcast_in_dim3A_717 = vector.broadcast %jit3A_716 : f32 to vector<16xf32>
    %select_n3A_718 = arith.select %eq3A_715, %scan3A_620#31, %broadcast_in_dim3A_717 : vector<16xi1>, vector<16xf32>
    %min3A_719 = arith.minimumf %min3A_709, %select_n3A_718 : vector<16xf32>
    %neg3A_720 = arith.constant 0.000000e+00 : f32
    %neg3A_721 = arith.constant 0x7F800000 : f32
    %neg3A_722 = arith.subf %neg3A_720, %neg3A_721 : f32
    %eq3A_723 = vector.broadcast %neg3A_722 : f32 to vector<16xf32>
    %eq3A_724 = arith.cmpf oeq, %max3A_634, %eq3A_723 : vector<16xf32>
    %jit3A_725 = arith.constant 0.000000e+00 : f32
    %broadcast_in_dim3A_726 = vector.broadcast %jit3A_725 : f32 to vector<16xf32>
    %select_n3A_727 = arith.select %eq3A_724, %broadcast_in_dim3A_726, %min3A_714 : vector<16xi1>, vector<16xf32>
    %eq3A_728 = arith.constant 0x7F800000 : f32
    %eq3A_729 = vector.broadcast %eq3A_728 : f32 to vector<16xf32>
    %eq3A_730 = arith.cmpf oeq, %min3A_635, %eq3A_729 : vector<16xf32>
    %jit3A_731 = arith.constant 0.000000e+00 : f32
    %broadcast_in_dim3A_732 = vector.broadcast %jit3A_731 : f32 to vector<16xf32>
    %select_n3A_733 = arith.select %eq3A_730, %broadcast_in_dim3A_732, %min3A_719 : vector<16xi1>, vector<16xf32>
    %reduce_max3A_734 = arith.constant true
    %reduce_max3A_735 = vector.broadcast %reduce_max3A_734 : i1 to vector<16xi1>
    %reduce_max3A_736 = tpu.scan <max>, %max3A_634 masked %reduce_max3A_735 : vector<16xf32>, vector<16xi1> -> vector<16xf32>
    %reduce_max3A_737 = vector.extract %reduce_max3A_736[15] : f32 from vector<16xf32>
    %eq3A_738 = vector.broadcast %reduce_max3A_737 : f32 to vector<16xf32>
    %eq3A_739 = arith.cmpf oeq, %max3A_634, %eq3A_738 : vector<16xf32>
    %jit3A_740 = arith.constant 1.024000e+03 : f32
    %broadcast_in_dim3A_741 = vector.broadcast %jit3A_740 : f32 to vector<16xf32>
    %select_n3A_742 = arith.select %eq3A_739, %select_n3A_727, %broadcast_in_dim3A_741 : vector<16xi1>, vector<16xf32>
    %reduce_min3A_743 = arith.constant true
    %reduce_min3A_744 = vector.broadcast %reduce_min3A_743 : i1 to vector<16xi1>
    %reduce_min3A_745 = tpu.scan <min>, %select_n3A_742 masked %reduce_min3A_744 : vector<16xf32>, vector<16xi1> -> vector<16xf32>
    %reduce_min3A_746 = vector.extract %reduce_min3A_745[15] : f32 from vector<16xf32>
    %reduce_min3A_747 = arith.constant true
    %reduce_min3A_748 = vector.broadcast %reduce_min3A_747 : i1 to vector<16xi1>
    %reduce_min3A_749 = tpu.scan <min>, %min3A_635 masked %reduce_min3A_748 : vector<16xf32>, vector<16xi1> -> vector<16xf32>
    %reduce_min3A_750 = vector.extract %reduce_min3A_749[15] : f32 from vector<16xf32>
    %eq3A_751 = vector.broadcast %reduce_min3A_750 : f32 to vector<16xf32>
    %eq3A_752 = arith.cmpf oeq, %min3A_635, %eq3A_751 : vector<16xf32>
    %jit3A_753 = arith.constant 1.024000e+03 : f32
    %broadcast_in_dim3A_754 = vector.broadcast %jit3A_753 : f32 to vector<16xf32>
    %select_n3A_755 = arith.select %eq3A_752, %select_n3A_733, %broadcast_in_dim3A_754 : vector<16xi1>, vector<16xf32>
    %reduce_min3A_756 = arith.constant true
    %reduce_min3A_757 = vector.broadcast %reduce_min3A_756 : i1 to vector<16xi1>
    %reduce_min3A_758 = tpu.scan <min>, %select_n3A_755 masked %reduce_min3A_757 : vector<16xf32>, vector<16xi1> -> vector<16xf32>
    %reduce_min3A_759 = vector.extract %reduce_min3A_758[15] : f32 from vector<16xf32>
    %eq3A_760 = arith.constant 3 : i32
    %eq3A_761 = vector.broadcast %eq3A_760 : i32 to vector<16xi32>
    %eq3A_762 = arith.cmpi eq, %iota3A, %eq3A_761 : vector<16xi32>
    %broadcast_in_dim3A_763 = vector.broadcast %reduce_max3A_737 : f32 to vector<16xf32>
    %select_n3A_764 = arith.select %eq3A_762, %broadcast_in_dim3A_763, %select_n3A_587 : vector<16xi1>, vector<16xf32>
    %broadcast_in_dim3A_765 = vector.broadcast %reduce_min3A_746 : f32 to vector<16xf32>
    %select_n3A_766 = arith.select %eq3A_762, %broadcast_in_dim3A_765, %select_n3A_589 : vector<16xi1>, vector<16xf32>
    %broadcast_in_dim3A_767 = vector.broadcast %reduce_min3A_750 : f32 to vector<16xf32>
    %select_n3A_768 = arith.select %eq3A_762, %broadcast_in_dim3A_767, %select_n3A_591 : vector<16xi1>, vector<16xf32>
    %broadcast_in_dim3A_769 = vector.broadcast %reduce_min3A_759 : f32 to vector<16xf32>
    %select_n3A_770 = arith.select %eq3A_762, %broadcast_in_dim3A_769, %select_n3A_593 : vector<16xi1>, vector<16xf32>
    %swap3A = arith.constant 0 : index
    %swap3A_771 = tpu.vector_load %arg16[%swap3A] {strides = array<i32>} : memref<16xf32, #tpu.memory_space<vmem>>, vector<16xf32>,
    tpu.vector_store %arg16[%swap3A], %select_n3A_764 {strides = array<i32>} : memref<16xf32, #tpu.memory_space<vmem>>, vector<16xf32>,
    %swap3A_772 = arith.constant 0 : index
    %swap3A_773 = tpu.vector_load %arg18[%swap3A_772] {strides = array<i32>} : memref<16xf32, #tpu.memory_space<vmem>>, vector<16xf32>,
    tpu.vector_store %arg18[%swap3A_772], %select_n3A_766 {strides = array<i32>} : memref<16xf32, #tpu.memory_space<vmem>>, vector<16xf32>,
    %swap3A_774 = arith.constant 0 : index
    %swap3A_775 = tpu.vector_load %arg17[%swap3A_774] {strides = array<i32>} : memref<16xf32, #tpu.memory_space<vmem>>, vector<16xf32>,
    tpu.vector_store %arg17[%swap3A_774], %select_n3A_768 {strides = array<i32>} : memref<16xf32, #tpu.memory_space<vmem>>, vector<16xf32>,
    %swap3A_776 = arith.constant 0 : index
    %swap3A_777 = tpu.vector_load %arg19[%swap3A_776] {strides = array<i32>} : memref<16xf32, #tpu.memory_space<vmem>>, vector<16xf32>,
    tpu.vector_store %arg19[%swap3A_776], %select_n3A_770 {strides = array<i32>} : memref<16xf32, #tpu.memory_space<vmem>>, vector<16xf32>,
    "tpu.region"() ({
      %run_scoped3A = tpu.sem_alloc : memref<!tpu.dma_semaphore, #tpu.memory_space<semaphore_mem>>
      %dma_start3A_778 = arith.constant 0 : i32
      %dma_start3A_779 = tpu.memref_slice %arg4[%add3A, %dma_start3A_778] : memref<32x16xf32, #tpu.memory_space<hbm>> -> memref<1x16xf32, #tpu.memory_space<hbm>>
      %dma_start3A_780 = tpu.memref_squeeze %dma_start3A_779 : memref<1x16xf32, #tpu.memory_space<hbm>> -> memref<16xf32, #tpu.memory_space<hbm>>
      %dma_start3A_781 = arith.constant 0 : i32
      %dma_start3A_782 = tpu.memref_slice %arg4[%add3A, %dma_start3A_781] : memref<32x16xf32, #tpu.memory_space<hbm>> -> memref<1x16xf32, #tpu.memory_space<hbm>>
      %dma_start3A_783 = tpu.memref_squeeze %dma_start3A_782 : memref<1x16xf32, #tpu.memory_space<hbm>> -> memref<16xf32, #tpu.memory_space<hbm>>
      tpu.enqueue_dma source(%arg16 : memref<16xf32, #tpu.memory_space<vmem>>) target(%dma_start3A_783 : memref<16xf32, #tpu.memory_space<hbm>>) target_semaphore(%run_scoped3A : memref<!tpu.dma_semaphore, #tpu.memory_space<semaphore_mem>>)
      %dma_wait3A_784 = arith.constant 0 : i32
      %dma_wait3A_785 = tpu.memref_slice %arg4[%add3A, %dma_wait3A_784] : memref<32x16xf32, #tpu.memory_space<hbm>> -> memref<1x16xf32, #tpu.memory_space<hbm>>
      %dma_wait3A_786 = tpu.memref_squeeze %dma_wait3A_785 : memref<1x16xf32, #tpu.memory_space<hbm>> -> memref<16xf32, #tpu.memory_space<hbm>>
      %dma_wait3A_787 = arith.constant 0 : i32
      %dma_wait3A_788 = tpu.memref_slice %arg4[%add3A, %dma_wait3A_787] : memref<32x16xf32, #tpu.memory_space<hbm>> -> memref<1x16xf32, #tpu.memory_space<hbm>>
      %dma_wait3A_789 = tpu.memref_squeeze %dma_wait3A_788 : memref<1x16xf32, #tpu.memory_space<hbm>> -> memref<16xf32, #tpu.memory_space<hbm>>
      tpu.wait_dma2 semaphore(%run_scoped3A : memref<!tpu.dma_semaphore, #tpu.memory_space<semaphore_mem>>) src(%arg16 : memref<16xf32, #tpu.memory_space<vmem>>) dst(%dma_wait3A_789 : memref<16xf32, #tpu.memory_space<hbm>>)
      tpu.yield
    }) : () -> ()
    "tpu.region"() ({
      %run_scoped3A = tpu.sem_alloc : memref<!tpu.dma_semaphore, #tpu.memory_space<semaphore_mem>>
      %dma_start3A_778 = arith.constant 0 : i32
      %dma_start3A_779 = tpu.memref_slice %arg5[%add3A, %dma_start3A_778] : memref<32x16xf32, #tpu.memory_space<hbm>> -> memref<1x16xf32, #tpu.memory_space<hbm>>
      %dma_start3A_780 = tpu.memref_squeeze %dma_start3A_779 : memref<1x16xf32, #tpu.memory_space<hbm>> -> memref<16xf32, #tpu.memory_space<hbm>>
      %dma_start3A_781 = arith.constant 0 : i32
      %dma_start3A_782 = tpu.memref_slice %arg5[%add3A, %dma_start3A_781] : memref<32x16xf32, #tpu.memory_space<hbm>> -> memref<1x16xf32, #tpu.memory_space<hbm>>
      %dma_start3A_783 = tpu.memref_squeeze %dma_start3A_782 : memref<1x16xf32, #tpu.memory_space<hbm>> -> memref<16xf32, #tpu.memory_space<hbm>>
      tpu.enqueue_dma source(%arg17 : memref<16xf32, #tpu.memory_space<vmem>>) target(%dma_start3A_783 : memref<16xf32, #tpu.memory_space<hbm>>) target_semaphore(%run_scoped3A : memref<!tpu.dma_semaphore, #tpu.memory_space<semaphore_mem>>)
      %dma_wait3A_784 = arith.constant 0 : i32
      %dma_wait3A_785 = tpu.memref_slice %arg5[%add3A, %dma_wait3A_784] : memref<32x16xf32, #tpu.memory_space<hbm>> -> memref<1x16xf32, #tpu.memory_space<hbm>>
      %dma_wait3A_786 = tpu.memref_squeeze %dma_wait3A_785 : memref<1x16xf32, #tpu.memory_space<hbm>> -> memref<16xf32, #tpu.memory_space<hbm>>
      %dma_wait3A_787 = arith.constant 0 : i32
      %dma_wait3A_788 = tpu.memref_slice %arg5[%add3A, %dma_wait3A_787] : memref<32x16xf32, #tpu.memory_space<hbm>> -> memref<1x16xf32, #tpu.memory_space<hbm>>
      %dma_wait3A_789 = tpu.memref_squeeze %dma_wait3A_788 : memref<1x16xf32, #tpu.memory_space<hbm>> -> memref<16xf32, #tpu.memory_space<hbm>>
      tpu.wait_dma2 semaphore(%run_scoped3A : memref<!tpu.dma_semaphore, #tpu.memory_space<semaphore_mem>>) src(%arg17 : memref<16xf32, #tpu.memory_space<vmem>>) dst(%dma_wait3A_789 : memref<16xf32, #tpu.memory_space<hbm>>)
      tpu.yield
    }) : () -> ()
    "tpu.region"() ({
      %run_scoped3A = tpu.sem_alloc : memref<!tpu.dma_semaphore, #tpu.memory_space<semaphore_mem>>
      %dma_start3A_778 = arith.constant 0 : i32
      %dma_start3A_779 = tpu.memref_slice %arg6[%add3A, %dma_start3A_778] : memref<32x16xf32, #tpu.memory_space<hbm>> -> memref<1x16xf32, #tpu.memory_space<hbm>>
      %dma_start3A_780 = tpu.memref_squeeze %dma_start3A_779 : memref<1x16xf32, #tpu.memory_space<hbm>> -> memref<16xf32, #tpu.memory_space<hbm>>
      %dma_start3A_781 = arith.constant 0 : i32
      %dma_start3A_782 = tpu.memref_slice %arg6[%add3A, %dma_start3A_781] : memref<32x16xf32, #tpu.memory_space<hbm>> -> memref<1x16xf32, #tpu.memory_space<hbm>>
      %dma_start3A_783 = tpu.memref_squeeze %dma_start3A_782 : memref<1x16xf32, #tpu.memory_space<hbm>> -> memref<16xf32, #tpu.memory_space<hbm>>
      tpu.enqueue_dma source(%arg18 : memref<16xf32, #tpu.memory_space<vmem>>) target(%dma_start3A_783 : memref<16xf32, #tpu.memory_space<hbm>>) target_semaphore(%run_scoped3A : memref<!tpu.dma_semaphore, #tpu.memory_space<semaphore_mem>>)
      %dma_wait3A_784 = arith.constant 0 : i32
      %dma_wait3A_785 = tpu.memref_slice %arg6[%add3A, %dma_wait3A_784] : memref<32x16xf32, #tpu.memory_space<hbm>> -> memref<1x16xf32, #tpu.memory_space<hbm>>
      %dma_wait3A_786 = tpu.memref_squeeze %dma_wait3A_785 : memref<1x16xf32, #tpu.memory_space<hbm>> -> memref<16xf32, #tpu.memory_space<hbm>>
      %dma_wait3A_787 = arith.constant 0 : i32
      %dma_wait3A_788 = tpu.memref_slice %arg6[%add3A, %dma_wait3A_787] : memref<32x16xf32, #tpu.memory_space<hbm>> -> memref<1x16xf32, #tpu.memory_space<hbm>>
      %dma_wait3A_789 = tpu.memref_squeeze %dma_wait3A_788 : memref<1x16xf32, #tpu.memory_space<hbm>> -> memref<16xf32, #tpu.memory_space<hbm>>
      tpu.wait_dma2 semaphore(%run_scoped3A : memref<!tpu.dma_semaphore, #tpu.memory_space<semaphore_mem>>) src(%arg18 : memref<16xf32, #tpu.memory_space<vmem>>) dst(%dma_wait3A_789 : memref<16xf32, #tpu.memory_space<hbm>>)
      tpu.yield
    }) : () -> ()
    "tpu.region"() ({
      %run_scoped3A = tpu.sem_alloc : memref<!tpu.dma_semaphore, #tpu.memory_space<semaphore_mem>>
      %dma_start3A_778 = arith.constant 0 : i32
      %dma_start3A_779 = tpu.memref_slice %arg7[%add3A, %dma_start3A_778] : memref<32x16xf32, #tpu.memory_space<hbm>> -> memref<1x16xf32, #tpu.memory_space<hbm>>
      %dma_start3A_780 = tpu.memref_squeeze %dma_start3A_779 : memref<1x16xf32, #tpu.memory_space<hbm>> -> memref<16xf32, #tpu.memory_space<hbm>>
      %dma_start3A_781 = arith.constant 0 : i32
      %dma_start3A_782 = tpu.memref_slice %arg7[%add3A, %dma_start3A_781] : memref<32x16xf32, #tpu.memory_space<hbm>> -> memref<1x16xf32, #tpu.memory_space<hbm>>
      %dma_start3A_783 = tpu.memref_squeeze %dma_start3A_782 : memref<1x16xf32, #tpu.memory_space<hbm>> -> memref<16xf32, #tpu.memory_space<hbm>>
      tpu.enqueue_dma source(%arg19 : memref<16xf32, #tpu.memory_space<vmem>>) target(%dma_start3A_783 : memref<16xf32, #tpu.memory_space<hbm>>) target_semaphore(%run_scoped3A : memref<!tpu.dma_semaphore, #tpu.memory_space<semaphore_mem>>)
      %dma_wait3A_784 = arith.constant 0 : i32
      %dma_wait3A_785 = tpu.memref_slice %arg7[%add3A, %dma_wait3A_784] : memref<32x16xf32, #tpu.memory_space<hbm>> -> memref<1x16xf32, #tpu.memory_space<hbm>>
      %dma_wait3A_786 = tpu.memref_squeeze %dma_wait3A_785 : memref<1x16xf32, #tpu.memory_space<hbm>> -> memref<16xf32, #tpu.memory_space<hbm>>
      %dma_wait3A_787 = arith.constant 0 : i32
      %dma_wait3A_788 = tpu.memref_slice %arg7[%add3A, %dma_wait3A_787] : memref<32x16xf32, #tpu.memory_space<hbm>> -> memref<1x16xf32, #tpu.memory_space<hbm>>
      %dma_wait3A_789 = tpu.memref_squeeze %dma_wait3A_788 : memref<1x16xf32, #tpu.memory_space<hbm>> -> memref<16xf32, #tpu.memory_space<hbm>>
      tpu.wait_dma2 semaphore(%run_scoped3A : memref<!tpu.dma_semaphore, #tpu.memory_space<semaphore_mem>>) src(%arg19 : memref<16xf32, #tpu.memory_space<vmem>>) dst(%dma_wait3A_789 : memref<16xf32, #tpu.memory_space<hbm>>)
      tpu.yield
    }) : () -> ()
    return
  }
}

module attributes {stable_mosaic.version = 14 : i64} {
  func.func @_tc_kernel(%arg0: memref<1024x128xf32, #tpu.memory_space<vmem>>, %arg1: memref<1024x1xi32, #tpu.memory_space<vmem>>, %arg2: memref<1x1024xi32, #tpu.memory_space<vmem>>, %arg3: memref<128x1024xf32, #tpu.memory_space<vmem>>, %arg4: memref<128x1024xf32, #tpu.memory_space<vmem>>, %arg5: memref<1x896xf32, #tpu.memory_space<vmem>>, %arg6: memref<1x896xf32, #tpu.memory_space<vmem>>, %arg7: memref<1x896xi32, #tpu.memory_space<vmem>>, %arg8: memref<1x896xi32, #tpu.memory_space<vmem>>) attributes {dimension_semantics = [], scalar_prefetch = 0 : i64, scratch_operands = 0 : i64, tpu.core_type = #tpu.core_type<tc>} {
    %get3A = arith.constant 0 : index
    %get3A_0 = arith.constant 0 : index
    %get3A_1 = vector.load %arg0[%get3A, %get3A_0] : memref<1024x128xf32, #tpu.memory_space<vmem>>, vector<1024x128xf32>
    %mul3A = arith.mulf %get3A_1, %get3A_1 : vector<1024x128xf32>
    %reduce_sum3A = arith.constant dense<0.000000e+00> : vector<1024xf32>
    %reduce_sum3A_2 = vector.multi_reduction <add>, %mul3A, %reduce_sum3A [1] : vector<1024x128xf32> to vector<1024xf32>
    %broadcast_in_dim3A = vector.shape_cast %reduce_sum3A_2 : vector<1024xf32> to vector<1024x1xf32>
    %max3A = arith.constant 1.000000e-30 : f32
    %max3A_3 = vector.broadcast %max3A : f32 to vector<1024x1xf32>
    %max3A_4 = arith.maximumf %broadcast_in_dim3A, %max3A_3 : vector<1024x1xf32>
    %rsqrt3A = math.rsqrt %max3A_4 : vector<1024x1xf32>
    %mul3A_5 = vector.broadcast %rsqrt3A : vector<1024x1xf32> to vector<1024x128xf32>
    %mul3A_6 = arith.mulf %get3A_1, %mul3A_5 : vector<1024x128xf32>
    %dot_general3A = arith.constant dense<0.000000e+00> : vector<1024x1024xf32>
    %dot_general3A_7 = tpu.matmul %mul3A_6, %mul3A_6, %dot_general3A {dimension_numbers = #tpu.dot_dimension_numbers<[1], [1], [0], [0], [0, 0, 1, 0], [], []>, precision = #tpu.contract_precision<fp32>, transpose_lhs_hint = false} : vector<1024x128xf32>, vector<1024x128xf32>, vector<1024x1024xf32> -> vector<1024x1024xf32>
    %sub3A = arith.constant 1.000000e+00 : f32
    %sub3A_8 = vector.broadcast %sub3A : f32 to vector<1024x1024xf32>
    %sub3A_9 = arith.subf %sub3A_8, %dot_general3A_7 : vector<1024x1024xf32>
    %get3A_10 = arith.constant 0 : index
    %get3A_11 = arith.constant 0 : index
    %get3A_12 = vector.load %arg1[%get3A_10, %get3A_11] : memref<1024x1xi32, #tpu.memory_space<vmem>>, vector<1024x1xi32>
    %get3A_13 = arith.constant 0 : index
    %get3A_14 = arith.constant 0 : index
    %get3A_15 = vector.load %arg2[%get3A_13, %get3A_14] : memref<1x1024xi32, #tpu.memory_space<vmem>>, vector<1x1024xi32>
    %iota3A = tpu.iota {dimensions = array<i32: 0>} : vector<1024x1024xi32>
    %iota3A_16 = tpu.iota {dimensions = array<i32: 1>} : vector<1024x1024xi32>
    %eq3A = vector.broadcast %get3A_12 : vector<1024x1xi32> to vector<1024x1024xi32>
    %eq3A_17 = vector.broadcast %get3A_15 : vector<1x1024xi32> to vector<1024x1024xi32>
    %eq3A_18 = arith.cmpi eq, %eq3A, %eq3A_17 : vector<1024x1024xi32>
    %ne3A = arith.cmpi ne, %iota3A, %iota3A_16 : vector<1024x1024xi32>
    %and3A = arith.andi %eq3A_18, %ne3A : vector<1024x1024xi1>
    %neg3A = arith.constant 0.000000e+00 : f32
    %neg3A_19 = arith.constant 0x7F800000 : f32
    %neg3A_20 = arith.subf %neg3A, %neg3A_19 : f32
    %broadcast_in_dim3A_21 = vector.broadcast %neg3A_20 : f32 to vector<1024x1024xf32>
    %select_n3A = arith.select %and3A, %sub3A_9, %broadcast_in_dim3A_21 : vector<1024x1024xi1>, vector<1024x1024xf32>
    %jit3A = arith.constant 0x7F800000 : f32
    %broadcast_in_dim3A_22 = vector.broadcast %jit3A : f32 to vector<1024x1024xf32>
    %select_n3A_23 = arith.select %eq3A_18, %broadcast_in_dim3A_22, %sub3A_9 : vector<1024x1024xi1>, vector<1024x1024xf32>
    %slice3A = vector.extract_strided_slice %select_n3A {offsets = [0, 0], sizes = [128, 1024], strides = [1, 1]} : vector<1024x1024xf32> to vector<128x1024xf32>
    %swap3A = arith.constant 0 : index
    %swap3A_24 = arith.constant 0 : index
    %swap3A_25 = vector.load %arg3[%swap3A, %swap3A_24] : memref<128x1024xf32, #tpu.memory_space<vmem>>, vector<128x1024xf32>
    tpu.vector_store %arg3[%swap3A, %swap3A_24], %slice3A {strides = array<i32>} : memref<128x1024xf32, #tpu.memory_space<vmem>>, vector<128x1024xf32>,
    %slice3A_26 = vector.extract_strided_slice %select_n3A_23 {offsets = [0, 0], sizes = [128, 1024], strides = [1, 1]} : vector<1024x1024xf32> to vector<128x1024xf32>
    %swap3A_27 = arith.constant 0 : index
    %swap3A_28 = arith.constant 0 : index
    %swap3A_29 = vector.load %arg4[%swap3A_27, %swap3A_28] : memref<128x1024xf32, #tpu.memory_space<vmem>>, vector<128x1024xf32>
    tpu.vector_store %arg4[%swap3A_27, %swap3A_28], %slice3A_26 {strides = array<i32>} : memref<128x1024xf32, #tpu.memory_space<vmem>>, vector<128x1024xf32>,
    %slice3A_30 = vector.extract_strided_slice %select_n3A {offsets = [0, 128], sizes = [1024, 896], strides = [1, 1]} : vector<1024x1024xf32> to vector<1024x896xf32>
    %slice3A_31 = vector.extract_strided_slice %select_n3A_23 {offsets = [0, 128], sizes = [1024, 896], strides = [1, 1]} : vector<1024x1024xf32> to vector<1024x896xf32>
    %slice3A_32 = vector.extract_strided_slice %iota3A {offsets = [0, 128], sizes = [1024, 896], strides = [1, 1]} : vector<1024x1024xi32> to vector<1024x896xi32>
    %reduce_max3A = arith.constant dense<0xFF800000> : vector<896xf32>
    %reduce_max3A_33 = vector.multi_reduction <maximumf>, %slice3A_30, %reduce_max3A [0] : vector<1024x896xf32> to vector<896xf32>
    %broadcast_in_dim3A_34 = vector.shape_cast %reduce_max3A_33 : vector<896xf32> to vector<1x896xf32>
    %eq3A_35 = vector.broadcast %broadcast_in_dim3A_34 : vector<1x896xf32> to vector<1024x896xf32>
    %eq3A_36 = arith.cmpf oeq, %slice3A_30, %eq3A_35 : vector<1024x896xf32>
    %jit3A_37 = arith.constant 1024 : i32
    %broadcast_in_dim3A_38 = vector.broadcast %jit3A_37 : i32 to vector<1024x896xi32>
    %select_n3A_39 = arith.select %eq3A_36, %slice3A_32, %broadcast_in_dim3A_38 : vector<1024x896xi1>, vector<1024x896xi32>
    %reduce_min3A = arith.constant dense<2147483647> : vector<896xi32>
    %reduce_min3A_40 = vector.multi_reduction <minsi>, %select_n3A_39, %reduce_min3A [0] : vector<1024x896xi32> to vector<896xi32>
    %broadcast_in_dim3A_41 = vector.shape_cast %reduce_min3A_40 : vector<896xi32> to vector<1x896xi32>
    %reduce_min3A_42 = arith.constant dense<0x7F800000> : vector<896xf32>
    %reduce_min3A_43 = vector.multi_reduction <minimumf>, %slice3A_31, %reduce_min3A_42 [0] : vector<1024x896xf32> to vector<896xf32>
    %broadcast_in_dim3A_44 = vector.shape_cast %reduce_min3A_43 : vector<896xf32> to vector<1x896xf32>
    %eq3A_45 = vector.broadcast %broadcast_in_dim3A_44 : vector<1x896xf32> to vector<1024x896xf32>
    %eq3A_46 = arith.cmpf oeq, %slice3A_31, %eq3A_45 : vector<1024x896xf32>
    %jit3A_47 = arith.constant 1024 : i32
    %broadcast_in_dim3A_48 = vector.broadcast %jit3A_47 : i32 to vector<1024x896xi32>
    %select_n3A_49 = arith.select %eq3A_46, %slice3A_32, %broadcast_in_dim3A_48 : vector<1024x896xi1>, vector<1024x896xi32>
    %reduce_min3A_50 = arith.constant dense<2147483647> : vector<896xi32>
    %reduce_min3A_51 = vector.multi_reduction <minsi>, %select_n3A_49, %reduce_min3A_50 [0] : vector<1024x896xi32> to vector<896xi32>
    %broadcast_in_dim3A_52 = vector.shape_cast %reduce_min3A_51 : vector<896xi32> to vector<1x896xi32>
    %swap3A_53 = arith.constant 0 : index
    %swap3A_54 = arith.constant 0 : index
    %swap3A_55 = vector.load %arg5[%swap3A_53, %swap3A_54] : memref<1x896xf32, #tpu.memory_space<vmem>>, vector<1x896xf32>
    tpu.vector_store %arg5[%swap3A_53, %swap3A_54], %broadcast_in_dim3A_34 {strides = array<i32>} : memref<1x896xf32, #tpu.memory_space<vmem>>, vector<1x896xf32>,
    %swap3A_56 = arith.constant 0 : index
    %swap3A_57 = arith.constant 0 : index
    %swap3A_58 = vector.load %arg6[%swap3A_56, %swap3A_57] : memref<1x896xf32, #tpu.memory_space<vmem>>, vector<1x896xf32>
    tpu.vector_store %arg6[%swap3A_56, %swap3A_57], %broadcast_in_dim3A_44 {strides = array<i32>} : memref<1x896xf32, #tpu.memory_space<vmem>>, vector<1x896xf32>,
    %swap3A_59 = arith.constant 0 : index
    %swap3A_60 = arith.constant 0 : index
    %swap3A_61 = vector.load %arg7[%swap3A_59, %swap3A_60] : memref<1x896xi32, #tpu.memory_space<vmem>>, vector<1x896xi32>
    tpu.vector_store %arg7[%swap3A_59, %swap3A_60], %broadcast_in_dim3A_41 {strides = array<i32>} : memref<1x896xi32, #tpu.memory_space<vmem>>, vector<1x896xi32>,
    %swap3A_62 = arith.constant 0 : index
    %swap3A_63 = arith.constant 0 : index
    %swap3A_64 = vector.load %arg8[%swap3A_62, %swap3A_63] : memref<1x896xi32, #tpu.memory_space<vmem>>, vector<1x896xi32>
    tpu.vector_store %arg8[%swap3A_62, %swap3A_63], %broadcast_in_dim3A_52 {strides = array<i32>} : memref<1x896xi32, #tpu.memory_space<vmem>>, vector<1x896xi32>,
    return
  }
}

</mosaic_0001>

<sc_bundles>
// kernel: kernel.4.cloned.1.call-start
scs
__scs_entry_jumppad:
0x0: {  	(pc) =	sbr.rel $0x88, $3  }
0x1: {  	(tag) =	ssettag $0x0;
	lr =	simm.s32 $0x1  }
0x2: {  	[smem:$0x3F9F] =	sst lr;
	_ =	strace $0xD0000000  }
0x3: {  	_ = 	snop  }
0x4: {  	_ = 	snop  }
0x5: {  	_ = 	snop  }
0x6: {  	_ = 	snop  }
0x7: {  	_ = 	snop  }
__scs_overlays_trampoline_lowered:
0x8: {  	[smem:$0x3FAE] =	sst s0  }
0x9: {  	[smem:$0x3FAF] =	sst s1  }
0xa: {  	[smem:$0x3FB0] =	sst s2  }
0xb: {  	[smem:$0x3FB1] =	sst s3  }
0xc: {  	[smem:$0x3FB2] =	sst s4  }
0xd: {  	[smem:$0x3FB3] =	sst s5  }
0xe: {  	[smem:$0x3FB4] =	sst s6  }
0xf: {  	[smem:$0x3FB5] =	sst s7  }
0x10: {  	[smem:$0x3FB6] =	sst s8  }
0x11: {  	[smem:$0x3FB7] =	sst s9;
	s0 =	simm.s32 @!p0 $0x0  }
0x12: {  	s1 =	sld [smem:$0x3F9D];
	s0 =	simm.s32 @p0 $0x1  }
0x13: {  	[smem:$0x3FB8] =	sst s0;
	s0 =	simm.s32 @!p1 $0x0  }
0x14: {  	s2 =	sld [smem:$0x3F9C];
	s0 =	simm.s32 @p1 $0x1  }
0x15: {  	[smem:$0x3FB9] =	sst s0;
	s0 =	simm.s32 @!p2 $0x0  }
0x16: {  	s3 =	sld [smem:$0x3FDB];
	s0 =	simm.s32 @p2 $0x1  }
0x17: {  	s4 =	simm.s32 $0x1BF5;
	[smem:$0x3FBB] =	sst s0  }
0x18: {  	s0 =	sld [smem:$0x3F9E];
	_ =	swait.ge [sflag:s4], $0x0  }
0x19: {  	s7 =	sld [smem:$0x3F9F]  }
0x1a: {  	s8 =	sadd.s32 $0xFFFFE003, lr  }
0x1b: {  	s9 =	sadd.s32 $0xFFFFFEF7, lr;
	s5 =	simm.s32 $0xFFFFFFFF;
	p2 =	slt.u32 s8, $0xFFFFF086  }
0x1c: {  	p1 =	slt.u32 s9, $0xF7A;
	s5 =	simm.s32 @!p2 $0x0  }
0x1d: {  	s5 =	simm.s32 @p1 $0x1;
	p0 =	seq.s32 s7, s2  }
0x1e: {  	s7 =	smul.u32 @!p0 $0xF7A, s2;
	p2 =	seq.s32 @!p0 s5, $0x0  }
0x1f: {  	s9 =	smul.u32 $0xF7A, s1;
	s8 =	simm.s32 @!p0 $0x1BF5;
	p2 =	por !p2, p0  }
0x20: {  	[sflag:s8] =	ssyncset.s32 @!p0 $0xFFFFF086;
	s6 =	sadd.s32 @!p0 s3, s7;
	s7 =	simm.s32 @!p0 $0x108  }
0x21: {  	s3 =	sadd.s32 s3, s9;
	s6 =	sadd.s32 @!p0 $0x88, s6;
	s7 =	simm.s32 @p2 $0x1082  }
0x22: {  	[simem:s7], [sflag:s8] =	dma.local @!p0 [hbm:s6], $0xF7A  }
0x23: {  	s9 =	sor.u32 $0xD0000000, s2;
	s6 =	simm.s32 $0x108;
	_ =	swait.ge @!p0 [sflag:s8], $0x0  }
0x24: {  	s3 =	sadd.s32 $0x88, s3;
	s6 =	simm.s32 @!p1 $0x1082;
	[sflag:s4] =	ssyncset.s32 $0xFFFFF086  }
0x25: {  	[simem:s6], [sflag:s4] =	dma.local [hbm:s3], $0xF7A  }
0x26: {  	[smem:$0x3F9F] =	sst s1;
	(tag) =	ssettag s2;
	_ =	strace s9  }
0x27: {  	s1 =	sld [smem:$0x3FAF]  }
0x28: {  	s2 =	sld [smem:$0x3FB0]  }
0x29: {  	s4 =	sld [smem:$0x3FB2]  }
0x2a: {  	p0 =	seq.s32 s5, $0x0;
	s5 =	sld [smem:$0x3FB3]  }
0x2b: {  	s6 =	sld [smem:$0x3FB4]  }
0x2c: {  	s7 =	sld [smem:$0x3FB5]  }
0x2d: {  	s3 =	simm.s32 $0x108;
	s8 =	sld [smem:$0x3FB6]  }
0x2e: {  	s3 =	simm.s32 @!p0 $0x1082;
	s9 =	sld [smem:$0x3FB7]  }
0x2f: {  	lr =	sadd.s32 s0, s3;
	s0 =	sld [smem:$0x3FAE]  }
0x30: {  	s3 =	sld [smem:$0x3FB1]  }
0x31: {  	[smem:$0x3FBA] =	sst s10  }
0x32: {  	s10 =	sld [smem:$0x3FB8];
	_ =	sdelay $0x3  }
0x33: {  	p0 =	seq.s32 s10, $0x1;
	s10 =	sld [smem:$0x3FBA];
	_ =	sdelay $0x3  }
0x34: {  	[smem:$0x3FBA] =	sst s10  }
0x35: {  	s10 =	sld [smem:$0x3FB9];
	_ =	sdelay $0x3  }
0x36: {  	p1 =	seq.s32 s10, $0x1;
	s10 =	sld [smem:$0x3FBA];
	_ =	sdelay $0x3  }
0x37: {  	[smem:$0x3FBA] =	sst s10  }
0x38: {  	s10 =	sld [smem:$0x3FBB]  }
0x39: {  	_ = 	snop;
	(pc) =	sbr.ind lr, $3  }
0x3a: {  	_ = 	snop  }
0x3b: {  	_ = 	snop  }
0x3c: {  	p2 =	seq.s32 s10, $0x1;
	s10 =	sld [smem:$0x3FBA]  }
0x3d: {  	_ =	shalt  }
0x3e: {  	_ =	shalt  }
0x3f: {  	_ =	shalt  }
0x40: {  	_ =	shalt  }
0x41: {  	_ =	shalt  }
0x42: {  	_ =	shalt  }
0x43: {  	_ =	shalt  }
0x44: {  	_ =	shalt  }
0x45: {  	_ =	shalt  }
0x46: {  	_ =	shalt  }
0x47: {  	_ =	shalt  }
0x48: {  	_ =	shalt  }
0x49: {  	_ =	shalt  }
0x4a: {  	_ =	shalt  }
0x4b: {  	_ =	shalt  }
0x4c: {  	_ =	shalt  }
0x4d: {  	_ =	shalt  }
0x4e: {  	_ =	shalt  }
0x4f: {  	_ =	shalt  }
0x50: {  	_ =	shalt  }
0x51: {  	_ =	shalt  }
0x52: {  	_ =	shalt  }
0x53: {  	_ =	shalt  }
0x54: {  	_ =	shalt  }
0x55: {  	_ =	shalt  }
0x56: {  	_ =	shalt  }
0x57: {  	_ =	shalt  }
0x58: {  	_ =	shalt  }
0x59: {  	_ =	shalt  }
0x5a: {  	_ =	shalt  }
0x5b: {  	_ =	shalt  }
0x5c: {  	_ =	shalt  }
0x5d: {  	_ =	shalt  }
0x5e: {  	_ =	shalt  }
0x5f: {  	_ =	shalt  }
0x60: {  	_ =	shalt  }
0x61: {  	_ =	shalt  }
0x62: {  	_ =	shalt  }
0x63: {  	_ =	shalt  }
0x64: {  	_ =	shalt  }
0x65: {  	_ =	shalt  }
0x66: {  	_ =	shalt  }
0x67: {  	_ =	shalt  }
0x68: {  	_ =	shalt  }
0x69: {  	_ =	shalt  }
0x6a: {  	_ =	shalt  }
0x6b: {  	_ =	shalt  }
0x6c: {  	_ =	shalt  }
0x6d: {  	_ =	shalt  }
0x6e: {  	_ =	shalt  }
0x6f: {  	_ =	shalt  }
0x70: {  	_ =	shalt  }
0x71: {  	_ =	shalt  }
0x72: {  	_ =	shalt  }
0x73: {  	_ =	shalt  }
0x74: {  	_ =	shalt  }
0x75: {  	_ =	shalt  }
0x76: {  	_ =	shalt  }
0x77: {  	_ =	shalt  }
0x78: {  	_ =	shalt  }
0x79: {  	_ =	shalt  }
0x7a: {  	_ =	shalt  }
0x7b: {  	_ =	shalt  }
0x7c: {  	_ =	shalt  }
0x7d: {  	_ =	shalt  }
0x7e: {  	_ =	shalt  }
0x7f: {  	_ =	shalt  }
0x80: {  	_ =	shalt  }
0x81: {  	_ =	shalt  }
0x82: {  	_ =	shalt  }
0x83: {  	_ =	shalt  }
0x84: {  	_ =	shalt  }
0x85: {  	_ =	shalt  }
0x86: {  	_ =	shalt  }
0x87: {  	_ =	shalt  }
.Lfunc_end0:
.L_simem_size_0:
called_computation_lowered:
.L_overlay_start_0:
0x88: {  	s2 =	sld [smem:$0x3FD9]  }
0x89: {  	s3 =	sld [smem:$0x3FFE];
	_ =	sdelay $0x1  }
0x8a: {  	s1 =	srdreg.scid  }
0x8b: {  	s0 =	sand.u32 $0x1, s1  }
0x8c: {  	s14 =	sshll.u32 s0, $0xA;
	s2 =	sadd.s32 s3, s2  }
0x8d: {  	s2 =	sadd.s32 s2, s14  }
0x8e: {  	[smem:$0x3FC6] =	sst s2  }
0x8f: {  	_ = 	snop  }
0x90: {  	s2 =	sld [smem:$0x3FD0];
	_ =	sdelay $0x2  }
0x91: {  	s15 =	simm.s32 $0xA;
	s4 =	simm.s32 $0x10  }
0x92: {  	[smem:s4], [sflag:s15] =	dma.local [hbm:s2], $0x1  }
0x93: {  	_ =	swait.eq [sflag:s15], $0x1  }
0x94: {  	[sflag:s15] =	ssyncset.done $0x0  }
0x95: {  	[sflag:s15] =	ssyncadd.s32 $0xFFFFFFFF  }
0x96: {  	s16 =	sld [smem:$0x10];
	(tm) =	ssettm $0x1  }
0x97: {  	s17 =	sld [smem:$0x3FFB];
	_ =	sdelay $0x3  }
0x98: {  	_ =	strace s17  }
0x99: {  	s3 =	sld [smem:$0x3FFC];
	_ =	sdelay $0x3  }
0x9a: {  	_ =	strace s3  }
0x9b: {  	s3 =	sld [smem:$0x3FFD];
	_ =	sdelay $0x3  }
0x9c: {  	_ =	strace s3  }
0x9d: {  	_ =	strace $0x8FFFFFFF  }
0x9e: {  	s18 =	sld [smem:$0x3FDB];
	_ =	sdelay $0x1  }
0x9f: {  	s19 =	simm.s32 $_scs_section_size  }
0xa0: {  	s5 =	simm.s32 $_size__tile_overlayer_lowered;
	s6 =	simm.s32 $_tile_overlayer_lowered  }
0xa1: {  	s22 =	simm.s32 $0x1BFF;
	s21 =	sshll.u32 s6, $0x1;
	s3 =	sadd.s32 s19, s18  }
0xa2: {  	s7 =	simm.s32 $0x0;
	s20 =	sshll.u32 s5, $0x1;
	s5 =	sadd.s32 s21, s3  }
0xa3: {  	[timem:s7], [sflag:s22] =	dma.local [hbm:s5], s20  }
0xa4: {  	_ =	swait.ge [sflag:s22], s20  }
0xa5: {  	s4 =	ssub.s32 $0x0, s20;
	[sflag:s22] =	ssyncset.done $0x0  }
0xa6: {  	[sflag:s22] =	ssyncadd.s32 s4;
	_ =	sdelay $0x1  }
0xa7: {  	s23 =	simm.s32 $0x1B8B  }
0xa8: {  	_ =	swait.ge [sflag:s23], $0x1  }
0xa9: {  	[sflag:s23] =	ssyncset.done $0x0  }
0xaa: {  	s25 =	simm.s32 $0x1B8E;
	s24 =	sld [smem:$0x3FFE];
	[sflag:s23] =	ssyncadd.s32 $0xFFFFFFFF  }
0xab: {  	s26 =	simm.s32 $execute0_lowered;
	[smem:$0x3FD2] =	sst s25  }
0xac: {  	s5 =	sshll.u32 s26, $0x1;
	_ =	strace $0x80000046;
	[dreg:$0x1] =	wrdreg $0xFFFFFFFF  }
0xad: {  	s28 =	simm.s32 $_size_execute0_lowered;
	s3 =	sadd.s32 s3, s5;
	[dreg:$0x0] =	wrdreg $0x0  }
0xae: {  	s5 =	sshll.u32 s28, $0x1;
	[dreg:$0x2] =	wrdreg s3  }
0xaf: {  	[dreg:$0x3] =	wrdreg s5  }
0xb0: {  	[dreg:$0x4] =	wrdreg $0xC0  }
0xb1: {  	_ =	task [dreg:s7], $0x5FFFF  }
0xb2: {  	[dreg:$0x1] =	wrdreg $0xFFFFFFFF  }
0xb3: {  	[dreg:$0x0] =	wrdreg $0x60  }
0xb4: {  	[dreg:$0x2] =	wrdreg s24  }
0xb5: {  	[dreg:$0x3] =	wrdreg s16  }
0xb6: {  	[dreg:$0x4] =	wrdreg $0x9  }
0xb7: {  	_ =	task.clear_ibuf [dreg:s7], $0x5FFFF;
	_ =	strace $0x90000046  }
0xb8: {  	s29 =	simm.s32 $0x9;
	_ =	strace $0x80000048  }
0xb9: {  	_ =	swait.ge [sflag:s29], $0x1  }
0xba: {  	[sflag:s29] =	ssyncadd.s32 $0xFFFFFFFF  }
0xbb: {  	_ =	strace $0x90000048  }
0xbc: {  	_ =	sfence  }
0xbd: {  	s30 =	sld [smem:$0x0];
	_ =	sdelay $0x2  }
0xbe: {  	s31 =	sshll.u32 s1, $0xD;
	s1 =	sshrl.u32 s1, $0x2  }
0xbf: {  	s3 =	sand.u32 $0x4000, s31;
	s1 =	sadd.s32 s1, s30  }
0xc0: {  	s0 =	sor.u32 s3, s0;
	s1 =	sshll.u32 s1, $0x11  }
0xc1: {  	s0 =	sor.u32 s1, s0  }
0xc2: {  	s0 =	sadd.s32 $0x8F2B, s0  }
0xc3: {  	[sflag:s0] =	ssyncadd.remote.s32 $0x1  }
0xc4: {  	_ =	sfence.sel $0xFFFF  }
0xc5: {  	[dreg:$0x0] =	wrdreg $0xFFFFFFFF;
	(pc) =	sbr.abs _section_cstart, $3  }
0xc6: {  	[dreg:$0x1] =	wrdreg $0xFFFFFFFF  }
0xc7: {  	_ =	task.clear_ibuf [dreg:s7], $0x2FFFF;
	_ =	strace $0x9FFFFFFF  }
0xc8: {  	(tm) =	ssettm $0x7FFFFFFF  }
0xc9: {  	_ =	shalt  }
tec
execute0_lowered:
.L_overlay_start_1:
0x0: {  	(tag) =	ssettag $0x1  }
0x1: {  	s0 =	rddreg [dreg:$0x0]  }
0x2: {  	s2 =	rddreg [dreg:$0x1];
	s1 =	simm.s32 $0x0;
	v0 =	vimm.f32 $1.500000000e+01;
	vm0 =	vcmask $0x300  }
0x3: {  	s3 =	srdreg.scid;
	s7 =	stileid.u32;
	vm14 =	vcmask $0x704;
	s16 =	simm.s32 $0x80;
	v0 =	vsel vm0, $0x0, v0  }
0x4: {  	vm15 =	vcmask $0xB08;
	s17 =	simm.s32 $0x400;
	s28 =	simm.s32 $0x4;
	s30 =	simm.s32 $0x5;
	v0 =	vsel vm14, $0x3F800000, v0  }
0x5: {  	vm4 =	vcmask $0xF0C;
	s18 =	simm.s32 $0x0;
	[smem:$0x7FF] =	sst s1;
	s9 =	sadd.s32 $0x400, s0;
	v0 =	vsel vm15, $0x40000000, v0  }
0x6: {  	vm5 =	vcmask $0x1310;
	s3 =	sand.u32 $0x1, s3;
	s10 =	sadd.s32 $0x4400, s0;
	s4 =	sshll.u32 s7, $0x5;
	v0 =	vsel vm4, $0x40400000, v0  }
0x7: {  	vm6 =	vcmask $0x1714;
	s7 =	sshll.u32 s7, $0xA;
	_ =	strace $0x80000047;
	s5 =	sshll.u32 s3, $0x4;
	v0 =	vsel vm5, $0x40800000, v0  }
0x8: {  	vm7 =	vcmask $0x1B18;
	s6 =	ssub.s32 $0x2, s3;
	s3 =	sshll.u32 s3, $0x6;
	s11 =	sor.u32 s5, s4;
	v0 =	vsel vm6, $0x40A00000, v0  }
0x9: {  	vm8 =	vcmask $0x1F1C;
	s23 =	sshrl.u32 s6, $0x1;
	s3 =	sor.u32 s3, s7;
	s0 =	sadd.s32 s11, s0;
	v0 =	vsel vm7, $0x40C00000, v0  }
0xa: {  	vm9 =	vcmask $0x2320;
	s15 =	ssub.s32 s6, s23;
	s24 =	sor.u32 $0x10, s3;
	s25 =	sadd.s32 s9, s3;
	v0 =	vsel vm8, $0x40E00000, v0  }
0xb: {  	vm10 =	vcmask $0x2724;
	s26 =	sadd.s32 s10, s3;
	s8 =	sor.u32 $0x20, s3;
	[dreg:$0x3] =	wrdreg s25;
	v0 =	vsel vm9, $0x41000000, v0  }
0xc: {  	vm11 =	vcmask $0x2B28;
	s3 =	sor.u32 $0x30, s3;
	s11 =	sadd.s32 s2, s11;
	[dreg:$0x4] =	wrdreg s26;
	v0 =	vsel vm10, $0x41100000, v0  }
0xd: {  	vm12 =	vcmask $0x2F2C;
	s29 =	sadd.s32 s9, s24;
	s31 =	sadd.s32 s10, s24;
	s7 =	sadd.s32 s9, s8;
	v0 =	vsel vm11, $0x41200000, v0  }
0xe: {  	vm13 =	vcmask $0x3330;
	s8 =	sadd.s32 s10, s8;
	s9 =	sadd.s32 s9, s3;
	s10 =	sadd.s32 s10, s3;
	v0 =	vsel vm12, $0x41300000, v0  }
0xf: {  	vm14 =	vcmask $0x3734;
	s12 =	sadd.s32 $0x8800, s0;
	s13 =	sadd.s32 $0x8400, s0;
	s14 =	sadd.s32 $0x8600, s0;
	v0 =	vsel vm13, $0x41400000, v0  }
0x10: {  	vm15 =	vcmask $0x3B38;
	s15 =	smax.u32 s15, $0x1;
	s24 =	simm.s32 $0x1;
	[dreg:$0x5] =	wrdreg s29;
	v0 =	vsel vm14, $0x41500000, v0  }
0x11: {  	s25 =	simm.s32 $0x2;
	s26 =	simm.s32 $0x3;
	[dreg:$0x6] =	wrdreg s31;
	v0 =	vsel vm15, $0x41600000, v0  }
.LBB2_1:
0x12: {  	s0 =	rddreg [dreg:$0x3]  }
0x13: {  	[tilespmem:s1], [sflag:$0x1] =	stream.strided.gather [hbm4b:s0+s16], $0x400, s17, s16, $0x38;
	[tilespmem:$0x2200] =	vst v63  }
0x14: {  	s6 =	rddreg [dreg:$0x4]  }
0x15: {  	[tilespmem:s17], [sflag:$0x1] =	stream.strided.gather [hbm4b:s6+s16], $0x400, s17, s16, $0x38;
	[tilespmem:$0x2200] =	vst v63  }
0x16: {  	s19 =	rddreg [dreg:$0x5];
	s2 =	simm.s32 $0x800  }
0x17: {  	[tilespmem:s2], [sflag:$0x2] =	stream.strided.gather [hbm4b:s19+s16], $0x400, s17, s16, $0x38;
	[tilespmem:$0x2200] =	vst v63  }
0x18: {  	s20 =	rddreg [dreg:$0x6];
	s21 =	simm.s32 $0xC00  }
0x19: {  	[tilespmem:s21], [sflag:$0x2] =	stream.strided.gather [hbm4b:s20+s16], $0x400, s17, s16, $0x38;
	[tilespmem:$0x2200] =	vst v63  }
0x1a: {  	s22 =	simm.s32 $0x1000  }
0x1b: {  	[tilespmem:s22], [sflag:$0x3] =	stream.strided.gather [hbm4b:s7+s16], $0x400, s17, s16, $0x38;
	[tilespmem:$0x2200] =	vst v63  }
0x1c: {  	s23 =	simm.s32 $0x1400  }
0x1d: {  	[tilespmem:s23], [sflag:$0x3] =	stream.strided.gather [hbm4b:s8+s16], $0x400, s17, s16, $0x38;
	[tilespmem:$0x2200] =	vst v63  }
0x1e: {  	s2 =	simm.s32 $0x1800  }
0x1f: {  	[tilespmem:s2], [sflag:$0x4] =	stream.strided.gather [hbm4b:s9+s16], $0x400, s17, s16, $0x38;
	[tilespmem:$0x2200] =	vst v63  }
0x20: {  	s3 =	simm.s32 $0x1C00  }
0x21: {  	[tilespmem:s3], [sflag:$0x4] =	stream.strided.gather [hbm4b:s10+s16], $0x400, s17, s16, $0x38;
	[tilespmem:$0x2200] =	vst v63  }
0x22: {  	_ =	swait.ge [sflag:s24], $0x400  }
0x23: {  	[sflag:s24] =	ssyncset.done $0x0  }
0x24: {  	[sflag:s24] =	ssyncadd.s32 $0xFFFFFC00  }
0x25: {  	_ =	swait.ge [sflag:s24], $0x400  }
0x26: {  	[sflag:s24] =	ssyncset.done $0x0  }
0x27: {  	s0 =	simm.s32 $0x40;
	[sflag:s24] =	ssyncadd.s32 $0xFFFFFC00  }
0x28: {  	v5 =	vld [tilespmem:s0+$0xFFFFFFC0]  }
0x29: {  	v6 =	vld [tilespmem:s0+$0xFFFFFFD0]  }
0x2a: {  	s29 =	simm.s32 $0x50;
	s3 =	simm.s32 $0x440;
	v1 =	vld [tilespmem:s0+$0x30]  }
0x2b: {  	s5 =	scvt.s32.f32 s29;
	s19 =	simm.s32 $0x0;
	v4 =	vld [tilespmem:s3+$0x30]  }
0x2c: {  	s6 =	simm.s32 $0x60;
	s19 =	scvt.s32.f32 s19;
	s22 =	simm.s32 $0x30;
	v7 =	vld [tilespmem:s3+$0xFFFFFFC0]  }
0x2d: {  	s20 =	simm.s32 $0x10;
	s21 =	simm.s32 $0x20;
	s22 =	scvt.s32.f32 s22;
	v8 =	vld [tilespmem:s3+$0xFFFFFFD0]  }
0x2e: {  	v37 =	vadd.f32 s5, v0;
	s20 =	scvt.s32.f32 s20;
	s21 =	scvt.s32.f32 s21;
	s23 =	simm.s32 $0x40;
	v9 =	vld [tilespmem:s3+$0xFFFFFFE0]  }
0x2f: {  	v3 =	vimm.f32 $-Inf;
	v25 =	vadd.f32 s19, v0;
	s4 =	scvt.s32.f32 s23;
	v32 =	vadd.f32 s22, v0;
	s22 =	scvt.s32.f32 s6;
	s2 =	simm.s32 $0x70;
	v10 =	vld [tilespmem:s3+$0xFFFFFFF0]  }
0x30: {  	v2 =	vimm.f32 $+Inf;
	v29 =	vadd.f32 s20, v0;
	v30 =	vadd.f32 s21, v0;
	s2 =	scvt.s32.f32 s2;
	v11 =	vld [tilespmem:s3+$0x0]  }
0x31: {  	v27 =	vimm.f32 $0.0e+00;
	v33 =	vadd.f32 s4, v0;
	v38 =	vadd.f32 s22, v0;
	v26 =	vld [tilespmem:s3+$0x20]  }
0x32: {  	v24 =	vadd.f32 s2, v0;
	v28 =	vld [tilespmem:s0+$0xFFFFFFE0];
	v34 =	vmax.f32 v3, v5;
	v31 =	vmax.f32 v3, v6  }
0x33: {  	v35 =	vld [tilespmem:s0+$0xFFFFFFF0];
	vm3 =	vgt.f32 v1, v3;
	vm4 =	vlt.f32 v4, v2;
	vm5 =	vlt.f32 v7, v2  }
0x34: {  	v36 =	vld [tilespmem:s0+$0x0];
	v12 =	vmin.f32 v2, v7;
	vm1 =	vlt.f32 v8, v2;
	v8 =	vmin.f32 v2, v8  }
0x35: {  	v40 =	vld [tilespmem:s0+$0x20];
	vm2 =	vlt.f32 v9, v2;
	v16 =	vmin.f32 v2, v9;
	vm8 =	vlt.f32 v10, v2  }
0x36: {  	v18 =	vmin.f32 v2, v10;
	vm9 =	vlt.f32 v11, v2;
	v20 =	vmin.f32 v2, v11  }
0x37: {  	vm11 =	vlt.f32 v26, v2;
	v9 =	vmin.f32 v2, v26;
	v10 =	vmax.f32 v3, v28  }
0x38: {  	v39 =	vld [tilespmem:s0+$0x10];
	vm12 =	vgt.f32 v5, v3;
	vm13 =	vgt.f32 v6, v3;
	v6 =	vmax.f32 v3, v35  }
0x39: {  	vm14 =	vgt.f32 v28, v3;
	vm6 =	vgt.f32 v35, v3;
	v5 =	vmax.f32 v3, v36  }
0x3a: {  	v7 =	vld [tilespmem:s3+$0x10];
	vm7 =	vgt.f32 v36, v3;
	vm15 =	vgt.f32 v40, v3;
	v26 =	vmax.f32 v3, v40  }
0x3b: {  	v13 =	vsel vm4, v24, v27;
	v14 =	vsel vm5, v25, v27;
	v15 =	vsel vm1, v29, v27  }
0x3c: {  	v17 =	vsel vm2, v30, v27;
	v19 =	vsel vm8, v32, v27;
	v21 =	vsel vm9, v33, v27  }
0x3d: {  	s5 =	simm.s32 $0x90;
	s0 =	simm.s32 $0xC0;
	v11 =	vsel vm11, v38, v27;
	vm8 =	vgt.f32 v39, v3;
	v28 =	vsel vm12, v25, v27  }
0x3e: {  	s19 =	simm.s32 $0xF0;
	s21 =	simm.s32 $0xC0;
	s23 =	simm.s32 $0x80;
	v35 =	vld [tilespmem:s0+$0xFFFFFFC0];
	v29 =	vsel vm13, v29, v27;
	v30 =	vsel vm14, v30, v27;
	v25 =	vsel vm6, v32, v27  }
0x3f: {  	s20 =	simm.s32 $0x170;
	s6 =	simm.s32 $0xA0;
	s29 =	scvt.s32.f32 s23;
	v36 =	vld [tilespmem:s0+$0xFFFFFFD0];
	v32 =	vsel vm7, v33, v27;
	v41 =	vmovc v6;
	v33 =	vsel vm8, v37, v27;
	vm10 =	vlt.f32 v7, v2  }
0x40: {  	s4 =	simm.s32 $0xB0;
	s22 =	scvt.s32.f32 s5;
	s2 =	simm.s32 $0x4C0;
	v42 =	vld [tilespmem:s0+$0x30];
	v40 =	vmovc v5;
	v22 =	vmin.f32 v2, v7;
	v7 =	vsel vm3, v24, v27;
	v24 =	vmax.f32 v3, v39  }
0x41: {  	s31 =	scvt.s32.f32 s6;
	s23 =	scvt.s32.f32 s4;
	v43 =	vld [tilespmem:s2+$0x30];
	s3 =	simm.s32 $0xD0;
	v39 =	vmovc v10;
	v23 =	vsel vm10, v37, v27;
	v27 =	vsel vm15, v38, v27;
	v37 =	vmovc v34;
	v38 =	vmov v31  }
.LBB2_2:
0x42: {  	p0 =	sne.s32 s20, $0x3F0;
	v44 =	vadd.f32 s29, v0;
	v45 =	vld [tilespmem:s2+$0xFFFFFFC0];
	v46 =	vadd.f32 s22, v0;
	s4 =	scvt.s32.f32 s21;
	s3 =	scvt.s32.f32 s3  }
0x43: {  	s21 =	sadd.s32 $0xFFFFFFF0, s19;
	s22 =	scvt.s32.f32 s19;
	s19 =	smov.u32 s20;
	v34 =	vmax.f32 v34, v35;
	v47 =	vld [tilespmem:s2+$0xFFFFFFD0];
	v48 =	vadd.f32 s31, v0;
	v49 =	vadd.f32 s23, v0  }
0x44: {  	v31 =	vmax.f32 v31, v36;
	v50 =	vld [tilespmem:s2+$0xFFFFFFE0];
	v51 =	vadd.f32 s4, v0;
	v52 =	vadd.f32 s3, v0;
	s3 =	scvt.s32.f32 s21  }
0x45: {  	v3 =	vmax.f32 v3, v1;
	v2 =	vmin.f32 v2, v4;
	v54 =	vadd.f32 s22, v0;
	v53 =	vld [tilespmem:s2+$0xFFFFFFF0];
	v1 =	vmovc v42  }
0x46: {  	v42 =	vld [tilespmem:s2+$0x0];
	v55 =	vadd.f32 s3, v0;
	vm3 =	vgt.f32 v1, v3;
	vm4 =	vlt.f32 v43, v2;
	v4 =	vmovc v43  }
0x47: {  	vm5 =	vlt.f32 v45, v12;
	v12 =	vmin.f32 v12, v45;
	v43 =	vld [tilespmem:s2+$0x10];
	v13 =	vsel vm4, v54, v13  }
0x48: {  	v14 =	vsel vm5, v44, v14;
	vm4 =	vlt.f32 v47, v8;
	v8 =	vmin.f32 v8, v47;
	v45 =	vld [tilespmem:s2+$0x20]  }
0x49: {  	v15 =	vsel vm4, v46, v15;
	v47 =	vld [tilespmem:s0+$0xFFFFFFE0];
	vm4 =	vlt.f32 v50, v16;
	v16 =	vmin.f32 v16, v50  }
0x4a: {  	v17 =	vsel vm4, v48, v17;
	v50 =	vld [tilespmem:s0+$0xFFFFFFF0];
	vm4 =	vlt.f32 v53, v18;
	v18 =	vmin.f32 v18, v53  }
0x4b: {  	v19 =	vsel vm4, v49, v19;
	v53 =	vld [tilespmem:s0+$0x0];
	vm4 =	vlt.f32 v42, v20;
	v20 =	vmin.f32 v20, v42  }
0x4c: {  	v21 =	vsel vm4, v51, v21;
	v42 =	vld [tilespmem:s0+$0x10];
	vm4 =	vlt.f32 v43, v22;
	v22 =	vmin.f32 v22, v43  }
0x4d: {  	v23 =	vsel vm4, v52, v23;
	v43 =	vld [tilespmem:s0+$0x20];
	vm4 =	vlt.f32 v45, v9;
	v9 =	vmin.f32 v9, v45  }
0x4e: {  	v7 =	vsel vm3, v54, v7;
	v10 =	vmax.f32 v10, v47;
	v11 =	vsel vm4, v55, v11  }
0x4f: {  	vm3 =	vgt.f32 v35, v37;
	v37 =	vmovc v34;
	vm4 =	vgt.f32 v36, v38;
	v6 =	vmax.f32 v6, v50  }
.Ltmp0:
0x50: {  	s0 =	sadd.s32 $0x80, s0;
	vm5 =	vgt.f32 v47, v39;
	v38 =	vmovc v31;
	vm6 =	vgt.f32 v50, v41;
	v5 =	vmax.f32 v5, v53;
	(pc) =	sbr.rel @p0 .LBB2_2-.Ltmp0, $4  }
0x51: {  	s23 =	sadd.s32 $0xFFFFFFB0, s20;
	s4 =	sadd.s32 $0xFFFFFF90, s20;
	s22 =	sadd.s32 $0xFFFFFFA0, s20;
	v39 =	vmovc v10;
	vm7 =	vgt.f32 v53, v40;
	v35 =	vld [tilespmem:s0+$0xFFFFFFC0];
	vm8 =	vgt.f32 v42, v24;
	v24 =	vmax.f32 v24, v42  }
0x52: {  	s5 =	sadd.s32 $0xFFFFFFC0, s20;
	s21 =	sadd.s32 $0xFFFFFFD0, s20;
	s3 =	sadd.s32 $0xFFFFFFE0, s20;
	v28 =	vsel vm3, v44, v28;
	v41 =	vmovc v6;
	v36 =	vld [tilespmem:s0+$0xFFFFFFD0];
	vm3 =	vgt.f32 v43, v26;
	v26 =	vmax.f32 v26, v43  }
0x53: {  	s29 =	scvt.s32.f32 s4;
	s22 =	scvt.s32.f32 s22;
	s2 =	sadd.s32 $0x80, s2;
	v29 =	vsel vm4, v46, v29;
	v30 =	vsel vm5, v48, v30;
	v25 =	vsel vm6, v49, v25;
	v40 =	vmovc v5;
	v42 =	vld [tilespmem:s0+$0x30]  }
0x54: {  	s31 =	scvt.s32.f32 s23;
	s23 =	scvt.s32.f32 s5;
	s20 =	sadd.s32 $0x80, s20;
	v32 =	vsel vm7, v51, v32;
	v33 =	vsel vm8, v52, v33;
	v27 =	vsel vm3, v55, v27;
	v43 =	vld [tilespmem:s2+$0x30]  }
0x55: {  	v44 =	vld [tilespmem:s2+$0xFFFFFFC0]  }
0x56: {  	v45 =	vld [tilespmem:s2+$0xFFFFFFD0]  }
0x57: {  	v46 =	vld [tilespmem:s2+$0xFFFFFFE0]  }
0x58: {  	v47 =	vld [tilespmem:s2+$0xFFFFFFF0]  }
0x59: {  	v48 =	vld [tilespmem:s2+$0x0];
	s5 =	scvt.s32.f32 s19  }
0x5a: {  	v49 =	vld [tilespmem:s2+$0x10];
	v50 =	vadd.f32 s29, v0;
	v34 =	vmax.f32 v34, v35  }
0x5b: {  	v51 =	vld [tilespmem:s2+$0x20];
	v4 =	vmin.f32 v2, v4;
	[tilespmem:$0x1FE00] =	vst v34;
	v31 =	vmax.f32 v31, v36;
	v57 =	vadd.f32 s5, v0  }
0x5c: {  	v53 =	vld [tilespmem:s0+$0xFFFFFFE0];
	v3 =	vmax.f32 v3, v1;
	[tilespmem:$0x1FE10] =	vst v31;
	vm4 =	vlt.f32 v43, v4;
	v1 =	vmin.f32 v12, v44  }
0x5d: {  	v55 =	vld [tilespmem:s0+$0xFFFFFFF0];
	vm5 =	vlt.f32 v44, v12;
	[tilespmem:$0x1FE20] =	vst v1;
	v1 =	vsel vm4, v57, v13  }
0x5e: {  	v58 =	vld [tilespmem:s0+$0x0];
	[tilespmem:$0x1FE30] =	vst v1;
	v1 =	vsel vm5, v50, v14  }
0x5f: {  	v52 =	vadd.f32 s22, v0;
	v60 =	vld [tilespmem:s0+$0x10];
	[tilespmem:$0x1FE40] =	vst v1  }
0x60: {  	v12 =	vld [tilespmem:s0+$0x20];
	vm2 =	vlt.f32 v45, v8;
	v1 =	vmin.f32 v8, v45;
	_ =	swait.ge [sflag:s25], $0x400  }
0x61: {  	v34 =	vadd.f32 s31, v0;
	[tilespmem:$0x1FE50] =	vst v1;
	v1 =	vsel vm2, v52, v15  }
0x62: {  	vm8 =	vlt.f32 v46, v16;
	[tilespmem:$0x1FE60] =	vst v1;
	v1 =	vmin.f32 v16, v46  }
0x63: {  	v54 =	vadd.f32 s23, v0;
	[tilespmem:$0x1FE70] =	vst v1;
	v1 =	vsel vm8, v34, v17  }
0x64: {  	vm9 =	vlt.f32 v47, v18;
	[tilespmem:$0x1FE80] =	vst v1;
	v1 =	vmin.f32 v18, v47  }
0x65: {  	[sflag:s25] =	ssyncset.done $0x0;
	[tilespmem:$0x1FE90] =	vst v1;
	v1 =	vsel vm9, v54, v19  }
0x66: {  	[sflag:s25] =	ssyncadd.s32 $0xFFFFFC00;
	[tilespmem:$0x1FEA0] =	vst v1  }
0x67: {  	s4 =	scvt.s32.f32 s21;
	v1 =	vmin.f32 v20, v48;
	_ =	swait.ge [sflag:s25], $0x400  }
0x68: {  	v2 =	vmax.f32 v5, v58;
	[tilespmem:$0x1FEB0] =	vst v1  }
0x69: {  	v31 =	vadd.f32 s4, v0;
	v5 =	vmax.f32 v24, v60;
	[tilespmem:$0x1FF40] =	vst v2  }
0x6a: {  	vm3 =	vgt.f32 v42, v3;
	v3 =	vmax.f32 v3, v42;
	vm10 =	vlt.f32 v48, v20;
	[tilespmem:$0x1FF50] =	vst v5  }
0x6b: {  	vm13 =	vgt.f32 v35, v37;
	v1 =	vsel vm10, v31, v21;
	[tilespmem:$0x1FFE0] =	vst v3  }
0x6c: {  	s21 =	scvt.s32.f32 s3;
	v5 =	vsel vm13, v50, v28;
	[tilespmem:$0x1FEC0] =	vst v1  }
0x6d: {  	v3 =	vmin.f32 v4, v43;
	[tilespmem:$0x1FF60] =	vst v5  }
0x6e: {  	v56 =	vadd.f32 s21, v0;
	v1 =	vmin.f32 v22, v49;
	[tilespmem:$0x1FFF0] =	vst v3  }
0x6f: {  	vm11 =	vlt.f32 v49, v22;
	[sflag:s25] =	ssyncset.done $0x0;
	v5 =	vmax.f32 v26, v12;
	[tilespmem:$0x1FED0] =	vst v1  }
0x70: {  	s22 =	sadd.s32 $0xFFFFFFF0, s19;
	vm14 =	vgt.f32 v36, v38;
	s0 =	simm.s32 $0x840;
	[sflag:s25] =	ssyncadd.s32 $0xFFFFFC00;
	v1 =	vsel vm11, v56, v23;
	[tilespmem:$0x1FF70] =	vst v5  }
0x71: {  	s3 =	scvt.s32.f32 s22;
	v21 =	vld [tilespmem:s0+$0xFFFFFFC0];
	v5 =	vsel vm14, v52, v29;
	[tilespmem:$0x1FEE0] =	vst v1  }
0x72: {  	s2 =	simm.s32 $0xC40;
	s20 =	simm.s32 $0x30;
	vm15 =	vgt.f32 v53, v39;
	v22 =	vld [tilespmem:s0+$0xFFFFFFD0];
	v1 =	vmin.f32 v9, v51;
	[tilespmem:$0x1FF80] =	vst v5  }
0x73: {  	s6 =	simm.s32 $0x0;
	s22 =	simm.s32 $0x40;
	s20 =	scvt.s32.f32 s20;
	v59 =	vadd.f32 s3, v0;
	vm12 =	vlt.f32 v51, v9;
	v2 =	vld [tilespmem:s2+$0x30];
	v5 =	vsel vm15, v34, v30;
	[tilespmem:$0x1FEF0] =	vst v1  }
0x74: {  	s19 =	simm.s32 $0x10;
	s4 =	scvt.s32.f32 s6;
	s6 =	scvt.s32.f32 s22;
	vm6 =	vgt.f32 v55, v41;
	vm7 =	vgt.f32 v58, v40;
	v23 =	vld [tilespmem:s2+$0xFFFFFFC0];
	v1 =	vmax.f32 v10, v53;
	[tilespmem:$0x1FF90] =	vst v5  }
0x75: {  	s21 =	simm.s32 $0x20;
	s5 =	scvt.s32.f32 s19;
	v8 =	vadd.f32 s20, v0;
	vm8 =	vgt.f32 v60, v24;
	v24 =	vld [tilespmem:s2+$0xFFFFFFD0];
	v5 =	vsel vm6, v54, v25;
	[tilespmem:$0x1FF00] =	vst v1  }
0x76: {  	s23 =	simm.s32 $0x50;
	s19 =	scvt.s32.f32 s21;
	s21 =	simm.s32 $0x60;
	v18 =	vadd.f32 s6, v0;
	vm9 =	vgt.f32 v12, v26;
	v26 =	vld [tilespmem:s2+$0xFFFFFFF0];
	v1 =	vsel vm12, v59, v11;
	[tilespmem:$0x1FFA0] =	vst v5  }
0x77: {  	s23 =	scvt.s32.f32 s23;
	v4 =	vadd.f32 s5, v0;
	s5 =	scvt.s32.f32 s21;
	v28 =	vimm.f32 $0.0e+00;
	v58 =	vld [tilespmem:s2+$0x20];
	v5 =	vsel vm7, v31, v32;
	[tilespmem:$0x1FF10] =	vst v1  }
0x78: {  	v3 =	vadd.f32 s4, v0;
	v12 =	vimm.f32 $+Inf;
	v60 =	vld [tilespmem:s0+$0xFFFFFFF0];
	v1 =	vsel vm3, v57, v7;
	[tilespmem:$0x1FFB0] =	vst v5  }
0x79: {  	v29 =	vadd.f32 s23, v0;
	v61 =	vld [tilespmem:s0+$0x0];
	v30 =	vadd.f32 s5, v0;
	v5 =	vsel vm8, v56, v33;
	[tilespmem:$0x1FF20] =	vst v1  }
0x7a: {  	v62 =	vld [tilespmem:s0+$0x10];
	v11 =	vimm.f32 $-Inf;
	v1 =	vmax.f32 v6, v55;
	[tilespmem:$0x1FFC0] =	vst v5;
	v5 =	vsel vm9, v59, v27  }
0x7b: {  	v63 =	vld [tilespmem:s0+$0x20];
	v6 =	vadd.f32 s19, v0;
	vm10 =	vlt.f32 v2, v12;
	vm12 =	vlt.f32 v23, v12  }
0x7c: {  	vm13 =	vlt.f32 v24, v12;
	vm15 =	vlt.f32 v26, v12;
	vm6 =	vlt.f32 v58, v12  }
0x7d: {  	s3 =	simm.s32 $0x70;
	v25 =	vld [tilespmem:s2+$0xFFFFFFE0];
	vm0 =	vgt.f32 v21, v11;
	vm1 =	vgt.f32 v22, v11;
	v41 =	vmax.f32 v11, v21  }
0x7e: {  	s3 =	scvt.s32.f32 s3;
	v31 =	vld [tilespmem:s2+$0x10];
	v39 =	vmax.f32 v11, v22;
	v35 =	vmin.f32 v12, v23;
	v32 =	vmin.f32 v12, v24  }
0x7f: {  	v27 =	vld [tilespmem:s2+$0x0];
	v24 =	vmax.f32 v11, v60;
	v22 =	vmax.f32 v11, v61;
	v23 =	vmax.f32 v11, v62  }
0x80: {  	v59 =	vld [tilespmem:s0+$0xFFFFFFE0];
	v21 =	vmax.f32 v11, v63;
	[tilespmem:$0x1FFD0] =	vst v5;
	v5 =	vadd.f32 s3, v0;
	v16 =	vsel vm12, v3, v28  }
0x81: {  	[tilespmem:$0x1FF30] =	vst v1;
	v1 =	vld [tilespmem:s0+$0x30];
	v17 =	vsel vm13, v4, v28;
	v13 =	vsel vm15, v8, v28;
	v9 =	vsel vm0, v3, v28  }
0x82: {  	vm12 =	vgt.f32 v60, v11;
	vm13 =	vgt.f32 v61, v11;
	vm15 =	vgt.f32 v63, v11  }
0x83: {  	vm14 =	vlt.f32 v25, v12;
	v3 =	vsel vm12, v8, v28;
	v15 =	vsel vm10, v5, v28  }
0x84: {  	v14 =	vsel vm14, v6, v28;
	vm5 =	vlt.f32 v31, v12;
	vm14 =	vgt.f32 v62, v11  }
0x85: {  	v19 =	vsel vm5, v29, v28;
	v8 =	vsel vm14, v29, v28;
	v29 =	vmin.f32 v12, v25  }
0x86: {  	s20 =	simm.s32 $0xA0;
	s0 =	simm.s32 $0x8C0;
	v33 =	vmovc v41;
	vm3 =	vlt.f32 v27, v12;
	vm2 =	vgt.f32 v59, v11;
	vm11 =	vgt.f32 v1, v11  }
0x87: {  	s31 =	scvt.s32.f32 s20;
	s20 =	simm.s32 $0x170;
	s6 =	simm.s32 $0x90;
	v36 =	vmovc v39;
	v25 =	vld [tilespmem:s0+$0xFFFFFFC0];
	v7 =	vsel vm2, v6, v28;
	v20 =	vsel vm3, v18, v28;
	v6 =	vsel vm13, v18, v28  }
0x88: {  	s22 =	scvt.s32.f32 s6;
	s21 =	simm.s32 $0xC0;
	s5 =	simm.s32 $0x80;
	v40 =	vmovc v24;
	v34 =	vld [tilespmem:s0+$0xFFFFFFD0];
	v18 =	vsel vm6, v30, v28;
	v10 =	vsel vm11, v5, v28;
	v5 =	vsel vm1, v4, v28  }
0x89: {  	s23 =	simm.s32 $0xB0;
	s29 =	scvt.s32.f32 s5;
	s2 =	simm.s32 $0xCC0;
	v38 =	vmovc v22;
	v42 =	vld [tilespmem:s0+$0x30];
	v4 =	vsel vm15, v30, v28;
	v30 =	vmin.f32 v12, v26;
	v26 =	vmax.f32 v11, v59  }
0x8a: {  	s23 =	scvt.s32.f32 s23;
	s19 =	simm.s32 $0xF0;
	s3 =	simm.s32 $0xD0;
	v43 =	vld [tilespmem:s2+$0x30];
	v28 =	vmin.f32 v12, v27;
	v27 =	vmin.f32 v12, v31;
	v31 =	vmin.f32 v12, v58;
	v37 =	vmovc v26  }
.LBB2_4:
0x8b: {  	p0 =	sne.s32 s20, $0x3F0;
	v44 =	vadd.f32 s29, v0;
	v45 =	vld [tilespmem:s2+$0xFFFFFFC0];
	v46 =	vadd.f32 s22, v0;
	s4 =	scvt.s32.f32 s21;
	s3 =	scvt.s32.f32 s3  }
0x8c: {  	s5 =	sadd.s32 $0xFFFFFFF0, s19;
	s21 =	scvt.s32.f32 s19;
	s19 =	smov.u32 s20;
	v41 =	vmax.f32 v41, v25;
	v47 =	vld [tilespmem:s2+$0xFFFFFFD0];
	v48 =	vadd.f32 s31, v0;
	v49 =	vadd.f32 s23, v0  }
0x8d: {  	v39 =	vmax.f32 v39, v34;
	v50 =	vld [tilespmem:s2+$0xFFFFFFE0];
	v51 =	vadd.f32 s4, v0;
	v52 =	vadd.f32 s3, v0;
	s3 =	scvt.s32.f32 s5  }
0x8e: {  	v11 =	vmax.f32 v11, v1;
	v12 =	vmin.f32 v12, v2;
	v54 =	vadd.f32 s21, v0;
	v53 =	vld [tilespmem:s2+$0xFFFFFFF0];
	v1 =	vmovc v42  }
0x8f: {  	v42 =	vld [tilespmem:s2+$0x0];
	v55 =	vadd.f32 s3, v0;
	vm3 =	vgt.f32 v1, v11;
	vm4 =	vlt.f32 v43, v12;
	v2 =	vmovc v43  }
0x90: {  	vm5 =	vlt.f32 v45, v35;
	v35 =	vmin.f32 v35, v45;
	v43 =	vld [tilespmem:s2+$0x10];
	v15 =	vsel vm4, v54, v15  }
0x91: {  	v16 =	vsel vm5, v44, v16;
	vm4 =	vlt.f32 v47, v32;
	v32 =	vmin.f32 v32, v47;
	v45 =	vld [tilespmem:s2+$0x20]  }
0x92: {  	v17 =	vsel vm4, v46, v17;
	v47 =	vld [tilespmem:s0+$0xFFFFFFE0];
	vm4 =	vlt.f32 v50, v29;
	v29 =	vmin.f32 v29, v50  }
0x93: {  	v14 =	vsel vm4, v48, v14;
	v50 =	vld [tilespmem:s0+$0xFFFFFFF0];
	vm4 =	vlt.f32 v53, v30;
	v30 =	vmin.f32 v30, v53  }
0x94: {  	v13 =	vsel vm4, v49, v13;
	v53 =	vld [tilespmem:s0+$0x0];
	vm4 =	vlt.f32 v42, v28;
	v28 =	vmin.f32 v28, v42  }
0x95: {  	v20 =	vsel vm4, v51, v20;
	v42 =	vld [tilespmem:s0+$0x10];
	vm4 =	vlt.f32 v43, v27;
	v27 =	vmin.f32 v27, v43  }
0x96: {  	v19 =	vsel vm4, v52, v19;
	v43 =	vld [tilespmem:s0+$0x20];
	vm4 =	vlt.f32 v45, v31;
	v31 =	vmin.f32 v31, v45  }
0x97: {  	v10 =	vsel vm3, v54, v10;
	v26 =	vmax.f32 v26, v47;
	v18 =	vsel vm4, v55, v18  }
0x98: {  	vm3 =	vgt.f32 v25, v33;
	v33 =	vmovc v41;
	vm4 =	vgt.f32 v34, v36;
	v24 =	vmax.f32 v24, v50  }
.Ltmp1:
0x99: {  	s0 =	sadd.s32 $0x80, s0;
	vm5 =	vgt.f32 v47, v37;
	v36 =	vmovc v39;
	vm6 =	vgt.f32 v50, v40;
	v22 =	vmax.f32 v22, v53;
	(pc) =	sbr.rel @p0 .LBB2_4-.Ltmp1, $4  }
0x9a: {  	s23 =	sadd.s32 $0xFFFFFFB0, s20;
	s4 =	sadd.s32 $0xFFFFFF90, s20;
	s5 =	sadd.s32 $0xFFFFFFA0, s20;
	v37 =	vmovc v26;
	vm7 =	vgt.f32 v53, v38;
	v25 =	vld [tilespmem:s0+$0xFFFFFFC0];
	vm8 =	vgt.f32 v42, v23;
	v23 =	vmax.f32 v23, v42  }
0x9b: {  	s6 =	sadd.s32 $0xFFFFFFC0, s20;
	s21 =	sadd.s32 $0xFFFFFFD0, s20;
	s3 =	sadd.s32 $0xFFFFFFE0, s20;
	v9 =	vsel vm3, v44, v9;
	v40 =	vmovc v24;
	v34 =	vld [tilespmem:s0+$0xFFFFFFD0];
	vm3 =	vgt.f32 v43, v21;
	v21 =	vmax.f32 v21, v43  }
0x9c: {  	s29 =	scvt.s32.f32 s4;
	s22 =	scvt.s32.f32 s5;
	s2 =	sadd.s32 $0x80, s2;
	v5 =	vsel vm4, v46, v5;
	v7 =	vsel vm5, v48, v7;
	v3 =	vsel vm6, v49, v3;
	v38 =	vmovc v22;
	v42 =	vld [tilespmem:s0+$0x30]  }
0x9d: {  	s31 =	scvt.s32.f32 s23;
	s23 =	scvt.s32.f32 s6;
	s20 =	sadd.s32 $0x80, s20;
	v6 =	vsel vm7, v51, v6;
	v8 =	vsel vm8, v52, v8;
	v4 =	vsel vm3, v55, v4;
	v43 =	vld [tilespmem:s2+$0x30]  }
0x9e: {  	v44 =	vld [tilespmem:s2+$0xFFFFFFC0]  }
0x9f: {  	v45 =	vld [tilespmem:s2+$0xFFFFFFD0]  }
0xa0: {  	v46 =	vld [tilespmem:s2+$0xFFFFFFE0]  }
0xa1: {  	v47 =	vld [tilespmem:s2+$0xFFFFFFF0]  }
0xa2: {  	v48 =	vld [tilespmem:s2+$0x0];
	s5 =	scvt.s32.f32 s19  }
0xa3: {  	v49 =	vld [tilespmem:s2+$0x10];
	v50 =	vadd.f32 s29, v0;
	v41 =	vmax.f32 v41, v25  }
0xa4: {  	v51 =	vld [tilespmem:s2+$0x20];
	v12 =	vmin.f32 v12, v2;
	[tilespmem:$0x1FC00] =	vst v41;
	v39 =	vmax.f32 v39, v34;
	v56 =	vadd.f32 s5, v0  }
0xa5: {  	v53 =	vld [tilespmem:s0+$0xFFFFFFE0];
	v11 =	vmax.f32 v11, v1;
	[tilespmem:$0x1FC10] =	vst v39;
	vm4 =	vlt.f32 v43, v12;
	v1 =	vmin.f32 v35, v44  }
0xa6: {  	v55 =	vld [tilespmem:s0+$0xFFFFFFF0];
	vm5 =	vlt.f32 v44, v35;
	[tilespmem:$0x1FC20] =	vst v1;
	v1 =	vsel vm4, v56, v15  }
0xa7: {  	v58 =	vld [tilespmem:s0+$0x0];
	[tilespmem:$0x1FC30] =	vst v1;
	v1 =	vsel vm5, v50, v16  }
0xa8: {  	v52 =	vadd.f32 s22, v0;
	v60 =	vld [tilespmem:s0+$0x10];
	[tilespmem:$0x1FC40] =	vst v1  }
0xa9: {  	v44 =	vld [tilespmem:s0+$0x20];
	vm2 =	vlt.f32 v45, v32;
	v1 =	vmin.f32 v32, v45;
	_ =	swait.ge [sflag:s26], $0x400  }
0xaa: {  	v41 =	vadd.f32 s31, v0;
	[tilespmem:$0x1FC50] =	vst v1;
	v1 =	vsel vm2, v52, v17  }
0xab: {  	vm8 =	vlt.f32 v46, v29;
	[tilespmem:$0x1FC60] =	vst v1;
	v1 =	vmin.f32 v29, v46  }
0xac: {  	v54 =	vadd.f32 s23, v0;
	[tilespmem:$0x1FC70] =	vst v1;
	v1 =	vsel vm8, v41, v14  }
0xad: {  	vm9 =	vlt.f32 v47, v30;
	[tilespmem:$0x1FC80] =	vst v1;
	v1 =	vmin.f32 v30, v47  }
0xae: {  	[sflag:s26] =	ssyncset.done $0x0;
	[tilespmem:$0x1FC90] =	vst v1;
	v1 =	vsel vm9, v54, v13  }
0xaf: {  	[sflag:s26] =	ssyncadd.s32 $0xFFFFFC00;
	[tilespmem:$0x1FCA0] =	vst v1  }
0xb0: {  	v1 =	vmin.f32 v28, v48;
	_ =	swait.ge [sflag:s26], $0x400  }
0xb1: {  	s4 =	scvt.s32.f32 s21;
	vm13 =	vgt.f32 v25, v33;
	v2 =	vmax.f32 v22, v58;
	[tilespmem:$0x1FCB0] =	vst v1  }
0xb2: {  	vm14 =	vgt.f32 v34, v36;
	v9 =	vsel vm13, v50, v9;
	[tilespmem:$0x1FD40] =	vst v2  }
0xb3: {  	v39 =	vadd.f32 s4, v0;
	v5 =	vsel vm14, v52, v5;
	vm6 =	vgt.f32 v55, v40;
	[tilespmem:$0x1FD60] =	vst v9  }
0xb4: {  	vm10 =	vlt.f32 v48, v28;
	v3 =	vsel vm6, v54, v3;
	[tilespmem:$0x1FD80] =	vst v5  }
0xb5: {  	v1 =	vsel vm10, v39, v20;
	[tilespmem:$0x1FDA0] =	vst v3  }
0xb6: {  	s22 =	scvt.s32.f32 s3;
	vm15 =	vgt.f32 v53, v37;
	v9 =	vmax.f32 v21, v44;
	[tilespmem:$0x1FCC0] =	vst v1  }
0xb7: {  	s6 =	sadd.s32 $0xFFFFFFF0, s19;
	vm7 =	vgt.f32 v58, v38;
	v5 =	vsel vm15, v41, v7;
	[tilespmem:$0x1FD70] =	vst v9  }
0xb8: {  	s3 =	scvt.s32.f32 s6;
	v57 =	vadd.f32 s22, v0;
	v3 =	vsel vm7, v39, v6;
	[tilespmem:$0x1FD90] =	vst v5  }
0xb9: {  	vm8 =	vgt.f32 v60, v23;
	[sflag:s26] =	ssyncset.done $0x0;
	v1 =	vmin.f32 v27, v49;
	[tilespmem:$0x1FDB0] =	vst v3  }
0xba: {  	v59 =	vadd.f32 s3, v0;
	vm11 =	vlt.f32 v49, v27;
	s0 =	simm.s32 $0x1040;
	[sflag:s26] =	ssyncadd.s32 $0xFFFFFC00;
	v3 =	vsel vm8, v57, v8;
	[tilespmem:$0x1FCD0] =	vst v1  }
0xbb: {  	s2 =	simm.s32 $0x1440;
	vm9 =	vgt.f32 v44, v21;
	v1 =	vsel vm11, v57, v19;
	v25 =	vld [tilespmem:s0+$0xFFFFFFD0];
	[tilespmem:$0x1FDC0] =	vst v3  }
0xbc: {  	s19 =	simm.s32 $0x0;
	s21 =	simm.s32 $0x10;
	v2 =	vld [tilespmem:s2+$0x30];
	v3 =	vsel vm9, v59, v4;
	[tilespmem:$0x1FCE0] =	vst v1  }
0xbd: {  	s6 =	simm.s32 $0x20;
	s22 =	simm.s32 $0x30;
	s5 =	scvt.s32.f32 s21;
	v22 =	vld [tilespmem:s2+$0xFFFFFFC0];
	v1 =	vmin.f32 v31, v51;
	[tilespmem:$0x1FDD0] =	vst v3  }
0xbe: {  	s6 =	scvt.s32.f32 s6;
	vm3 =	vgt.f32 v42, v11;
	s3 =	simm.s32 $0x70;
	s4 =	scvt.s32.f32 s19;
	vm12 =	vlt.f32 v51, v31;
	v21 =	vld [tilespmem:s2+$0xFFFFFFD0];
	v3 =	vmax.f32 v11, v42;
	[tilespmem:$0x1FCF0] =	vst v1  }
0xbf: {  	s19 =	scvt.s32.f32 s22;
	s22 =	simm.s32 $0x60;
	s3 =	scvt.s32.f32 s3;
	v28 =	vimm.f32 $0.0e+00;
	v7 =	vimm.f32 $-Inf;
	v27 =	vld [tilespmem:s2+$0x0];
	v1 =	vmax.f32 v26, v53;
	[tilespmem:$0x1FDE0] =	vst v3  }
0xc0: {  	s23 =	simm.s32 $0x50;
	v5 =	vadd.f32 s5, v0;
	v8 =	vadd.f32 s6, v0;
	s5 =	scvt.s32.f32 s22;
	v29 =	vld [tilespmem:s2+$0x10];
	v3 =	vmin.f32 v12, v43;
	[tilespmem:$0x1FD00] =	vst v1  }
0xc1: {  	s20 =	simm.s32 $0x40;
	s23 =	scvt.s32.f32 s23;
	v9 =	vadd.f32 s19, v0;
	v4 =	vadd.f32 s3, v0;
	v58 =	vld [tilespmem:s2+$0x20];
	v1 =	vsel vm12, v59, v18;
	[tilespmem:$0x1FDF0] =	vst v3  }
0xc2: {  	s20 =	scvt.s32.f32 s20;
	v61 =	vld [tilespmem:s0+$0x0];
	v30 =	vadd.f32 s5, v0;
	v12 =	vimm.f32 $+Inf;
	[tilespmem:$0x1FD10] =	vst v1;
	v1 =	vsel vm3, v56, v10  }
0xc3: {  	v63 =	vld [tilespmem:s0+$0x20];
	v3 =	vadd.f32 s4, v0;
	v18 =	vadd.f32 s23, v0;
	v10 =	vmax.f32 v23, v60;
	[tilespmem:$0x1FD20] =	vst v1  }
0xc4: {  	v62 =	vld [tilespmem:s0+$0x10];
	v1 =	vmax.f32 v24, v55;
	[tilespmem:$0x1FD50] =	vst v10;
	v10 =	vadd.f32 s20, v0;
	vm10 =	vlt.f32 v2, v12  }
0xc5: {  	v26 =	vld [tilespmem:s0+$0xFFFFFFC0];
	vm12 =	vlt.f32 v22, v12;
	vm13 =	vlt.f32 v21, v12;
	vm3 =	vlt.f32 v27, v12  }
0xc6: {  	v59 =	vld [tilespmem:s0+$0xFFFFFFE0];
	vm5 =	vlt.f32 v29, v12;
	vm6 =	vlt.f32 v58, v12;
	vm1 =	vgt.f32 v25, v7  }
0xc7: {  	v23 =	vld [tilespmem:s2+$0xFFFFFFE0];
	v33 =	vmax.f32 v7, v25;
	v37 =	vmin.f32 v12, v22;
	v31 =	vmin.f32 v12, v21  }
0xc8: {  	v60 =	vld [tilespmem:s0+$0xFFFFFFF0];
	v22 =	vmax.f32 v7, v61;
	v34 =	vmin.f32 v12, v58;
	v21 =	vmax.f32 v7, v63  }
0xc9: {  	v24 =	vld [tilespmem:s2+$0xFFFFFFF0];
	v15 =	vsel vm10, v4, v28;
	v16 =	vsel vm12, v3, v28;
	v17 =	vsel vm13, v5, v28  }
0xca: {  	[tilespmem:$0x1FD30] =	vst v1;
	v1 =	vld [tilespmem:s0+$0x30];
	v6 =	vsel vm1, v5, v28;
	vm13 =	vgt.f32 v61, v7;
	v19 =	vsel vm5, v18, v28  }
0xcb: {  	vm0 =	vgt.f32 v26, v7;
	v20 =	vsel vm3, v10, v28;
	v32 =	vmax.f32 v7, v26  }
0xcc: {  	v26 =	vmin.f32 v12, v27;
	v27 =	vmin.f32 v12, v29;
	vm2 =	vgt.f32 v59, v7  }
0xcd: {  	v29 =	vmax.f32 v7, v59;
	vm14 =	vlt.f32 v23, v12;
	vm12 =	vgt.f32 v60, v7  }
0xce: {  	v13 =	vsel vm14, v8, v28;
	vm15 =	vlt.f32 v24, v12;
	vm14 =	vgt.f32 v62, v7  }
0xcf: {  	s21 =	simm.s32 $0xC0;
	s0 =	simm.s32 $0x10C0;
	v38 =	vmovc v33;
	vm11 =	vgt.f32 v1, v7;
	v14 =	vsel vm15, v9, v28;
	vm15 =	vgt.f32 v63, v7  }
0xd0: {  	s19 =	simm.s32 $0xF0;
	s6 =	simm.s32 $0x90;
	s5 =	simm.s32 $0x80;
	v40 =	vmovc v22;
	v25 =	vld [tilespmem:s0+$0xFFFFFFC0];
	v11 =	vsel vm11, v4, v28;
	v4 =	vsel vm0, v3, v28;
	v3 =	vsel vm12, v9, v28  }
0xd1: {  	s3 =	simm.s32 $0xD0;
	s22 =	scvt.s32.f32 s6;
	s29 =	scvt.s32.f32 s5;
	v36 =	vld [tilespmem:s0+$0xFFFFFFD0];
	v35 =	vmovc v32;
	v9 =	vsel vm13, v10, v28;
	v10 =	vsel vm14, v18, v28;
	v18 =	vsel vm6, v30, v28  }
0xd2: {  	s23 =	simm.s32 $0xB0;
	s20 =	simm.s32 $0xA0;
	s2 =	simm.s32 $0x14C0;
	v42 =	vld [tilespmem:s0+$0x30];
	v39 =	vmovc v29;
	v5 =	vsel vm15, v30, v28;
	v30 =	vmin.f32 v12, v24;
	v24 =	vmax.f32 v7, v60  }
0xd3: {  	s23 =	scvt.s32.f32 s23;
	s31 =	scvt.s32.f32 s20;
	s20 =	simm.s32 $0x170;
	v43 =	vld [tilespmem:s2+$0x30];
	v8 =	vsel vm2, v8, v28;
	v28 =	vmin.f32 v12, v23;
	v23 =	vmax.f32 v7, v62;
	v41 =	vmovc v24  }
.LBB2_6:
0xd4: {  	p0 =	sne.s32 s20, $0x3F0;
	v44 =	vadd.f32 s29, v0;
	v45 =	vld [tilespmem:s2+$0xFFFFFFC0];
	v46 =	vadd.f32 s22, v0;
	s4 =	scvt.s32.f32 s21;
	s3 =	scvt.s32.f32 s3  }
0xd5: {  	s5 =	sadd.s32 $0xFFFFFFF0, s19;
	s6 =	scvt.s32.f32 s19;
	s19 =	smov.u32 s20;
	v32 =	vmax.f32 v32, v25;
	v47 =	vld [tilespmem:s2+$0xFFFFFFD0];
	v48 =	vadd.f32 s31, v0;
	v49 =	vadd.f32 s23, v0  }
0xd6: {  	v33 =	vmax.f32 v33, v36;
	v50 =	vld [tilespmem:s2+$0xFFFFFFE0];
	v51 =	vadd.f32 s4, v0;
	v52 =	vadd.f32 s3, v0;
	s3 =	scvt.s32.f32 s5  }
0xd7: {  	v7 =	vmax.f32 v7, v1;
	v12 =	vmin.f32 v12, v2;
	v54 =	vadd.f32 s6, v0;
	v53 =	vld [tilespmem:s2+$0xFFFFFFF0];
	v1 =	vmovc v42  }
0xd8: {  	v42 =	vld [tilespmem:s2+$0x0];
	v55 =	vadd.f32 s3, v0;
	vm3 =	vgt.f32 v1, v7;
	vm4 =	vlt.f32 v43, v12;
	v2 =	vmovc v43  }
0xd9: {  	vm5 =	vlt.f32 v45, v37;
	v37 =	vmin.f32 v37, v45;
	v43 =	vld [tilespmem:s2+$0x10];
	v15 =	vsel vm4, v54, v15  }
0xda: {  	v16 =	vsel vm5, v44, v16;
	vm4 =	vlt.f32 v47, v31;
	v31 =	vmin.f32 v31, v47;
	v45 =	vld [tilespmem:s2+$0x20]  }
0xdb: {  	v17 =	vsel vm4, v46, v17;
	v47 =	vld [tilespmem:s0+$0xFFFFFFE0];
	vm4 =	vlt.f32 v50, v28;
	v28 =	vmin.f32 v28, v50  }
0xdc: {  	v13 =	vsel vm4, v48, v13;
	v50 =	vld [tilespmem:s0+$0xFFFFFFF0];
	vm4 =	vlt.f32 v53, v30;
	v30 =	vmin.f32 v30, v53  }
0xdd: {  	v14 =	vsel vm4, v49, v14;
	v53 =	vld [tilespmem:s0+$0x0];
	vm4 =	vlt.f32 v42, v26;
	v26 =	vmin.f32 v26, v42  }
0xde: {  	v20 =	vsel vm4, v51, v20;
	v42 =	vld [tilespmem:s0+$0x10];
	vm4 =	vlt.f32 v43, v27;
	v27 =	vmin.f32 v27, v43  }
0xdf: {  	v19 =	vsel vm4, v52, v19;
	v43 =	vld [tilespmem:s0+$0x20];
	vm4 =	vlt.f32 v45, v34;
	v34 =	vmin.f32 v34, v45  }
0xe0: {  	v11 =	vsel vm3, v54, v11;
	v29 =	vmax.f32 v29, v47;
	v18 =	vsel vm4, v55, v18  }
0xe1: {  	vm3 =	vgt.f32 v25, v35;
	v35 =	vmovc v32;
	vm4 =	vgt.f32 v36, v38;
	v24 =	vmax.f32 v24, v50  }
.Ltmp2:
0xe2: {  	s0 =	sadd.s32 $0x80, s0;
	vm5 =	vgt.f32 v47, v39;
	v38 =	vmovc v33;
	vm6 =	vgt.f32 v50, v41;
	v22 =	vmax.f32 v22, v53;
	(pc) =	sbr.rel @p0 .LBB2_6-.Ltmp2, $4  }
0xe3: {  	s4 =	sadd.s32 $0xFFFFFF90, s20;
	s5 =	sadd.s32 $0xFFFFFFA0, s20;
	s6 =	sadd.s32 $0xFFFFFFB0, s20;
	v39 =	vmovc v29;
	vm7 =	vgt.f32 v53, v40;
	v25 =	vld [tilespmem:s0+$0xFFFFFFC0];
	vm8 =	vgt.f32 v42, v23;
	v23 =	vmax.f32 v23, v42  }
0xe4: {  	s21 =	sadd.s32 $0xFFFFFFD0, s20;
	s23 =	sadd.s32 $0xFFFFFFC0, s20;
	s3 =	sadd.s32 $0xFFFFFFE0, s20;
	v4 =	vsel vm3, v44, v4;
	v41 =	vmovc v24;
	v36 =	vld [tilespmem:s0+$0xFFFFFFD0];
	vm3 =	vgt.f32 v43, v21;
	v21 =	vmax.f32 v21, v43  }
0xe5: {  	s29 =	scvt.s32.f32 s4;
	s22 =	scvt.s32.f32 s5;
	s2 =	sadd.s32 $0x80, s2;
	v6 =	vsel vm4, v46, v6;
	v8 =	vsel vm5, v48, v8;
	v3 =	vsel vm6, v49, v3;
	v40 =	vmovc v22;
	v42 =	vld [tilespmem:s0+$0x30]  }
0xe6: {  	s23 =	scvt.s32.f32 s23;
	s31 =	scvt.s32.f32 s6;
	s20 =	sadd.s32 $0x80, s20;
	v9 =	vsel vm7, v51, v9;
	v10 =	vsel vm8, v52, v10;
	v5 =	vsel vm3, v55, v5;
	v43 =	vld [tilespmem:s2+$0x30]  }
0xe7: {  	v44 =	vld [tilespmem:s2+$0xFFFFFFC0]  }
0xe8: {  	v45 =	vld [tilespmem:s2+$0xFFFFFFD0]  }
0xe9: {  	v46 =	vld [tilespmem:s2+$0xFFFFFFE0]  }
0xea: {  	v47 =	vld [tilespmem:s2+$0xFFFFFFF0]  }
0xeb: {  	v48 =	vld [tilespmem:s2+$0x0];
	s5 =	scvt.s32.f32 s19  }
0xec: {  	v49 =	vld [tilespmem:s2+$0x10];
	v50 =	vadd.f32 s29, v0;
	v32 =	vmax.f32 v32, v25  }
0xed: {  	v51 =	vld [tilespmem:s2+$0x20];
	v2 =	vmin.f32 v12, v2;
	[tilespmem:$0x1FA60] =	vst v32;
	v63 =	vmax.f32 v33, v36;
	v57 =	vadd.f32 s5, v0  }
0xee: {  	v54 =	vld [tilespmem:s0+$0xFFFFFFE0];
	v56 =	vmax.f32 v7, v1;
	[tilespmem:$0x1FA70] =	vst v63;
	vm4 =	vlt.f32 v43, v2;
	v1 =	vmin.f32 v37, v44  }
0xef: {  	v58 =	vld [tilespmem:s0+$0xFFFFFFF0];
	vm5 =	vlt.f32 v44, v37;
	[tilespmem:$0x1FA80] =	vst v1;
	v1 =	vsel vm4, v57, v15  }
0xf0: {  	v59 =	vld [tilespmem:s0+$0x0];
	[tilespmem:$0x1FA90] =	vst v1;
	v1 =	vsel vm5, v50, v16  }
0xf1: {  	v52 =	vadd.f32 s22, v0;
	v62 =	vld [tilespmem:s0+$0x10];
	[tilespmem:$0x1FAA0] =	vst v1  }
0xf2: {  	v37 =	vld [tilespmem:s0+$0x20];
	vm2 =	vlt.f32 v45, v31;
	v1 =	vmin.f32 v31, v45;
	_ =	swait.ge [sflag:s28], $0x400  }
0xf3: {  	v53 =	vadd.f32 s31, v0;
	[tilespmem:$0x1FAB0] =	vst v1;
	v1 =	vsel vm2, v52, v17  }
0xf4: {  	vm8 =	vlt.f32 v46, v28;
	[tilespmem:$0x1FAC0] =	vst v1;
	v1 =	vmin.f32 v28, v46  }
0xf5: {  	v55 =	vadd.f32 s23, v0;
	[tilespmem:$0x1FAD0] =	vst v1;
	v1 =	vsel vm8, v53, v13  }
0xf6: {  	vm9 =	vlt.f32 v47, v30;
	[tilespmem:$0x1FAE0] =	vst v1;
	v1 =	vmin.f32 v30, v47  }
0xf7: {  	[sflag:s28] =	ssyncset.done $0x0;
	[tilespmem:$0x1FAF0] =	vst v1;
	v1 =	vsel vm9, v55, v14  }
0xf8: {  	[sflag:s28] =	ssyncadd.s32 $0xFFFFFC00;
	[tilespmem:$0x1FB00] =	vst v1  }
0xf9: {  	vm13 =	vgt.f32 v25, v35;
	v1 =	vmin.f32 v26, v48;
	_ =	swait.ge [sflag:s28], $0x400  }
0xfa: {  	s4 =	scvt.s32.f32 s21;
	s22 =	scvt.s32.f32 s3;
	s6 =	sadd.s32 $0xFFFFFFF0, s19;
	vm14 =	vgt.f32 v36, v38;
	v4 =	vsel vm13, v50, v4;
	[tilespmem:$0x1FB10] =	vst v1  }
0xfb: {  	s3 =	scvt.s32.f32 s6;
	v35 =	vimm.f32 $0.0e+00;
	v6 =	vsel vm14, v52, v6;
	vm6 =	vgt.f32 v58, v41;
	[tilespmem:$0x1FB80] =	vst v4  }
0xfc: {  	s2 =	simm.s32 $0x1C40;
	v61 =	vadd.f32 s4, v0;
	v63 =	vadd.f32 s22, v0;
	v3 =	vsel vm6, v55, v3;
	[tilespmem:$0x1FB90] =	vst v6  }
0xfd: {  	s19 =	simm.s32 $0x0;
	s23 =	simm.s32 $0x50;
	v12 =	vadd.f32 s3, v0;
	v2 =	vmin.f32 v2, v43;
	vm10 =	vlt.f32 v48, v26;
	[sflag:s28] =	ssyncset.done $0x0;
	[tilespmem:$0x1FBB0] =	vst v3  }
0xfe: {  	s23 =	scvt.s32.f32 s23;
	vm3 =	vgt.f32 v42, v56;
	s22 =	simm.s32 $0x30;
	vm15 =	vgt.f32 v54, v39;
	v1 =	vsel vm10, v61, v20;
	[tilespmem:$0x1FBF0] =	vst v2;
	[sflag:s28] =	ssyncadd.s32 $0xFFFFFC00  }
0xff: {  	s4 =	scvt.s32.f32 s19;
	s19 =	scvt.s32.f32 s22;
	vm11 =	vlt.f32 v49, v27;
	vm7 =	vgt.f32 v59, v40;
	v6 =	vsel vm15, v53, v8;
	[tilespmem:$0x1FB20] =	vst v1;
	v14 =	vld [tilespmem:s2+$0x30]  }
0x100: {  	s3 =	simm.s32 $0x70;
	vm12 =	vlt.f32 v51, v34;
	v46 =	vadd.f32 s23, v0;
	v3 =	vsel vm7, v61, v9;
	[tilespmem:$0x1FBA0] =	vst v6;
	v4 =	vld [tilespmem:s2+$0xFFFFFFC0]  }
0x101: {  	s3 =	scvt.s32.f32 s3;
	vm8 =	vgt.f32 v62, v23;
	v30 =	vadd.f32 s19, v0;
	v1 =	vmin.f32 v27, v49;
	[tilespmem:$0x1FBC0] =	vst v3;
	v6 =	vld [tilespmem:s2+$0xFFFFFFD0]  }
0x102: {  	s6 =	simm.s32 $0x20;
	vm9 =	vgt.f32 v37, v21;
	v48 =	vmax.f32 v29, v54;
	v3 =	vsel vm8, v63, v10;
	[tilespmem:$0x1FB30] =	vst v1;
	v8 =	vld [tilespmem:s2+$0xFFFFFFE0]  }
0x103: {  	s21 =	simm.s32 $0x10;
	s20 =	simm.s32 $0x40;
	s6 =	scvt.s32.f32 s6;
	v9 =	vadd.f32 s4, v0;
	v20 =	vadd.f32 s3, v0;
	v1 =	vsel vm11, v63, v19;
	[tilespmem:$0x1FBD0] =	vst v3;
	v2 =	vld [tilespmem:s2+$0xFFFFFFF0]  }
0x104: {  	s20 =	scvt.s32.f32 s20;
	s5 =	scvt.s32.f32 s21;
	v10 =	vmax.f32 v56, v42;
	v3 =	vsel vm9, v12, v5;
	v5 =	vimm.f32 $+Inf;
	v38 =	vld [tilespmem:s2+$0x10];
	[tilespmem:$0x1FB40] =	vst v1  }
0x105: {  	s22 =	simm.s32 $0x60;
	s0 =	simm.s32 $0x1840;
	v19 =	vadd.f32 s6, v0;
	v47 =	vld [tilespmem:s2+$0x20];
	v1 =	vmin.f32 v34, v51;
	[tilespmem:$0x1FBE0] =	vst v3;
	v3 =	vimm.f32 $-Inf  }
0x106: {  	v49 =	vld [tilespmem:s0+$0xFFFFFFE0];
	v34 =	vadd.f32 s20, v0;
	[tilespmem:$0x1FB50] =	vst v1;
	v1 =	vsel vm12, v12, v18;
	v12 =	vadd.f32 s5, v0;
	s5 =	scvt.s32.f32 s22  }
0x107: {  	v15 =	vld [tilespmem:s0+$0x20];
	[tilespmem:$0x1FB60] =	vst v1;
	v1 =	vsel vm3, v57, v11;
	v57 =	vmax.f32 v24, v58;
	v58 =	vmax.f32 v22, v59  }
0x108: {  	v50 =	vld [tilespmem:s0+$0xFFFFFFF0];
	v59 =	vmax.f32 v23, v62;
	v62 =	vmax.f32 v21, v37;
	v41 =	vadd.f32 s5, v0  }
0x109: {  	v56 =	vld [tilespmem:s0+$0x10];
	vm10 =	vlt.f32 v14, v5;
	vm12 =	vlt.f32 v4, v5;
	vm13 =	vlt.f32 v6, v5  }
0x10a: {  	v51 =	vld [tilespmem:s0+$0x0];
	vm14 =	vlt.f32 v8, v5;
	vm15 =	vlt.f32 v2, v5;
	vm5 =	vlt.f32 v38, v5  }
0x10b: {  	v18 =	vld [tilespmem:s0+$0xFFFFFFC0];
	vm6 =	vlt.f32 v47, v5;
	vm2 =	vgt.f32 v49, v3;
	v53 =	vmin.f32 v5, v2  }
0x10c: {  	v11 =	vld [tilespmem:s0+$0xFFFFFFD0];
	v52 =	vmin.f32 v5, v38;
	v55 =	vmin.f32 v5, v47;
	v38 =	vmax.f32 v3, v15  }
0x10d: {  	v21 =	vld [tilespmem:s2+$0x0];
	v29 =	vsel vm10, v20, v35;
	v23 =	vsel vm12, v9, v35;
	v22 =	vsel vm13, v12, v35  }
0x10e: {  	[tilespmem:$0x1FB70] =	vst v1;
	v1 =	vld [tilespmem:s0+$0x30];
	v17 =	vsel vm14, v19, v35;
	v16 =	vsel vm15, v30, v35;
	vm12 =	vgt.f32 v50, v3  }
0x10f: {  	vm13 =	vgt.f32 v51, v3;
	vm14 =	vgt.f32 v56, v3;
	vm15 =	vgt.f32 v15, v3  }
0x110: {  	v36 =	vsel vm6, v41, v35;
	v50 =	vmax.f32 v3, v50;
	vm0 =	vgt.f32 v18, v3  }
0x111: {  	v61 =	vsel vm13, v34, v35;
	v45 =	vsel vm14, v46, v35;
	v42 =	vmax.f32 v3, v18  }
0x112: {  	v18 =	vmin.f32 v5, v4;
	vm3 =	vlt.f32 v21, v5;
	vm1 =	vgt.f32 v11, v3  }
0x113: {  	v25 =	vsel vm0, v9, v35;
	v54 =	vmin.f32 v5, v21;
	vm11 =	vgt.f32 v1, v3  }
0x114: {  	s23 =	simm.s32 $0xB0;
	s22 =	simm.s32 $0x18C0;
	v24 =	vsel vm1, v12, v35;
	v63 =	vsel vm3, v34, v35;
	v34 =	vsel vm5, v46, v35  }
0x115: {  	s21 =	simm.s32 $0xC0;
	s23 =	scvt.s32.f32 s23;
	s19 =	simm.s32 $0xF0;
	v43 =	vld [tilespmem:s22+$0xFFFFFFC0];
	v46 =	vsel vm15, v41, v35;
	v41 =	vmax.f32 v3, v49;
	v49 =	vmax.f32 v3, v51  }
0x116: {  	s4 =	simm.s32 $0x80;
	s6 =	simm.s32 $0xA0;
	v44 =	vld [tilespmem:s22+$0xFFFFFFD0];
	s5 =	simm.s32 $0x90;
	v51 =	vmax.f32 v3, v56;
	v39 =	vsel vm11, v20, v35;
	v20 =	vsel vm2, v19, v35  }
0x117: {  	s2 =	simm.s32 $0x1CC0;
	s0 =	scvt.s32.f32 s4;
	s31 =	scvt.s32.f32 s5;
	v2 =	vld [tilespmem:s22+$0x30];
	v47 =	vmovc v42;
	v19 =	vsel vm12, v30, v35;
	v35 =	vmax.f32 v3, v11;
	v30 =	vmin.f32 v5, v6  }
0x118: {  	s3 =	simm.s32 $0x170;
	s20 =	simm.s32 $0xD0;
	s29 =	scvt.s32.f32 s6;
	v21 =	vld [tilespmem:s2+$0x30];
	v6 =	vmin.f32 v5, v8;
	v9 =	vmovc v41;
	v8 =	vmovc v50;
	v4 =	vmov v49;
	v11 =	vmov v35  }
.LBB2_8:
0x119: {  	p0 =	sne.s32 s3, $0x3F0;
	v12 =	vadd.f32 s0, v0;
	v15 =	vld [tilespmem:s2+$0xFFFFFFC0];
	v56 =	vadd.f32 s31, v0;
	s0 =	scvt.s32.f32 s21;
	s4 =	scvt.s32.f32 s20  }
0x11a: {  	s5 =	sadd.s32 $0xFFFFFFF0, s19;
	s6 =	scvt.s32.f32 s19;
	s19 =	smov.u32 s3;
	v42 =	vmax.f32 v42, v43;
	v60 =	vld [tilespmem:s2+$0xFFFFFFD0];
	v7 =	vadd.f32 s29, v0;
	v13 =	vadd.f32 s23, v0  }
0x11b: {  	v35 =	vmax.f32 v35, v44;
	v26 =	vld [tilespmem:s2+$0xFFFFFFE0];
	v27 =	vadd.f32 s0, v0;
	v28 =	vadd.f32 s4, v0;
	s0 =	scvt.s32.f32 s5  }
0x11c: {  	v3 =	vmax.f32 v3, v1;
	v5 =	vmin.f32 v5, v14;
	v32 =	vadd.f32 s6, v0;
	v31 =	vld [tilespmem:s2+$0xFFFFFFF0];
	v1 =	vmovc v2  }
0x11d: {  	v2 =	vld [tilespmem:s2+$0x0];
	v33 =	vadd.f32 s0, v0;
	vm3 =	vgt.f32 v1, v3;
	vm4 =	vlt.f32 v21, v5;
	v14 =	vmovc v21  }
0x11e: {  	vm5 =	vlt.f32 v15, v18;
	v18 =	vmin.f32 v18, v15;
	v15 =	vld [tilespmem:s2+$0x10];
	v29 =	vsel vm4, v32, v29  }
0x11f: {  	v23 =	vsel vm5, v12, v23;
	vm4 =	vlt.f32 v60, v30;
	v30 =	vmin.f32 v30, v60;
	v21 =	vld [tilespmem:s2+$0x20]  }
0x120: {  	v22 =	vsel vm4, v56, v22;
	v60 =	vld [tilespmem:s22+$0xFFFFFFE0];
	vm4 =	vlt.f32 v26, v6;
	v6 =	vmin.f32 v6, v26  }
0x121: {  	v17 =	vsel vm4, v7, v17;
	v26 =	vld [tilespmem:s22+$0xFFFFFFF0];
	vm4 =	vlt.f32 v31, v53;
	v53 =	vmin.f32 v53, v31  }
0x122: {  	v16 =	vsel vm4, v13, v16;
	v31 =	vld [tilespmem:s22+$0x0];
	vm4 =	vlt.f32 v2, v54;
	v54 =	vmin.f32 v54, v2  }
0x123: {  	v63 =	vsel vm4, v27, v63;
	v2 =	vld [tilespmem:s22+$0x10];
	vm4 =	vlt.f32 v15, v52;
	v52 =	vmin.f32 v52, v15  }
0x124: {  	v34 =	vsel vm4, v28, v34;
	v15 =	vld [tilespmem:s22+$0x20];
	vm4 =	vlt.f32 v21, v55;
	v55 =	vmin.f32 v55, v21  }
0x125: {  	v39 =	vsel vm3, v32, v39;
	v41 =	vmax.f32 v41, v60;
	v36 =	vsel vm4, v33, v36  }
0x126: {  	vm3 =	vgt.f32 v43, v47;
	v47 =	vmovc v42;
	vm4 =	vgt.f32 v44, v11;
	v50 =	vmax.f32 v50, v26  }
.Ltmp3:
0x127: {  	s22 =	sadd.s32 $0x80, s22;
	vm5 =	vgt.f32 v60, v9;
	v11 =	vmovc v35;
	vm6 =	vgt.f32 v26, v8;
	v49 =	vmax.f32 v49, v31;
	(pc) =	sbr.rel @p0 .LBB2_8-.Ltmp3, $4  }
0x128: {  	s4 =	sadd.s32 $0xFFFFFFA0, s3;
	s5 =	sadd.s32 $0xFFFFFFB0, s3;
	s0 =	sadd.s32 $0xFFFFFF90, s3;
	v9 =	vmovc v41;
	vm7 =	vgt.f32 v31, v4;
	v43 =	vld [tilespmem:s22+$0xFFFFFFC0];
	vm8 =	vgt.f32 v2, v51;
	v51 =	vmax.f32 v51, v2  }
0x129: {  	s21 =	sadd.s32 $0xFFFFFFD0, s3;
	s20 =	sadd.s32 $0xFFFFFFE0, s3;
	s6 =	sadd.s32 $0xFFFFFFC0, s3;
	v25 =	vsel vm3, v12, v25;
	v8 =	vmovc v50;
	v44 =	vld [tilespmem:s22+$0xFFFFFFD0];
	vm3 =	vgt.f32 v15, v38;
	v38 =	vmax.f32 v38, v15  }
0x12a: {  	s31 =	scvt.s32.f32 s4;
	s0 =	scvt.s32.f32 s0;
	s2 =	sadd.s32 $0x80, s2;
	v24 =	vsel vm4, v56, v24;
	v20 =	vsel vm5, v7, v20;
	v19 =	vsel vm6, v13, v19;
	v4 =	vmovc v49;
	v2 =	vld [tilespmem:s22+$0x30]  }
0x12b: {  	s29 =	scvt.s32.f32 s5;
	s23 =	scvt.s32.f32 s6;
	s3 =	sadd.s32 $0x80, s3;
	v61 =	vsel vm7, v27, v61;
	v45 =	vsel vm8, v28, v45;
	v46 =	vsel vm3, v33, v46;
	v21 =	vld [tilespmem:s2+$0x30]  }
0x12c: {  	v7 =	vld [tilespmem:s2+$0xFFFFFFC0]  }
0x12d: {  	v12 =	vld [tilespmem:s2+$0xFFFFFFD0]  }
0x12e: {  	v13 =	vld [tilespmem:s2+$0xFFFFFFE0]  }
0x12f: {  	v15 =	vld [tilespmem:s2+$0xFFFFFFF0]  }
0x130: {  	v26 =	vld [tilespmem:s2+$0x0]  }
0x131: {  	v27 =	vld [tilespmem:s2+$0x10]  }
0x132: {  	v40 =	vld [tilespmem:s22+$0xFFFFFFE0];
	vm14 =	vgt.f32 v43, v47  }
0x133: {  	v60 =	vld [tilespmem:$0x1FF00];
	v42 =	vmax.f32 v42, v43;
	vm12 =	vgt.f32 v44, v11;
	v43 =	vmax.f32 v35, v44  }
0x134: {  	v44 =	vmin.f32 v5, v14;
	vm7 =	vlt.f32 v15, v53;
	v14 =	vmin.f32 v53, v15;
	v53 =	vld [tilespmem:$0x1FE00]  }
0x135: {  	vm5 =	vlt.f32 v26, v54;
	v5 =	vmin.f32 v54, v26;
	v54 =	vld [tilespmem:$0x1FE10]  }
0x136: {  	v47 =	vmax.f32 v3, v1;
	v1 =	vld [tilespmem:s2+$0x20]  }
0x137: {  	v28 =	vld [tilespmem:$0x1FF30]  }
0x138: {  	v37 =	vld [tilespmem:s22+$0x0];
	vm13 =	vlt.f32 v12, v30  }
0x139: {  	v31 =	vld [tilespmem:$0x1FF40];
	v35 =	vmin.f32 v30, v12;
	vm8 =	vlt.f32 v13, v6;
	v30 =	vmin.f32 v6, v13  }
0x13a: {  	vm3 =	vlt.f32 v27, v52;
	v3 =	vmin.f32 v52, v27;
	v52 =	vld [tilespmem:$0x1FF50];
	v56 =	vmax.f32 v53, v54  }
0x13b: {  	v32 =	vld [tilespmem:$0x1FF70];
	vm9 =	vgt.f32 v40, v9;
	vm4 =	vlt.f32 v1, v55;
	v33 =	vmax.f32 v56, v60  }
0x13c: {  	s5 =	scvt.s32.f32 s19;
	v6 =	vmin.f32 v55, v1;
	v1 =	vmax.f32 v41, v40;
	v40 =	vmax.f32 v33, v28;
	v33 =	vld [tilespmem:$0x1FFE0]  }
0x13d: {  	vm15 =	vlt.f32 v7, v18  }
0x13e: {  	v18 =	vmin.f32 v18, v7;
	v41 =	vadd.f32 s5, v0;
	v7 =	vmax.f32 v40, v31  }
0x13f: {  	vm10 =	vlt.f32 v21, v44;
	v7 =	vmax.f32 v7, v52  }
0x140: {  	v11 =	vld [tilespmem:s22+$0xFFFFFFF0];
	vm6 =	vgt.f32 v2, v47;
	v29 =	vsel vm10, v41, v29;
	v7 =	vmax.f32 v7, v32  }
0x141: {  	v41 =	vsel vm6, v41, v39;
	vm6 =	vgt.f32 v37, v4;
	v56 =	vld [tilespmem:$0x1FE20];
	v4 =	vmax.f32 v7, v33  }
0x142: {  	vm0 =	veq.f32 v54, v4;
	v54 =	vld [tilespmem:$0x1FF80]  }
0x143: {  	vm11 =	veq.f32 v53, v4;
	v53 =	vld [tilespmem:$0x1FF60]  }
0x144: {  	vm1 =	veq.f32 v60, v4;
	v60 =	vld [tilespmem:$0x1FE50]  }
0x145: {  	v26 =	vld [tilespmem:$0x1FE70]  }
0x146: {  	v55 =	vld [tilespmem:$0x1FF90]  }
0x147: {  	vm10 =	vgt.f32 v11, v8;
	v8 =	vnsel vm0, $0x44800000, v54;
	vm0 =	veq.f32 v28, v4;
	v28 =	vld [tilespmem:$0x1FE90]  }
0x148: {  	v49 =	vmax.f32 v49, v37;
	v37 =	vld [tilespmem:$0x1FFA0]  }
0x149: {  	v39 =	vld [tilespmem:$0x1FFB0];
	v7 =	vmin.f32 v53, $1.024000000e+03;
	v13 =	vmin.f32 v56, v60  }
0x14a: {  	v7 =	vnsel vm11, $0x44800000, v7;
	v15 =	vmin.f32 v13, v26  }
0x14b: {  	vm11 =	veq.f32 v31, v4;
	v31 =	vld [tilespmem:$0x1FEB0];
	v7 =	vmin.f32 v7, v8;
	v8 =	vnsel vm1, $0x44800000, v55  }
0x14c: {  	v7 =	vmin.f32 v7, v8;
	v8 =	vmin.f32 v15, v28;
	v15 =	vld [tilespmem:$0x1FED0]  }
0x14d: {  	v27 =	vld [tilespmem:$0x1FEF0];
	v9 =	vnsel vm0, $0x44800000, v37  }
0x14e: {  	v7 =	vmin.f32 v7, v9;
	v9 =	vnsel vm11, $0x44800000, v39;
	vm11 =	veq.f32 v32, v4;
	v32 =	vld [tilespmem:$0x1FFF0]  }
0x14f: {  	v40 =	vld [tilespmem:$0x1FFC0];
	(xrf0) =	vmax.scan.msk.f32 $0xffff, v4  }
0x150: {  	v8 =	vmin.f32 v8, v31  }
0x151: {  	v8 =	vmin.f32 v8, v15  }
0x152: {  	vm0 =	veq.f32 v52, v4;
	v52 =	vld [tilespmem:$0x1FFD0];
	v8 =	vmin.f32 v8, v27  }
0x153: {  	v53 =	vld [tilespmem:$0x1FE40];
	v8 =	vmin.f32 v8, v32  }
0x154: {  	v7 =	vmin.f32 v7, v9;
	v9 =	vnsel vm0, $0x44800000, v40;
	vm0 =	veq.f32 v56, v8;
	v56 =	vld [tilespmem:$0x1FF20]  }
0x155: {  	v54, _, _ =	vpop (xrf0);
	v55 =	vld [tilespmem:$0x1FE60]  }
0x156: {  	v39 =	vbroadcast v54, $0xF  }
0x157: {  	vm2 =	veq.f32 v33, v4;
	v7 =	vmin.f32 v7, v9;
	v9 =	vnsel vm11, $0x44800000, v52  }
0x158: {  	vm11 =	veq.f32 v4, v39;
	v7 =	vmin.f32 v7, v9;
	v9 =	vmin.f32 v53, $1.024000000e+03  }
0x159: {  	v33 =	vld [tilespmem:$0x1FEC0];
	vm1 =	veq.f32 v60, v8;
	v9 =	vnsel vm0, $0x44800000, v9;
	v13 =	vnsel vm2, $0x44800000, v56  }
0x15a: {  	v60 =	vld [tilespmem:s22+$0x10];
	v12 =	vnsel vm1, $0x44800000, v55;
	vm0 =	veq.f32 v4, $-Inf;
	v7 =	vmin.f32 v7, v13  }
0x15b: {  	vm1 =	veq.f32 v26, v8;
	v26 =	vsel vm0, $0x0, v7;
	vm0 =	veq.f32 v28, v8;
	v28 =	vld [tilespmem:$0x1FE80]  }
0x15c: {  	v4 =	vnsel vm11, $0x44800000, v26;
	vm11 =	veq.f32 v31, v8;
	v31 =	vld [tilespmem:$0x1FEA0]  }
0x15d: {  	v9 =	vmin.f32 v9, v12;
	v12 =	vld [tilespmem:$0x1FC00]  }
0x15e: {  	v26 =	vld [tilespmem:$0x1FC10]  }
0x15f: {  	v55 =	vld [tilespmem:$0x1FD00]  }
0x160: {  	v53 =	vld [tilespmem:$0x1FD30];
	v7 =	vnsel vm1, $0x44800000, v28  }
0x161: {  	v37 =	vld [tilespmem:$0x1FEE0];
	v54 =	vmax.f32 v51, v60;
	(xrf0) =	vmin.scan.msk.f32 $0xffff, v4;
	v7 =	vmin.f32 v9, v7;
	v4 =	vnsel vm0, $0x44800000, v31  }
0x162: {  	v4 =	vmin.f32 v7, v4;
	v7 =	vnsel vm11, $0x44800000, v33;
	vm11 =	vgt.f32 v60, v51;
	v51 =	vld [tilespmem:$0x1FF10]  }
0x163: {  	v56 =	vld [tilespmem:$0x1FD40];
	(xrf0) =	vmin.scan.msk.f32 $0xffff, v8;
	v40 =	vmax.f32 v12, v26  }
0x164: {  	v9 =	vmax.f32 v40, v55;
	v60 =	vld [tilespmem:$0x1FE30]  }
0x165: {  	v28 =	vld [tilespmem:$0x1FC70];
	vm0 =	veq.f32 v15, v8;
	v52 =	vmax.f32 v9, v53  }
0x166: {  	vm1 =	veq.f32 v27, v8;
	v31 =	vld [tilespmem:$0x1FC20];
	v4 =	vmin.f32 v4, v7;
	v7 =	vnsel vm0, $0x44800000, v37  }
0x167: {  	vm0 =	veq.f32 v32, v8;
	v32 =	vld [tilespmem:$0x1FC50];
	v4 =	vmin.f32 v4, v7;
	v7 =	vnsel vm1, $0x44800000, v51  }
0x168: {  	v37 =	vld [tilespmem:$0x1FD70];
	v4 =	vmin.f32 v4, v7;
	v7 =	vmax.f32 v52, v56;
	v52, _, _ =	vpop (xrf0)  }
0x169: {  	v9 =	vnsel vm0, $0x44800000, v60;
	v60 =	vld [tilespmem:$0x1FD50];
	v27, _, _ =	vpop (xrf0)  }
0x16a: {  	v51 =	vbroadcast v27, $0xF;
	v27 =	vld [tilespmem:$0x1FC90]  }
0x16b: {  	v40 =	vld [tilespmem:$0x1FDE0];
	_ =	sdelay $0x1  }
0x16c: {  	v13 =	vmin.f32 v31, v32  }
0x16d: {  	v15 =	vmin.f32 v13, v28;
	v7 =	vmax.f32 v7, v60  }
0x16e: {  	v4 =	vmin.f32 v4, v9;
	v7 =	vmax.f32 v7, v37;
	v9 =	vmin.f32 v15, v27;
	v15 =	vld [tilespmem:$0x1FCB0]  }
0x16f: {  	vm0 =	veq.f32 v8, $+Inf;
	v13 =	vld [tilespmem:$0x1FCD0];
	v7 =	vmax.f32 v7, v40  }
0x170: {  	v4 =	vsel vm0, $0x0, v4;
	vm0 =	veq.f32 v26, v7;
	v26 =	vld [tilespmem:$0x1FCF0];
	_ =	sdelay $0x2  }
0x171: {  	v9 =	vmin.f32 v9, v15  }
0x172: {  	v33 =	vmin.f32 v9, v13  }
0x173: {  	vm1 =	veq.f32 v8, v51;
	v8 =	vmin.f32 v33, v26;
	v33 =	vld [tilespmem:$0x1FDF0];
	_ =	sdelay $0x4  }
0x174: {  	vm2 =	veq.f32 v12, v7;
	v12 =	vld [tilespmem:$0x1FD60];
	v8 =	vmin.f32 v8, v33  }
0x175: {  	v4 =	vnsel vm1, $0x44800000, v4;
	vm1 =	veq.f32 v31, v8;
	v31 =	vld [tilespmem:$0x1FD80];
	_ =	sdelay $0x3  }
0x176: {  	v9 =	vmin.f32 v12, $1.024000000e+03;
	v12 =	vld [tilespmem:$0x1FC40]  }
0x177: {  	v50 =	vmax.f32 v50, v11;
	v11 =	vnsel vm0, $0x44800000, v31;
	v31 =	vld [tilespmem:$0x1FC60]  }
0x178: {  	vm0 =	veq.f32 v32, v8;
	v32 =	vld [tilespmem:$0x1FD90]  }
0x179: {  	v9 =	vnsel vm2, $0x44800000, v9;
	vm2 =	veq.f32 v55, v7;
	v55 =	vld [tilespmem:$0x1FC80];
	_ =	sdelay $0x1  }
0x17a: {  	(xrf0) =	vmin.scan.msk.f32 $0xffff, v4;
	v4 =	vmin.f32 v9, v11;
	v9 =	vmin.f32 v12, $1.024000000e+03  }
0x17b: {  	v9 =	vnsel vm1, $0x44800000, v9;
	v11 =	vnsel vm0, $0x44800000, v31  }
0x17c: {  	vm0 =	veq.f32 v28, v8;
	v9 =	vmin.f32 v9, v11;
	v11 =	vnsel vm2, $0x44800000, v32  }
0x17d: {  	v4 =	vmin.f32 v4, v11;
	v11 =	vnsel vm0, $0x44800000, v55;
	vm0 =	veq.f32 v56, v7;
	v56 =	vld [tilespmem:$0x1FDA0];
	_ =	sdelay $0x2  }
0x17e: {  	(xrf0) =	vmax.scan.msk.f32 $0xffff, v7  }
0x17f: {  	vm1 =	veq.f32 v53, v7  }
0x180: {  	v9 =	vmin.f32 v9, v11;
	v11 =	vnsel vm1, $0x44800000, v56;
	vm1 =	veq.f32 v60, v7;
	v60 =	vld [tilespmem:$0x1FDB0]  }
0x181: {  	v12 =	vld [tilespmem:$0x1FDC0]  }
0x182: {  	v28 =	vld [tilespmem:$0x1FDD0]  }
0x183: {  	v53, _, _ =	vpop (xrf0);
	v32 =	vld [tilespmem:$0x1FD20]  }
0x184: {  	v31, _, _ =	vpop (xrf0)  }
0x185: {  	v55 =	vbroadcast v31, $0xF;
	v4 =	vmin.f32 v4, v11;
	v11 =	vnsel vm0, $0x44800000, v60  }
0x186: {  	vm0 =	veq.f32 v37, v7;
	v60 =	vld [tilespmem:$0x1FCA0];
	v4 =	vmin.f32 v4, v11;
	v11 =	vnsel vm1, $0x44800000, v12  }
0x187: {  	vm1 =	veq.f32 v40, v7;
	v4 =	vmin.f32 v4, v11;
	v11 =	vnsel vm0, $0x44800000, v28  }
0x188: {  	v4 =	vmin.f32 v4, v11;
	v11 =	vnsel vm1, $0x44800000, v32  }
0x189: {  	vm2 =	veq.f32 v7, v55;
	vm0 =	veq.f32 v7, $-Inf;
	v4 =	vmin.f32 v4, v11  }
0x18a: {  	v40 =	vadd.f32 s0, v0;
	vm1 =	veq.f32 v27, v8;
	v4 =	vsel vm0, $0x0, v4  }
0x18b: {  	v7 =	vnsel vm1, $0x44800000, v60;
	vm0 =	veq.f32 v15, v8;
	v15 =	vadd.f32 s31, v0  }
0x18c: {  	v7 =	vmin.f32 v9, v7;
	v9 =	vld [tilespmem:$0x1FCC0]  }
0x18d: {  	v11 =	vsel vm14, v40, v25;
	v25 =	vsel vm13, v15, v22;
	v22 =	vld [tilespmem:$0x1FCE0]  }
0x18e: {  	v56 =	vsel vm15, v40, v23;
	v23 =	vld [tilespmem:$0x1FD10];
	_ =	sdelay $0x1  }
0x18f: {  	v37 =	vld [tilespmem:s22+$0x20];
	v4 =	vnsel vm2, $0x44800000, v4  }
0x190: {  	(xrf0) =	vmin.scan.msk.f32 $0xffff, v4;
	v4 =	vnsel vm0, $0x44800000, v9;
	vm0 =	veq.f32 v13, v8  }
0x191: {  	vm15 =	veq.f32 v26, v8;
	v32 =	vld [tilespmem:$0x1FA60];
	v4 =	vmin.f32 v7, v4;
	v7 =	vnsel vm0, $0x44800000, v22  }
0x192: {  	v4 =	vmin.f32 v4, v7;
	v7 =	vnsel vm15, $0x44800000, v23;
	vm15 =	veq.f32 v33, v8;
	v33 =	vld [tilespmem:$0x1FA70]  }
0x193: {  	v26 =	vld [tilespmem:$0x1FC30]  }
0x194: {  	vm14 =	vgt.f32 v37, v38;
	v38 =	vmax.f32 v38, v37;
	v37 =	vld [tilespmem:$0x1FA80]  }
0x195: {  	v9 =	vsel vm12, v15, v24;
	v15 =	vld [tilespmem:$0x1FAB0]  }
0x196: {  	v31 =	vld [tilespmem:$0x1FAD0]  }
0x197: {  	(xrf0) =	vmin.scan.msk.f32 $0xffff, v8;
	v24 =	vmax.f32 v32, v33  }
0x198: {  	v4 =	vmin.f32 v4, v7;
	v12 =	vnsel vm15, $0x44800000, v26;
	v26 =	vld [tilespmem:$0x1FAF0];
	v7 =	vmax.f32 v24, v48  }
0x199: {  	v7 =	vmax.f32 v7, v57  }
0x19a: {  	v28 =	vld [tilespmem:$0x1FB50];
	v27 =	vmin.f32 v37, v15;
	v7 =	vmax.f32 v7, v58  }
0x19b: {  	v40 =	vmin.f32 v27, v31;
	v27 =	vld [tilespmem:$0x1FB10];
	v7 =	vmax.f32 v7, v59  }
0x19c: {  	v23, _, _ =	vpop (xrf0);
	v24 =	vld [tilespmem:$0x1FB30];
	v7 =	vmax.f32 v7, v62  }
0x19d: {  	v60, _, _ =	vpop (xrf0);
	v4 =	vmin.f32 v4, v12;
	v12 =	vmin.f32 v40, v26;
	v40 =	vld [tilespmem:$0x1FB80];
	v7 =	vmax.f32 v7, v10  }
0x19e: {  	vm12 =	veq.f32 v8, $+Inf;
	v22 =	vbroadcast v60, $0xF;
	vm0 =	veq.f32 v32, v7;
	v32 =	vld [tilespmem:$0x1FBF0]  }
0x19f: {  	v4 =	vsel vm12, $0x0, v4;
	vm12 =	veq.f32 v48, v7;
	v48 =	vld [tilespmem:$0x1FB90]  }
0x1a0: {  	vm13 =	veq.f32 v8, v22;
	vm15 =	veq.f32 v57, v7;
	v57 =	vld [tilespmem:$0x1FBA0]  }
0x1a1: {  	v4 =	vnsel vm13, $0x44800000, v4;
	v12 =	vmin.f32 v12, v27;
	vm13 =	veq.f32 v58, v7;
	v58 =	vld [tilespmem:$0x1FBB0]  }
0x1a2: {  	v60 =	vld [tilespmem:$0x1FBC0];
	v13 =	vmin.f32 v12, v24  }
0x1a3: {  	(xrf0) =	vmin.scan.msk.f32 $0xffff, v4;
	v4 =	vmin.f32 v40, $1.024000000e+03;
	v8 =	vmin.f32 v13, v28;
	vm2 =	veq.f32 v33, v7  }
0x1a4: {  	v33 =	vld [tilespmem:$0x1FBE0];
	v4 =	vnsel vm0, $0x44800000, v4;
	v12 =	vmin.f32 v8, v32;
	v8 =	vnsel vm2, $0x44800000, v48  }
0x1a5: {  	v13 =	vld [tilespmem:$0x1FBD0];
	v4 =	vmin.f32 v4, v8;
	v8 =	vnsel vm12, $0x44800000, v57  }
0x1a6: {  	v2 =	vmax.f32 v47, v2;
	v40 =	vld [tilespmem:$0x1FB70];
	(xrf0) =	vmax.scan.msk.f32 $0xffff, v7;
	v4 =	vmin.f32 v4, v8;
	v8 =	vnsel vm15, $0x44800000, v58  }
0x1a7: {  	v11 =	vmin.f32 v11, $1.024000000e+03;
	v57 =	vld [tilespmem:$0x1FAA0];
	v4 =	vmin.f32 v4, v8;
	v8 =	vnsel vm13, $0x44800000, v60  }
0x1a8: {  	vm1 =	veq.f32 v37, v12;
	vm12 =	veq.f32 v62, v7;
	v4 =	vmin.f32 v4, v8  }
0x1a9: {  	v62 =	vadd.f32 s29, v0;
	vm15 =	veq.f32 v59, v7;
	v37 =	vnsel vm12, $0x44800000, v33;
	v60 =	vld [tilespmem:$0x1FAC0]  }
0x1aa: {  	vm12 =	veq.f32 v7, $-Inf;
	vm13 =	veq.f32 v10, v7;
	v8 =	vnsel vm15, $0x44800000, v13  }
0x1ab: {  	vm15 =	veq.f32 v15, v12;
	v10 =	vnsel vm13, $0x44800000, v40;
	v8 =	vmin.f32 v4, v8;
	v4, _, _ =	vpop (xrf0)  }
0x1ac: {  	v8 =	vmin.f32 v8, v37;
	v58 =	vmin.f32 v57, $1.024000000e+03;
	v37 =	vadd.f32 s23, v0;
	v48, _, _ =	vpop (xrf0)  }
0x1ad: {  	v33 =	vld [tilespmem:$0x1FAE0];
	v57 =	vmax.f32 v42, v43;
	v10 =	vmin.f32 v8, v10;
	v8 =	vbroadcast v48, $0xF  }
0x1ae: {  	s6 =	scvt.s32.f32 s21;
	s21 =	sadd.s32 $0xFFFFFFF0, s19;
	v59 =	vnsel vm1, $0x44800000, v58;
	v15 =	vnsel vm15, $0x44800000, v60;
	v10 =	vsel vm12, $0x0, v10  }
0x1af: {  	s20 =	scvt.s32.f32 s20;
	s2 =	scvt.s32.f32 s21;
	v40 =	vld [tilespmem:$0x1FB00];
	vm15 =	veq.f32 v31, v12;
	vm12 =	veq.f32 v26, v12;
	vm13 =	veq.f32 v7, v8  }
0x1b0: {  	v16 =	vsel vm7, v37, v16;
	vm7 =	veq.f32 v28, v12;
	v48 =	vld [tilespmem:$0x1FB20];
	v10 =	vnsel vm13, $0x44800000, v10  }
0x1b1: {  	v58 =	vld [tilespmem:$0x1FB40];
	v28 =	vadd.f32 s20, v0;
	v31 =	vadd.f32 s2, v0;
	v13 =	vmin.f32 v59, v15;
	(xrf0) =	vmin.scan.msk.f32 $0xffff, v10  }
0x1b2: {  	v15 =	vsel vm8, v62, v17;
	v17 =	vnsel vm15, $0x44800000, v33;
	vm15 =	veq.f32 v24, v12;
	v59 =	vld [tilespmem:$0x1FB60];
	(xrf0) =	vmin.scan.msk.f32 $0xffff, v12  }
0x1b3: {  	vm8 =	veq.f32 v32, v12;
	v13 =	vmin.f32 v13, v17;
	v7 =	vsel vm9, v62, v20;
	v62 =	vld [tilespmem:$0x1FA90]  }
0x1b4: {  	v17 =	vnsel vm12, $0x44800000, v40;
	v32 =	vsel vm11, v28, v45;
	vm13 =	veq.f32 v27, v12  }
0x1b5: {  	v13 =	vmin.f32 v13, v17;
	v10 =	vsel vm10, v37, v19;
	v17 =	vnsel vm13, $0x44800000, v48  }
0x1b6: {  	v19 =	vnsel vm15, $0x44800000, v58;
	v13 =	vmin.f32 v13, v17;
	v17 =	vmax.f32 v57, v1  }
0x1b7: {  	v33 =	vsel vm14, v31, v46;
	v13 =	vmin.f32 v13, v19;
	v17 =	vmax.f32 v17, v50;
	v20, _, _ =	vpop (xrf0)  }
0x1b8: {  	v19 =	vnsel vm7, $0x44800000, v59;
	v24 =	vnsel vm8, $0x44800000, v62;
	v17 =	vmax.f32 v17, v49;
	v60, _, _ =	vpop (xrf0)  }
0x1b9: {  	v13 =	vmin.f32 v13, v19;
	v17 =	vmax.f32 v17, v54;
	v19 =	vbroadcast v60, $0xF  }
0x1ba: {  	vm9 =	veq.f32 v12, $+Inf;
	v13 =	vmin.f32 v13, v24;
	v17 =	vmax.f32 v17, v38  }
0x1bb: {  	v13 =	vsel vm9, $0x0, v13;
	v24 =	vmax.f32 v17, v2;
	vm10 =	veq.f32 v12, v19  }
0x1bc: {  	vm12 =	veq.f32 v42, v24;
	vm13 =	veq.f32 v43, v24;
	v13 =	vnsel vm10, $0x44800000, v13  }
0x1bd: {  	vm15 =	veq.f32 v1, v24;
	v1 =	vadd.f32 s6, v0;
	vm7 =	veq.f32 v50, v24;
	(xrf0) =	vmin.scan.msk.f32 $0xffff, v13  }
0x1be: {  	vm8 =	veq.f32 v49, v24;
	vm9 =	veq.f32 v54, v24;
	vm11 =	veq.f32 v2, v24;
	(xrf0) =	vmax.scan.msk.f32 $0xffff, v24  }
0x1bf: {  	v11 =	vnsel vm12, $0x44800000, v11;
	v9 =	vnsel vm13, $0x44800000, v9;
	v7 =	vnsel vm15, $0x44800000, v7  }
0x1c0: {  	v27 =	vnsel vm7, $0x44800000, v10;
	v42 =	vnsel vm11, $0x44800000, v41;
	v9 =	vmin.f32 v11, v9  }
0x1c1: {  	v26 =	vsel vm5, v1, v63;
	v1 =	vsel vm6, v1, v61;
	v7 =	vmin.f32 v9, v7  }
0x1c2: {  	v1 =	vnsel vm8, $0x44800000, v1;
	vm10 =	veq.f32 v38, v24;
	v7 =	vmin.f32 v7, v27  }
0x1c3: {  	v38 =	vmin.f32 v18, v35;
	v1 =	vmin.f32 v7, v1;
	v7 =	vnsel vm9, $0x44800000, v32;
	v37, _, _ =	vpop (xrf0)  }
0x1c4: {  	v13 =	vnsel vm10, $0x44800000, v33;
	v40 =	vmin.f32 v38, v30;
	v1 =	vmin.f32 v1, v7;
	v2, _, _ =	vpop (xrf0)  }
0x1c5: {  	v1 =	vmin.f32 v1, v13;
	v13 =	vmin.f32 v40, v14;
	v2 =	vbroadcast v2, $0xF  }
0x1c6: {  	vm12 =	veq.f32 v24, $-Inf;
	v1 =	vmin.f32 v1, v42;
	v13 =	vmin.f32 v13, v5  }
0x1c7: {  	v1 =	vsel vm12, $0x0, v1;
	v43 =	vmin.f32 v13, v3;
	vm13 =	veq.f32 v24, v2  }
0x1c8: {  	v45 =	vmin.f32 v44, v21;
	v12 =	vmin.f32 v43, v6;
	v1 =	vnsel vm13, $0x44800000, v1  }
0x1c9: {  	v46 =	vmin.f32 v56, $1.024000000e+03;
	v10 =	vsel vm3, v28, v34;
	(xrf0) =	vmin.scan.msk.f32 $0xffff, v1;
	v1 =	vmin.f32 v12, v45  }
0x1ca: {  	v9 =	vsel vm4, v31, v36;
	vm14 =	veq.f32 v18, v1;
	vm15 =	veq.f32 v35, v1;
	(xrf0) =	vmin.scan.msk.f32 $0xffff, v1  }
0x1cb: {  	vm4 =	veq.f32 v30, v1;
	v12 =	vnsel vm14, $0x44800000, v46;
	v47 =	vnsel vm15, $0x44800000, v25  }
0x1cc: {  	vm5 =	veq.f32 v14, v1;
	v48 =	vnsel vm4, $0x44800000, v15;
	v12 =	vmin.f32 v12, v47  }
0x1cd: {  	vm6 =	veq.f32 v5, v1;
	v49 =	vnsel vm5, $0x44800000, v16;
	v12 =	vmin.f32 v12, v48  }
0x1ce: {  	vm7 =	veq.f32 v3, v1;
	v3 =	vnsel vm6, $0x44800000, v26;
	v5 =	vmin.f32 v12, v49  }
0x1cf: {  	vm8 =	veq.f32 v6, v1;
	v50 =	vnsel vm7, $0x44800000, v10;
	v3 =	vmin.f32 v5, v3;
	v54, _, _ =	vpop (xrf0)  }
0x1d0: {  	vm9 =	veq.f32 v45, v1;
	v56 =	vnsel vm8, $0x44800000, v9;
	v3 =	vmin.f32 v3, v50;
	v57, _, _ =	vpop (xrf0)  }
0x1d1: {  	v58 =	vnsel vm9, $0x44800000, v29;
	v3 =	vmin.f32 v3, v56;
	v9 =	vbroadcast v57, $0xF  }
0x1d2: {  	vm10 =	veq.f32 v1, $+Inf;
	v3 =	vmin.f32 v3, v58  }
0x1d3: {  	vm11 =	veq.f32 v1, v9;
	v1 =	vsel vm10, $0x0, v3  }
0x1d4: {  	v4 =	vbroadcast v4, $0xF;
	v1 =	vnsel vm11, $0x44800000, v1  }
0x1d5: {  	v59 =	vbroadcast v23, $0xF;
	v62 =	vbroadcast v20, $0xF;
	vm12 =	vmmov $0x1;
	(xrf0) =	vmin.scan.msk.f32 $0xffff, v1  }
0x1d6: {  	v60 =	vbroadcast v53, $0xF;
	vm13 =	vcmask $0x310;
	v3 =	vnsel vm12, $0x0, v39  }
0x1d7: {  	v61 =	vnsel vm12, $0x0, v51;
	vm14 =	vcmask $0x710;
	v3 =	vsel vm13, v3, v55  }
0x1d8: {  	v10 =	vnsel vm12, $0x0, v60;
	v1 =	vbroadcast v52, $0xF;
	v3 =	vsel vm14, v3, v8  }
0x1d9: {  	v7 =	vbroadcast v37, $0xF;
	vm15 =	vcmask $0xB10;
	v4 =	vsel vm13, v10, v4  }
0x1da: {  	v5 =	vsel vm13, v61, v22;
	v6 =	vbroadcast v54, $0xF;
	v1 =	vnsel vm12, $0x0, v1  }
0x1db: {  	v5 =	vsel vm14, v5, v19;
	v2 =	vsel vm15, v3, v2;
	v1 =	vsel vm13, v1, v59;
	v3, _, _ =	vpop (xrf0)  }
0x1dc: {  	v63 =	vsel vm15, v5, v9;
	[tilespmem:$0x2000] =	vst v2;
	v1 =	vsel vm14, v1, v62;
	v2 =	vbroadcast v3, $0xF  }
0x1dd: {  	[tilespmem:$0x2080] =	vst v63;
	v1 =	vsel vm15, v1, v6;
	v3 =	vsel vm14, v4, v7  }
0x1de: {  	[tilespmem:$0x2100] =	vst v1;
	v1 =	vsel vm15, v3, v2  }
0x1df: {  	s22 =	simm.s32 $0x2000;
	[tilespmem:$0x2180] =	vst v1  }
0x1e0: {  	[hbm4b:s11+s1] =	stream.linear.scatter [tilespmem:s22], [sflag:$0x5], $0x80, $0x38;
	[tilespmem:$0x2200] =	vst v63  }
0x1e1: {  	_ =	swait.ge [sflag:s30], $0x80  }
0x1e2: {  	[sflag:s30] =	ssyncset.done $0x0  }
0x1e3: {  	s23 =	simm.s32 $0x2080;
	[sflag:s30] =	ssyncadd.s32 $0xFFFFFF80  }
0x1e4: {  	[hbm4b:s12+s1] =	stream.linear.scatter [tilespmem:s23], [sflag:$0x5], $0x80, $0x38;
	[tilespmem:$0x2200] =	vst v63  }
0x1e5: {  	_ =	swait.ge [sflag:s30], $0x80  }
0x1e6: {  	[sflag:s30] =	ssyncset.done $0x0  }
0x1e7: {  	s29 =	simm.s32 $0x2100;
	[sflag:s30] =	ssyncadd.s32 $0xFFFFFF80  }
0x1e8: {  	[hbm4b:s13+s1] =	stream.linear.scatter [tilespmem:s29], [sflag:$0x5], $0x80, $0x38;
	[tilespmem:$0x2200] =	vst v63  }
0x1e9: {  	s18 =	sadd.s32 $0x1, s18;
	_ =	swait.ge [sflag:s30], $0x80  }
0x1ea: {  	p0 =	sne.s32 s18, s15;
	[sflag:s30] =	ssyncset.done $0x0  }
.Ltmp4:
0x1eb: {  	s31 =	simm.s32 $0x2180;
	[sflag:s30] =	ssyncadd.s32 $0xFFFFFF80;
	(pc) =	sbr.rel @p0 .LBB2_1-.Ltmp4, $4  }
0x1ec: {  	[hbm4b:s14+s1] =	stream.linear.scatter [tilespmem:s31], [sflag:$0x5], $0x80, $0x38;
	[tilespmem:$0x2200] =	vst v63  }
0x1ed: {  	_ =	swait.ge [sflag:s30], $0x80  }
0x1ee: {  	[sflag:s30] =	ssyncset.done $0x0  }
0x1ef: {  	[sflag:s30] =	ssyncadd.s32 $0xFFFFFF80  }
0x1f0: {  	_ =	sfence.sel $0x180000  }
0x1f1: {  	[bflag:$0x0] =	sbarrier.arrive $0xFFFF  }
0x1f2: {  	_ =	strace $0x90000047  }
0x1f3: {  	s0 =	stileid.u32;
	[bflag:$0x2] =	sbarrier.arrive $0xFFFF  }
0x1f4: {  	p0 =	sne.s32 s0, $0x0;
	s0 =	rddreg [dreg:$0x2]  }
0x1f5: {  	s0 =	sadd.s32 @!p0 $0x100000, s0  }
0x1f6: {  	[sflag:s0] =	ssyncadd.tile.s32 @!p0 $0x1;
	_ =	shalt  }
.Lfunc_end2:
_tile_overlayer_lowered:
.L_overlay_start_2:
0x1f7: {  	(tag) =	ssettag $0x2  }
0x1f8: {  	s0 =	rddreg [dreg:$0x0];
	s2 =	stileid.u32  }
0x1f9: {  	s1 =	rddreg [dreg:$0x1];
	p0 =	sne.s32 s2, $0x0  }
0x1fa: {  	s3 =	rddreg [dreg:$0x2];
	[bflag:$0x3] =	sbarrier.arrive $0xFFFF;
	s2 =	simm.s32 @!p0 $0x1C05  }
0x1fb: {  	[timem:s3], [sflag:s2] =	dma.local @!p0 [hbm:s0], s1  }
0x1fc: {  	s0 =	simm.s32 @!p0 $0x5  }
0x1fd: {  	_ =	swait.ge @!p0 [sflag:s0], s1  }
0x1fe: {  	s1 =	ssub.s32 @!p0 $0x0, s1;
	[sflag:s0] =	ssyncset.done @!p0 $0x0  }
0x1ff: {  	[sflag:s0] =	ssyncadd.s32 @!p0 s1  }
0x200: {  	[bflag:$0x3] =	sbarrier.arrive $0xFFFF  }
0x201: {  	_ =	shalt  }

</sc_bundles>
